<compile_context>
chip_gen: v7x
topology: tpu7x:2x2x1
jax: 0.10.2.dev20260603
libtpu: 0.0.44.dev20260713+nightly
codegen_flags: <defaults>
</compile_context>

<pallas_src>
import functools

import jax
import jax.numpy as jnp
from jax import lax
from jax.experimental import pallas as pl
from jax.experimental.pallas import tpu as pltpu
from jax.experimental.pallas import tpu_sc as plsc

B = 4096
D = 64
HID = 128
POSTER_DIM = 2048

_NC, _NS = 2, 16
NW = _NC * _NS
BPW = B // NW
L = 16


@functools.cache
def _make_gather():
    mesh = plsc.VectorSubcoreMesh(
        core_axis_name="c", subcore_axis_name="s", num_cores=_NC)

    @functools.partial(
        pl.kernel,
        mesh=mesh,
        out_type=jax.ShapeDtypeStruct((B, D), jnp.float32),
        scratch_types=[
            pltpu.VMEM((BPW,), jnp.int32),
            pltpu.VMEM((BPW, D), jnp.float32),
            pltpu.SemaphoreType.DMA,
        ],
    )
    def _gather(idx_hbm, table_hbm, out_hbm, idx_v, rows_v, sem):
        wid = lax.axis_index("s") * _NC + lax.axis_index("c")
        base = wid * BPW
        pltpu.sync_copy(idx_hbm.at[pl.ds(base, BPW)], idx_v)

        def group_body(g, _):
            j0 = g * L
            grp = idx_v[pl.ds(j0, L)]
            for k in range(L):
                pltpu.async_copy(
                    table_hbm.at[grp[k]], rows_v.at[j0 + k], sem)

            def drain(k, _):
                pltpu.make_async_copy(
                    table_hbm.at[0], rows_v.at[0], sem).wait()
                return 0

            lax.fori_loop(0, L, drain, 0)
            return 0

        lax.fori_loop(0, BPW // L, group_body, 0)
        pltpu.sync_copy(rows_v, out_hbm.at[pl.ds(base, BPW)])

    return _gather


BB = 512


def _mlp_body(poster_ref, w1_ref, b1_ref, w2_ref, b2_ref, wo_ref, bo_ref,
              umf_ref, imf_ref, uv_ref, out_ref):
    h = jnp.dot(poster_ref[...], w1_ref[...],
                preferred_element_type=jnp.float32) + b1_ref[...]
    h = jnp.maximum(h, 0.0)
    iv = jnp.dot(h, w2_ref[...], preferred_element_type=jnp.float32) + b2_ref[...]
    vec = umf_ref[...] * imf_ref[...] + uv_ref[...] * iv
    logits = jnp.sum(vec * wo_ref[...], axis=1, keepdims=True) + bo_ref[...]
    out_ref[...] = jax.nn.sigmoid(logits)


def _mlp_combine(poster, w1, b1, w2, b2, wo_t, bo, umf, imf, uv):
    return pl.pallas_call(
        _mlp_body,
        grid=(B // BB,),
        in_specs=[
            pl.BlockSpec((BB, POSTER_DIM), lambda i: (i, 0)),
            pl.BlockSpec((POSTER_DIM, HID), lambda i: (0, 0)),
            pl.BlockSpec((1, HID), lambda i: (0, 0)),
            pl.BlockSpec((HID, D), lambda i: (0, 0)),
            pl.BlockSpec((1, D), lambda i: (0, 0)),
            pl.BlockSpec((1, D), lambda i: (0, 0)),
            pl.BlockSpec((1, 1), lambda i: (0, 0)),
            pl.BlockSpec((BB, D), lambda i: (i, 0)),
            pl.BlockSpec((BB, D), lambda i: (i, 0)),
            pl.BlockSpec((BB, D), lambda i: (i, 0)),
        ],
        out_specs=pl.BlockSpec((BB, 1), lambda i: (i, 0)),
        out_shape=jax.ShapeDtypeStruct((B, 1), jnp.float32),
    )(poster, w1, b1, w2, b2, wo_t, bo, umf, imf, uv)


def kernel(user_indices, item_indices, poster_embeddings, U_mf, I_mf, U_v,
           W1, b1, W2, b2, Wo, bo):
    ui = user_indices.astype(jnp.int32)
    ii = item_indices.astype(jnp.int32)
    gather = _make_gather()
    umf = gather(ui, U_mf)
    imf = gather(ii, I_mf)
    uv = gather(ui, U_v)
    rating = _mlp_combine(
        poster_embeddings, W1,
        b1.reshape(1, HID), W2, b2.reshape(1, D),
        Wo.reshape(1, D), bo.reshape(1, 1),
        umf, imf, uv)
    return rating

# --- scband reference (transcript-rebuilt; emitter-appended) ---
"""Pipeline reference for scband-vgmf-41085657153944 (READ-ONLY COPY).

The authoritative reference and input builder live on the scoring server;
editing this copy changes nothing except your own understanding.
"""

import jax, jax.numpy as jnp
import numpy as np

B = 4096
NU = 100000
NI = 100000
D = 64
POSTER_DIM = 2048
HID = 128

def setup_inputs(seed: int = 0) -> dict:
    key = jax.random.key(seed)
    ks = jax.random.split(key, 12)
    user_indices = jax.random.randint(ks[0], (B,), 0, NU)
    item_indices = jax.random.randint(ks[1], (B,), 0, NI)
    poster_embeddings = jax.random.normal(ks[2], (B, POSTER_DIM), dtype=jnp.float32)
    U_mf = jax.random.normal(ks[3], (NU, D), dtype=jnp.float32) * 0.01
    I_mf = jax.random.normal(ks[4], (NI, D), dtype=jnp.float32) * 0.01
    U_v = jax.random.normal(ks[5], (NU, D), dtype=jnp.float32) * 0.01
    W1 = jax.random.normal(ks[6], (POSTER_DIM, HID), dtype=jnp.float32) * 0.02
    b1 = jnp.zeros((HID,), dtype=jnp.float32)
    W2 = jax.random.normal(ks[7], (HID, D), dtype=jnp.float32) * 0.05
    b2 = jnp.zeros((D,), dtype=jnp.float32)
    Wo = jax.random.normal(ks[8], (D, 1), dtype=jnp.float32) * 0.1
    bo = jnp.zeros((1,), dtype=jnp.float32)
    return {"user_indices": user_indices, "item_indices": item_indices,
            "poster_embeddings": poster_embeddings,
            "U_mf": U_mf, "I_mf": I_mf, "U_v": U_v,
            "W1": W1, "b1": b1, "W2": W2, "b2": b2, "Wo": Wo, "bo": bo}

def reference(user_indices, item_indices, poster_embeddings, U_mf, I_mf, U_v, W1, b1, W2, b2, Wo, bo):
    user_embedding_mf = jnp.take(U_mf, user_indices, axis=0)
    item_embedding_mf = jnp.take(I_mf, item_indices, axis=0)
    user_embedding_v = jnp.take(U_v, user_indices, axis=0)
    h = poster_embeddings @ W1 + b1
    h = jnp.maximum(h, 0.0)
    item_embedding_v = h @ W2 + b2
    mf_vector = user_embedding_mf * item_embedding_mf
    v_vector = user_embedding_v * item_embedding_v
    vector = mf_vector + v_vector
    logits = vector @ Wo + bo
    rating = jax.nn.sigmoid(logits)
    return rating

if __name__ == "__main__":
    import jax
    _d = setup_inputs()
    print(jax.jit(kernel)(*tuple(_d.values())))

</pallas_src>

<mosaic_0001>
#map = affine_map<(d0, d1) -> (0)>
#map1 = affine_map<(d0, d1) -> (0, 0)>
module attributes {stable_mosaic.version = 14 : i64} {
  func.func @_gather(%arg0: i32, %arg1: i32, %arg2: memref<4096xi32, #tpu.memory_space<hbm>>, %arg3: memref<100000x64xf32, #tpu.memory_space<hbm>>, %arg4: memref<4096x64xf32, #tpu.memory_space<hbm>>, %arg5: memref<128xi32, #tpu.memory_space<vmem>>, %arg6: memref<128x64xf32, #tpu.memory_space<vmem>>, %arg7: memref<!tpu.dma_semaphore, #tpu.memory_space<semaphore_mem>>) attributes {dimension_semantics = [#tpu.dimension_semantics<core_parallel>, #tpu.dimension_semantics<subcore_parallel>], iteration_bounds = array<i64: 2, 16>, scalar_prefetch = 0 : i64, scratch_operands = 3 : i64, tpu.core_type = #tpu.core_type<sc_vector_subcore>, window_params = [{transform_indices = #map}, {transform_indices = #map1}, {transform_indices = #map1}]} {
    %mul3A = arith.constant 2 : i32
    %mul3A_0 = arith.muli %arg1, %mul3A : i32
    %add3A = arith.addi %mul3A_0, %arg0 : i32
    %mul3A_1 = arith.constant 128 : i32
    %mul3A_2 = arith.muli %add3A, %mul3A_1 : i32
    "tpu.region"() ({
      %run_scoped3A = tpu.sem_alloc : memref<!tpu.dma_semaphore, #tpu.memory_space<semaphore_mem>>
      %dma_start3A = tpu.memref_slice %arg2[%mul3A_2] : memref<4096xi32, #tpu.memory_space<hbm>> -> memref<128xi32, #tpu.memory_space<hbm>>
      %dma_start3A_9 = tpu.memref_slice %arg2[%mul3A_2] : memref<4096xi32, #tpu.memory_space<hbm>> -> memref<128xi32, #tpu.memory_space<hbm>>
      tpu.enqueue_dma source(%dma_start3A_9 : memref<128xi32, #tpu.memory_space<hbm>>) target(%arg5 : memref<128xi32, #tpu.memory_space<vmem>>) target_semaphore(%run_scoped3A : memref<!tpu.dma_semaphore, #tpu.memory_space<semaphore_mem>>)
      %dma_wait3A = tpu.memref_slice %arg2[%mul3A_2] : memref<4096xi32, #tpu.memory_space<hbm>> -> memref<128xi32, #tpu.memory_space<hbm>>
      %dma_wait3A_10 = tpu.memref_slice %arg2[%mul3A_2] : memref<4096xi32, #tpu.memory_space<hbm>> -> memref<128xi32, #tpu.memory_space<hbm>>
      tpu.wait_dma2 semaphore(%run_scoped3A : memref<!tpu.dma_semaphore, #tpu.memory_space<semaphore_mem>>) src(%dma_wait3A_10 : memref<128xi32, #tpu.memory_space<hbm>>) dst(%arg5 : memref<128xi32, #tpu.memory_space<vmem>>)
      tpu.yield
    }) : () -> ()
    %scan3A = arith.constant 0 : i32
    %scan3A_3 = arith.constant 0 : i32
    %scan3A_4 = arith.constant 8 : i32
    %scan3A_5 = arith.addi %scan3A_3, %scan3A_4 : i32
    %scan3A_6 = arith.constant 1 : i32
    %scan3A_7 = scf.for %scan3A_9 = %scan3A_3 to %scan3A_5 step %scan3A_6 iter_args(%scan3A_10 = %scan3A) -> (i32)  : i32 {
      %mul3A_11 = arith.constant 16 : i32
      %mul3A_12 = arith.muli %scan3A_9, %mul3A_11 : i32
      %get3A = arith.index_cast %mul3A_12 : i32 to index
      %get3A_13 = tpu.vector_load %arg5[%get3A] {strides = array<i32>} : memref<128xi32, #tpu.memory_space<vmem>>, vector<16xi32>,
      %get3A_14 = vector.shape_cast %get3A_13 : vector<16xi32> to vector<16xi32>
      %slice3A = vector.extract_strided_slice %get3A_14 {offsets = [0], sizes = [1], strides = [1]} : vector<16xi32> to vector<1xi32>
      %squeeze3A = vector.extract %slice3A[0] : i32 from vector<1xi32>
      %add3A_15 = arith.constant 0 : i32
      %add3A_16 = arith.addi %mul3A_12, %add3A_15 : i32
      %dma_start3A = arith.constant 0 : i32
      %dma_start3A_17 = tpu.memref_slice %arg6[%add3A_16, %dma_start3A] : memref<128x64xf32, #tpu.memory_space<vmem>> -> memref<1x64xf32, #tpu.memory_space<vmem>>
      %dma_start3A_18 = tpu.memref_squeeze %dma_start3A_17 : memref<1x64xf32, #tpu.memory_space<vmem>> -> memref<64xf32, #tpu.memory_space<vmem>>
      %dma_start3A_19 = arith.constant 0 : i32
      %dma_start3A_20 = tpu.memref_slice %arg3[%squeeze3A, %dma_start3A_19] : memref<100000x64xf32, #tpu.memory_space<hbm>> -> memref<1x64xf32, #tpu.memory_space<hbm>>
      %dma_start3A_21 = tpu.memref_squeeze %dma_start3A_20 : memref<1x64xf32, #tpu.memory_space<hbm>> -> memref<64xf32, #tpu.memory_space<hbm>>
      %dma_start3A_22 = arith.constant 0 : i32
      %dma_start3A_23 = tpu.memref_slice %arg6[%add3A_16, %dma_start3A_22] : memref<128x64xf32, #tpu.memory_space<vmem>> -> memref<1x64xf32, #tpu.memory_space<vmem>>
      %dma_start3A_24 = tpu.memref_squeeze %dma_start3A_23 : memref<1x64xf32, #tpu.memory_space<vmem>> -> memref<64xf32, #tpu.memory_space<vmem>>
      %dma_start3A_25 = arith.constant 0 : i32
      %dma_start3A_26 = tpu.memref_slice %arg3[%squeeze3A, %dma_start3A_25] : memref<100000x64xf32, #tpu.memory_space<hbm>> -> memref<1x64xf32, #tpu.memory_space<hbm>>
      %dma_start3A_27 = tpu.memref_squeeze %dma_start3A_26 : memref<1x64xf32, #tpu.memory_space<hbm>> -> memref<64xf32, #tpu.memory_space<hbm>>
      tpu.enqueue_dma source(%dma_start3A_27 : memref<64xf32, #tpu.memory_space<hbm>>) target(%dma_start3A_24 : memref<64xf32, #tpu.memory_space<vmem>>) target_semaphore(%arg7 : memref<!tpu.dma_semaphore, #tpu.memory_space<semaphore_mem>>)
      %slice3A_28 = vector.extract_strided_slice %get3A_14 {offsets = [1], sizes = [1], strides = [1]} : vector<16xi32> to vector<1xi32>
      %squeeze3A_29 = vector.extract %slice3A_28[0] : i32 from vector<1xi32>
      %add3A_30 = arith.constant 1 : i32
      %add3A_31 = arith.addi %mul3A_12, %add3A_30 : i32
      %dma_start3A_32 = arith.constant 0 : i32
      %dma_start3A_33 = tpu.memref_slice %arg6[%add3A_31, %dma_start3A_32] : memref<128x64xf32, #tpu.memory_space<vmem>> -> memref<1x64xf32, #tpu.memory_space<vmem>>
      %dma_start3A_34 = tpu.memref_squeeze %dma_start3A_33 : memref<1x64xf32, #tpu.memory_space<vmem>> -> memref<64xf32, #tpu.memory_space<vmem>>
      %dma_start3A_35 = arith.constant 0 : i32
      %dma_start3A_36 = tpu.memref_slice %arg3[%squeeze3A_29, %dma_start3A_35] : memref<100000x64xf32, #tpu.memory_space<hbm>> -> memref<1x64xf32, #tpu.memory_space<hbm>>
      %dma_start3A_37 = tpu.memref_squeeze %dma_start3A_36 : memref<1x64xf32, #tpu.memory_space<hbm>> -> memref<64xf32, #tpu.memory_space<hbm>>
      %dma_start3A_38 = arith.constant 0 : i32
      %dma_start3A_39 = tpu.memref_slice %arg6[%add3A_31, %dma_start3A_38] : memref<128x64xf32, #tpu.memory_space<vmem>> -> memref<1x64xf32, #tpu.memory_space<vmem>>
      %dma_start3A_40 = tpu.memref_squeeze %dma_start3A_39 : memref<1x64xf32, #tpu.memory_space<vmem>> -> memref<64xf32, #tpu.memory_space<vmem>>
      %dma_start3A_41 = arith.constant 0 : i32
      %dma_start3A_42 = tpu.memref_slice %arg3[%squeeze3A_29, %dma_start3A_41] : memref<100000x64xf32, #tpu.memory_space<hbm>> -> memref<1x64xf32, #tpu.memory_space<hbm>>
      %dma_start3A_43 = tpu.memref_squeeze %dma_start3A_42 : memref<1x64xf32, #tpu.memory_space<hbm>> -> memref<64xf32, #tpu.memory_space<hbm>>
      tpu.enqueue_dma source(%dma_start3A_43 : memref<64xf32, #tpu.memory_space<hbm>>) target(%dma_start3A_40 : memref<64xf32, #tpu.memory_space<vmem>>) target_semaphore(%arg7 : memref<!tpu.dma_semaphore, #tpu.memory_space<semaphore_mem>>)
      %slice3A_44 = vector.extract_strided_slice %get3A_14 {offsets = [2], sizes = [1], strides = [1]} : vector<16xi32> to vector<1xi32>
      %squeeze3A_45 = vector.extract %slice3A_44[0] : i32 from vector<1xi32>
      %add3A_46 = arith.constant 2 : i32
      %add3A_47 = arith.addi %mul3A_12, %add3A_46 : i32
      %dma_start3A_48 = arith.constant 0 : i32
      %dma_start3A_49 = tpu.memref_slice %arg6[%add3A_47, %dma_start3A_48] : memref<128x64xf32, #tpu.memory_space<vmem>> -> memref<1x64xf32, #tpu.memory_space<vmem>>
      %dma_start3A_50 = tpu.memref_squeeze %dma_start3A_49 : memref<1x64xf32, #tpu.memory_space<vmem>> -> memref<64xf32, #tpu.memory_space<vmem>>
      %dma_start3A_51 = arith.constant 0 : i32
      %dma_start3A_52 = tpu.memref_slice %arg3[%squeeze3A_45, %dma_start3A_51] : memref<100000x64xf32, #tpu.memory_space<hbm>> -> memref<1x64xf32, #tpu.memory_space<hbm>>
      %dma_start3A_53 = tpu.memref_squeeze %dma_start3A_52 : memref<1x64xf32, #tpu.memory_space<hbm>> -> memref<64xf32, #tpu.memory_space<hbm>>
      %dma_start3A_54 = arith.constant 0 : i32
      %dma_start3A_55 = tpu.memref_slice %arg6[%add3A_47, %dma_start3A_54] : memref<128x64xf32, #tpu.memory_space<vmem>> -> memref<1x64xf32, #tpu.memory_space<vmem>>
      %dma_start3A_56 = tpu.memref_squeeze %dma_start3A_55 : memref<1x64xf32, #tpu.memory_space<vmem>> -> memref<64xf32, #tpu.memory_space<vmem>>
      %dma_start3A_57 = arith.constant 0 : i32
      %dma_start3A_58 = tpu.memref_slice %arg3[%squeeze3A_45, %dma_start3A_57] : memref<100000x64xf32, #tpu.memory_space<hbm>> -> memref<1x64xf32, #tpu.memory_space<hbm>>
      %dma_start3A_59 = tpu.memref_squeeze %dma_start3A_58 : memref<1x64xf32, #tpu.memory_space<hbm>> -> memref<64xf32, #tpu.memory_space<hbm>>
      tpu.enqueue_dma source(%dma_start3A_59 : memref<64xf32, #tpu.memory_space<hbm>>) target(%dma_start3A_56 : memref<64xf32, #tpu.memory_space<vmem>>) target_semaphore(%arg7 : memref<!tpu.dma_semaphore, #tpu.memory_space<semaphore_mem>>)
      %slice3A_60 = vector.extract_strided_slice %get3A_14 {offsets = [3], sizes = [1], strides = [1]} : vector<16xi32> to vector<1xi32>
      %squeeze3A_61 = vector.extract %slice3A_60[0] : i32 from vector<1xi32>
      %add3A_62 = arith.constant 3 : i32
      %add3A_63 = arith.addi %mul3A_12, %add3A_62 : i32
      %dma_start3A_64 = arith.constant 0 : i32
      %dma_start3A_65 = tpu.memref_slice %arg6[%add3A_63, %dma_start3A_64] : memref<128x64xf32, #tpu.memory_space<vmem>> -> memref<1x64xf32, #tpu.memory_space<vmem>>
      %dma_start3A_66 = tpu.memref_squeeze %dma_start3A_65 : memref<1x64xf32, #tpu.memory_space<vmem>> -> memref<64xf32, #tpu.memory_space<vmem>>
      %dma_start3A_67 = arith.constant 0 : i32
      %dma_start3A_68 = tpu.memref_slice %arg3[%squeeze3A_61, %dma_start3A_67] : memref<100000x64xf32, #tpu.memory_space<hbm>> -> memref<1x64xf32, #tpu.memory_space<hbm>>
      %dma_start3A_69 = tpu.memref_squeeze %dma_start3A_68 : memref<1x64xf32, #tpu.memory_space<hbm>> -> memref<64xf32, #tpu.memory_space<hbm>>
      %dma_start3A_70 = arith.constant 0 : i32
      %dma_start3A_71 = tpu.memref_slice %arg6[%add3A_63, %dma_start3A_70] : memref<128x64xf32, #tpu.memory_space<vmem>> -> memref<1x64xf32, #tpu.memory_space<vmem>>
      %dma_start3A_72 = tpu.memref_squeeze %dma_start3A_71 : memref<1x64xf32, #tpu.memory_space<vmem>> -> memref<64xf32, #tpu.memory_space<vmem>>
      %dma_start3A_73 = arith.constant 0 : i32
      %dma_start3A_74 = tpu.memref_slice %arg3[%squeeze3A_61, %dma_start3A_73] : memref<100000x64xf32, #tpu.memory_space<hbm>> -> memref<1x64xf32, #tpu.memory_space<hbm>>
      %dma_start3A_75 = tpu.memref_squeeze %dma_start3A_74 : memref<1x64xf32, #tpu.memory_space<hbm>> -> memref<64xf32, #tpu.memory_space<hbm>>
      tpu.enqueue_dma source(%dma_start3A_75 : memref<64xf32, #tpu.memory_space<hbm>>) target(%dma_start3A_72 : memref<64xf32, #tpu.memory_space<vmem>>) target_semaphore(%arg7 : memref<!tpu.dma_semaphore, #tpu.memory_space<semaphore_mem>>)
      %slice3A_76 = vector.extract_strided_slice %get3A_14 {offsets = [4], sizes = [1], strides = [1]} : vector<16xi32> to vector<1xi32>
      %squeeze3A_77 = vector.extract %slice3A_76[0] : i32 from vector<1xi32>
      %add3A_78 = arith.constant 4 : i32
      %add3A_79 = arith.addi %mul3A_12, %add3A_78 : i32
      %dma_start3A_80 = arith.constant 0 : i32
      %dma_start3A_81 = tpu.memref_slice %arg6[%add3A_79, %dma_start3A_80] : memref<128x64xf32, #tpu.memory_space<vmem>> -> memref<1x64xf32, #tpu.memory_space<vmem>>
      %dma_start3A_82 = tpu.memref_squeeze %dma_start3A_81 : memref<1x64xf32, #tpu.memory_space<vmem>> -> memref<64xf32, #tpu.memory_space<vmem>>
      %dma_start3A_83 = arith.constant 0 : i32
      %dma_start3A_84 = tpu.memref_slice %arg3[%squeeze3A_77, %dma_start3A_83] : memref<100000x64xf32, #tpu.memory_space<hbm>> -> memref<1x64xf32, #tpu.memory_space<hbm>>
      %dma_start3A_85 = tpu.memref_squeeze %dma_start3A_84 : memref<1x64xf32, #tpu.memory_space<hbm>> -> memref<64xf32, #tpu.memory_space<hbm>>
      %dma_start3A_86 = arith.constant 0 : i32
      %dma_start3A_87 = tpu.memref_slice %arg6[%add3A_79, %dma_start3A_86] : memref<128x64xf32, #tpu.memory_space<vmem>> -> memref<1x64xf32, #tpu.memory_space<vmem>>
      %dma_start3A_88 = tpu.memref_squeeze %dma_start3A_87 : memref<1x64xf32, #tpu.memory_space<vmem>> -> memref<64xf32, #tpu.memory_space<vmem>>
      %dma_start3A_89 = arith.constant 0 : i32
      %dma_start3A_90 = tpu.memref_slice %arg3[%squeeze3A_77, %dma_start3A_89] : memref<100000x64xf32, #tpu.memory_space<hbm>> -> memref<1x64xf32, #tpu.memory_space<hbm>>
      %dma_start3A_91 = tpu.memref_squeeze %dma_start3A_90 : memref<1x64xf32, #tpu.memory_space<hbm>> -> memref<64xf32, #tpu.memory_space<hbm>>
      tpu.enqueue_dma source(%dma_start3A_91 : memref<64xf32, #tpu.memory_space<hbm>>) target(%dma_start3A_88 : memref<64xf32, #tpu.memory_space<vmem>>) target_semaphore(%arg7 : memref<!tpu.dma_semaphore, #tpu.memory_space<semaphore_mem>>)
      %slice3A_92 = vector.extract_strided_slice %get3A_14 {offsets = [5], sizes = [1], strides = [1]} : vector<16xi32> to vector<1xi32>
      %squeeze3A_93 = vector.extract %slice3A_92[0] : i32 from vector<1xi32>
      %add3A_94 = arith.constant 5 : i32
      %add3A_95 = arith.addi %mul3A_12, %add3A_94 : i32
      %dma_start3A_96 = arith.constant 0 : i32
      %dma_start3A_97 = tpu.memref_slice %arg6[%add3A_95, %dma_start3A_96] : memref<128x64xf32, #tpu.memory_space<vmem>> -> memref<1x64xf32, #tpu.memory_space<vmem>>
      %dma_start3A_98 = tpu.memref_squeeze %dma_start3A_97 : memref<1x64xf32, #tpu.memory_space<vmem>> -> memref<64xf32, #tpu.memory_space<vmem>>
      %dma_start3A_99 = arith.constant 0 : i32
      %dma_start3A_100 = tpu.memref_slice %arg3[%squeeze3A_93, %dma_start3A_99] : memref<100000x64xf32, #tpu.memory_space<hbm>> -> memref<1x64xf32, #tpu.memory_space<hbm>>
      %dma_start3A_101 = tpu.memref_squeeze %dma_start3A_100 : memref<1x64xf32, #tpu.memory_space<hbm>> -> memref<64xf32, #tpu.memory_space<hbm>>
      %dma_start3A_102 = arith.constant 0 : i32
      %dma_start3A_103 = tpu.memref_slice %arg6[%add3A_95, %dma_start3A_102] : memref<128x64xf32, #tpu.memory_space<vmem>> -> memref<1x64xf32, #tpu.memory_space<vmem>>
      %dma_start3A_104 = tpu.memref_squeeze %dma_start3A_103 : memref<1x64xf32, #tpu.memory_space<vmem>> -> memref<64xf32, #tpu.memory_space<vmem>>
      %dma_start3A_105 = arith.constant 0 : i32
      %dma_start3A_106 = tpu.memref_slice %arg3[%squeeze3A_93, %dma_start3A_105] : memref<100000x64xf32, #tpu.memory_space<hbm>> -> memref<1x64xf32, #tpu.memory_space<hbm>>
      %dma_start3A_107 = tpu.memref_squeeze %dma_start3A_106 : memref<1x64xf32, #tpu.memory_space<hbm>> -> memref<64xf32, #tpu.memory_space<hbm>>
      tpu.enqueue_dma source(%dma_start3A_107 : memref<64xf32, #tpu.memory_space<hbm>>) target(%dma_start3A_104 : memref<64xf32, #tpu.memory_space<vmem>>) target_semaphore(%arg7 : memref<!tpu.dma_semaphore, #tpu.memory_space<semaphore_mem>>)
      %slice3A_108 = vector.extract_strided_slice %get3A_14 {offsets = [6], sizes = [1], strides = [1]} : vector<16xi32> to vector<1xi32>
      %squeeze3A_109 = vector.extract %slice3A_108[0] : i32 from vector<1xi32>
      %add3A_110 = arith.constant 6 : i32
      %add3A_111 = arith.addi %mul3A_12, %add3A_110 : i32
      %dma_start3A_112 = arith.constant 0 : i32
      %dma_start3A_113 = tpu.memref_slice %arg6[%add3A_111, %dma_start3A_112] : memref<128x64xf32, #tpu.memory_space<vmem>> -> memref<1x64xf32, #tpu.memory_space<vmem>>
      %dma_start3A_114 = tpu.memref_squeeze %dma_start3A_113 : memref<1x64xf32, #tpu.memory_space<vmem>> -> memref<64xf32, #tpu.memory_space<vmem>>
      %dma_start3A_115 = arith.constant 0 : i32
      %dma_start3A_116 = tpu.memref_slice %arg3[%squeeze3A_109, %dma_start3A_115] : memref<100000x64xf32, #tpu.memory_space<hbm>> -> memref<1x64xf32, #tpu.memory_space<hbm>>
      %dma_start3A_117 = tpu.memref_squeeze %dma_start3A_116 : memref<1x64xf32, #tpu.memory_space<hbm>> -> memref<64xf32, #tpu.memory_space<hbm>>
      %dma_start3A_118 = arith.constant 0 : i32
      %dma_start3A_119 = tpu.memref_slice %arg6[%add3A_111, %dma_start3A_118] : memref<128x64xf32, #tpu.memory_space<vmem>> -> memref<1x64xf32, #tpu.memory_space<vmem>>
      %dma_start3A_120 = tpu.memref_squeeze %dma_start3A_119 : memref<1x64xf32, #tpu.memory_space<vmem>> -> memref<64xf32, #tpu.memory_space<vmem>>
      %dma_start3A_121 = arith.constant 0 : i32
      %dma_start3A_122 = tpu.memref_slice %arg3[%squeeze3A_109, %dma_start3A_121] : memref<100000x64xf32, #tpu.memory_space<hbm>> -> memref<1x64xf32, #tpu.memory_space<hbm>>
      %dma_start3A_123 = tpu.memref_squeeze %dma_start3A_122 : memref<1x64xf32, #tpu.memory_space<hbm>> -> memref<64xf32, #tpu.memory_space<hbm>>
      tpu.enqueue_dma source(%dma_start3A_123 : memref<64xf32, #tpu.memory_space<hbm>>) target(%dma_start3A_120 : memref<64xf32, #tpu.memory_space<vmem>>) target_semaphore(%arg7 : memref<!tpu.dma_semaphore, #tpu.memory_space<semaphore_mem>>)
      %slice3A_124 = vector.extract_strided_slice %get3A_14 {offsets = [7], sizes = [1], strides = [1]} : vector<16xi32> to vector<1xi32>
      %squeeze3A_125 = vector.extract %slice3A_124[0] : i32 from vector<1xi32>
      %add3A_126 = arith.constant 7 : i32
      %add3A_127 = arith.addi %mul3A_12, %add3A_126 : i32
      %dma_start3A_128 = arith.constant 0 : i32
      %dma_start3A_129 = tpu.memref_slice %arg6[%add3A_127, %dma_start3A_128] : memref<128x64xf32, #tpu.memory_space<vmem>> -> memref<1x64xf32, #tpu.memory_space<vmem>>
      %dma_start3A_130 = tpu.memref_squeeze %dma_start3A_129 : memref<1x64xf32, #tpu.memory_space<vmem>> -> memref<64xf32, #tpu.memory_space<vmem>>
      %dma_start3A_131 = arith.constant 0 : i32
      %dma_start3A_132 = tpu.memref_slice %arg3[%squeeze3A_125, %dma_start3A_131] : memref<100000x64xf32, #tpu.memory_space<hbm>> -> memref<1x64xf32, #tpu.memory_space<hbm>>
      %dma_start3A_133 = tpu.memref_squeeze %dma_start3A_132 : memref<1x64xf32, #tpu.memory_space<hbm>> -> memref<64xf32, #tpu.memory_space<hbm>>
      %dma_start3A_134 = arith.constant 0 : i32
      %dma_start3A_135 = tpu.memref_slice %arg6[%add3A_127, %dma_start3A_134] : memref<128x64xf32, #tpu.memory_space<vmem>> -> memref<1x64xf32, #tpu.memory_space<vmem>>
      %dma_start3A_136 = tpu.memref_squeeze %dma_start3A_135 : memref<1x64xf32, #tpu.memory_space<vmem>> -> memref<64xf32, #tpu.memory_space<vmem>>
      %dma_start3A_137 = arith.constant 0 : i32
      %dma_start3A_138 = tpu.memref_slice %arg3[%squeeze3A_125, %dma_start3A_137] : memref<100000x64xf32, #tpu.memory_space<hbm>> -> memref<1x64xf32, #tpu.memory_space<hbm>>
      %dma_start3A_139 = tpu.memref_squeeze %dma_start3A_138 : memref<1x64xf32, #tpu.memory_space<hbm>> -> memref<64xf32, #tpu.memory_space<hbm>>
      tpu.enqueue_dma source(%dma_start3A_139 : memref<64xf32, #tpu.memory_space<hbm>>) target(%dma_start3A_136 : memref<64xf32, #tpu.memory_space<vmem>>) target_semaphore(%arg7 : memref<!tpu.dma_semaphore, #tpu.memory_space<semaphore_mem>>)
      %slice3A_140 = vector.extract_strided_slice %get3A_14 {offsets = [8], sizes = [1], strides = [1]} : vector<16xi32> to vector<1xi32>
      %squeeze3A_141 = vector.extract %slice3A_140[0] : i32 from vector<1xi32>
      %add3A_142 = arith.constant 8 : i32
      %add3A_143 = arith.addi %mul3A_12, %add3A_142 : i32
      %dma_start3A_144 = arith.constant 0 : i32
      %dma_start3A_145 = tpu.memref_slice %arg6[%add3A_143, %dma_start3A_144] : memref<128x64xf32, #tpu.memory_space<vmem>> -> memref<1x64xf32, #tpu.memory_space<vmem>>
      %dma_start3A_146 = tpu.memref_squeeze %dma_start3A_145 : memref<1x64xf32, #tpu.memory_space<vmem>> -> memref<64xf32, #tpu.memory_space<vmem>>
      %dma_start3A_147 = arith.constant 0 : i32
      %dma_start3A_148 = tpu.memref_slice %arg3[%squeeze3A_141, %dma_start3A_147] : memref<100000x64xf32, #tpu.memory_space<hbm>> -> memref<1x64xf32, #tpu.memory_space<hbm>>
      %dma_start3A_149 = tpu.memref_squeeze %dma_start3A_148 : memref<1x64xf32, #tpu.memory_space<hbm>> -> memref<64xf32, #tpu.memory_space<hbm>>
      %dma_start3A_150 = arith.constant 0 : i32
      %dma_start3A_151 = tpu.memref_slice %arg6[%add3A_143, %dma_start3A_150] : memref<128x64xf32, #tpu.memory_space<vmem>> -> memref<1x64xf32, #tpu.memory_space<vmem>>
      %dma_start3A_152 = tpu.memref_squeeze %dma_start3A_151 : memref<1x64xf32, #tpu.memory_space<vmem>> -> memref<64xf32, #tpu.memory_space<vmem>>
      %dma_start3A_153 = arith.constant 0 : i32
      %dma_start3A_154 = tpu.memref_slice %arg3[%squeeze3A_141, %dma_start3A_153] : memref<100000x64xf32, #tpu.memory_space<hbm>> -> memref<1x64xf32, #tpu.memory_space<hbm>>
      %dma_start3A_155 = tpu.memref_squeeze %dma_start3A_154 : memref<1x64xf32, #tpu.memory_space<hbm>> -> memref<64xf32, #tpu.memory_space<hbm>>
      tpu.enqueue_dma source(%dma_start3A_155 : memref<64xf32, #tpu.memory_space<hbm>>) target(%dma_start3A_152 : memref<64xf32, #tpu.memory_space<vmem>>) target_semaphore(%arg7 : memref<!tpu.dma_semaphore, #tpu.memory_space<semaphore_mem>>)
      %slice3A_156 = vector.extract_strided_slice %get3A_14 {offsets = [9], sizes = [1], strides = [1]} : vector<16xi32> to vector<1xi32>
      %squeeze3A_157 = vector.extract %slice3A_156[0] : i32 from vector<1xi32>
      %add3A_158 = arith.constant 9 : i32
      %add3A_159 = arith.addi %mul3A_12, %add3A_158 : i32
      %dma_start3A_160 = arith.constant 0 : i32
      %dma_start3A_161 = tpu.memref_slice %arg6[%add3A_159, %dma_start3A_160] : memref<128x64xf32, #tpu.memory_space<vmem>> -> memref<1x64xf32, #tpu.memory_space<vmem>>
      %dma_start3A_162 = tpu.memref_squeeze %dma_start3A_161 : memref<1x64xf32, #tpu.memory_space<vmem>> -> memref<64xf32, #tpu.memory_space<vmem>>
      %dma_start3A_163 = arith.constant 0 : i32
      %dma_start3A_164 = tpu.memref_slice %arg3[%squeeze3A_157, %dma_start3A_163] : memref<100000x64xf32, #tpu.memory_space<hbm>> -> memref<1x64xf32, #tpu.memory_space<hbm>>
      %dma_start3A_165 = tpu.memref_squeeze %dma_start3A_164 : memref<1x64xf32, #tpu.memory_space<hbm>> -> memref<64xf32, #tpu.memory_space<hbm>>
      %dma_start3A_166 = arith.constant 0 : i32
      %dma_start3A_167 = tpu.memref_slice %arg6[%add3A_159, %dma_start3A_166] : memref<128x64xf32, #tpu.memory_space<vmem>> -> memref<1x64xf32, #tpu.memory_space<vmem>>
      %dma_start3A_168 = tpu.memref_squeeze %dma_start3A_167 : memref<1x64xf32, #tpu.memory_space<vmem>> -> memref<64xf32, #tpu.memory_space<vmem>>
      %dma_start3A_169 = arith.constant 0 : i32
      %dma_start3A_170 = tpu.memref_slice %arg3[%squeeze3A_157, %dma_start3A_169] : memref<100000x64xf32, #tpu.memory_space<hbm>> -> memref<1x64xf32, #tpu.memory_space<hbm>>
      %dma_start3A_171 = tpu.memref_squeeze %dma_start3A_170 : memref<1x64xf32, #tpu.memory_space<hbm>> -> memref<64xf32, #tpu.memory_space<hbm>>
      tpu.enqueue_dma source(%dma_start3A_171 : memref<64xf32, #tpu.memory_space<hbm>>) target(%dma_start3A_168 : memref<64xf32, #tpu.memory_space<vmem>>) target_semaphore(%arg7 : memref<!tpu.dma_semaphore, #tpu.memory_space<semaphore_mem>>)
      %slice3A_172 = vector.extract_strided_slice %get3A_14 {offsets = [10], sizes = [1], strides = [1]} : vector<16xi32> to vector<1xi32>
      %squeeze3A_173 = vector.extract %slice3A_172[0] : i32 from vector<1xi32>
      %add3A_174 = arith.constant 10 : i32
      %add3A_175 = arith.addi %mul3A_12, %add3A_174 : i32
      %dma_start3A_176 = arith.constant 0 : i32
      %dma_start3A_177 = tpu.memref_slice %arg6[%add3A_175, %dma_start3A_176] : memref<128x64xf32, #tpu.memory_space<vmem>> -> memref<1x64xf32, #tpu.memory_space<vmem>>
      %dma_start3A_178 = tpu.memref_squeeze %dma_start3A_177 : memref<1x64xf32, #tpu.memory_space<vmem>> -> memref<64xf32, #tpu.memory_space<vmem>>
      %dma_start3A_179 = arith.constant 0 : i32
      %dma_start3A_180 = tpu.memref_slice %arg3[%squeeze3A_173, %dma_start3A_179] : memref<100000x64xf32, #tpu.memory_space<hbm>> -> memref<1x64xf32, #tpu.memory_space<hbm>>
      %dma_start3A_181 = tpu.memref_squeeze %dma_start3A_180 : memref<1x64xf32, #tpu.memory_space<hbm>> -> memref<64xf32, #tpu.memory_space<hbm>>
      %dma_start3A_182 = arith.constant 0 : i32
      %dma_start3A_183 = tpu.memref_slice %arg6[%add3A_175, %dma_start3A_182] : memref<128x64xf32, #tpu.memory_space<vmem>> -> memref<1x64xf32, #tpu.memory_space<vmem>>
      %dma_start3A_184 = tpu.memref_squeeze %dma_start3A_183 : memref<1x64xf32, #tpu.memory_space<vmem>> -> memref<64xf32, #tpu.memory_space<vmem>>
      %dma_start3A_185 = arith.constant 0 : i32
      %dma_start3A_186 = tpu.memref_slice %arg3[%squeeze3A_173, %dma_start3A_185] : memref<100000x64xf32, #tpu.memory_space<hbm>> -> memref<1x64xf32, #tpu.memory_space<hbm>>
      %dma_start3A_187 = tpu.memref_squeeze %dma_start3A_186 : memref<1x64xf32, #tpu.memory_space<hbm>> -> memref<64xf32, #tpu.memory_space<hbm>>
      tpu.enqueue_dma source(%dma_start3A_187 : memref<64xf32, #tpu.memory_space<hbm>>) target(%dma_start3A_184 : memref<64xf32, #tpu.memory_space<vmem>>) target_semaphore(%arg7 : memref<!tpu.dma_semaphore, #tpu.memory_space<semaphore_mem>>)
      %slice3A_188 = vector.extract_strided_slice %get3A_14 {offsets = [11], sizes = [1], strides = [1]} : vector<16xi32> to vector<1xi32>
      %squeeze3A_189 = vector.extract %slice3A_188[0] : i32 from vector<1xi32>
      %add3A_190 = arith.constant 11 : i32
      %add3A_191 = arith.addi %mul3A_12, %add3A_190 : i32
      %dma_start3A_192 = arith.constant 0 : i32
      %dma_start3A_193 = tpu.memref_slice %arg6[%add3A_191, %dma_start3A_192] : memref<128x64xf32, #tpu.memory_space<vmem>> -> memref<1x64xf32, #tpu.memory_space<vmem>>
      %dma_start3A_194 = tpu.memref_squeeze %dma_start3A_193 : memref<1x64xf32, #tpu.memory_space<vmem>> -> memref<64xf32, #tpu.memory_space<vmem>>
      %dma_start3A_195 = arith.constant 0 : i32
      %dma_start3A_196 = tpu.memref_slice %arg3[%squeeze3A_189, %dma_start3A_195] : memref<100000x64xf32, #tpu.memory_space<hbm>> -> memref<1x64xf32, #tpu.memory_space<hbm>>
      %dma_start3A_197 = tpu.memref_squeeze %dma_start3A_196 : memref<1x64xf32, #tpu.memory_space<hbm>> -> memref<64xf32, #tpu.memory_space<hbm>>
      %dma_start3A_198 = arith.constant 0 : i32
      %dma_start3A_199 = tpu.memref_slice %arg6[%add3A_191, %dma_start3A_198] : memref<128x64xf32, #tpu.memory_space<vmem>> -> memref<1x64xf32, #tpu.memory_space<vmem>>
      %dma_start3A_200 = tpu.memref_squeeze %dma_start3A_199 : memref<1x64xf32, #tpu.memory_space<vmem>> -> memref<64xf32, #tpu.memory_space<vmem>>
      %dma_start3A_201 = arith.constant 0 : i32
      %dma_start3A_202 = tpu.memref_slice %arg3[%squeeze3A_189, %dma_start3A_201] : memref<100000x64xf32, #tpu.memory_space<hbm>> -> memref<1x64xf32, #tpu.memory_space<hbm>>
      %dma_start3A_203 = tpu.memref_squeeze %dma_start3A_202 : memref<1x64xf32, #tpu.memory_space<hbm>> -> memref<64xf32, #tpu.memory_space<hbm>>
      tpu.enqueue_dma source(%dma_start3A_203 : memref<64xf32, #tpu.memory_space<hbm>>) target(%dma_start3A_200 : memref<64xf32, #tpu.memory_space<vmem>>) target_semaphore(%arg7 : memref<!tpu.dma_semaphore, #tpu.memory_space<semaphore_mem>>)
      %slice3A_204 = vector.extract_strided_slice %get3A_14 {offsets = [12], sizes = [1], strides = [1]} : vector<16xi32> to vector<1xi32>
      %squeeze3A_205 = vector.extract %slice3A_204[0] : i32 from vector<1xi32>
      %add3A_206 = arith.constant 12 : i32
      %add3A_207 = arith.addi %mul3A_12, %add3A_206 : i32
      %dma_start3A_208 = arith.constant 0 : i32
      %dma_start3A_209 = tpu.memref_slice %arg6[%add3A_207, %dma_start3A_208] : memref<128x64xf32, #tpu.memory_space<vmem>> -> memref<1x64xf32, #tpu.memory_space<vmem>>
      %dma_start3A_210 = tpu.memref_squeeze %dma_start3A_209 : memref<1x64xf32, #tpu.memory_space<vmem>> -> memref<64xf32, #tpu.memory_space<vmem>>
      %dma_start3A_211 = arith.constant 0 : i32
      %dma_start3A_212 = tpu.memref_slice %arg3[%squeeze3A_205, %dma_start3A_211] : memref<100000x64xf32, #tpu.memory_space<hbm>> -> memref<1x64xf32, #tpu.memory_space<hbm>>
      %dma_start3A_213 = tpu.memref_squeeze %dma_start3A_212 : memref<1x64xf32, #tpu.memory_space<hbm>> -> memref<64xf32, #tpu.memory_space<hbm>>
      %dma_start3A_214 = arith.constant 0 : i32
      %dma_start3A_215 = tpu.memref_slice %arg6[%add3A_207, %dma_start3A_214] : memref<128x64xf32, #tpu.memory_space<vmem>> -> memref<1x64xf32, #tpu.memory_space<vmem>>
      %dma_start3A_216 = tpu.memref_squeeze %dma_start3A_215 : memref<1x64xf32, #tpu.memory_space<vmem>> -> memref<64xf32, #tpu.memory_space<vmem>>
      %dma_start3A_217 = arith.constant 0 : i32
      %dma_start3A_218 = tpu.memref_slice %arg3[%squeeze3A_205, %dma_start3A_217] : memref<100000x64xf32, #tpu.memory_space<hbm>> -> memref<1x64xf32, #tpu.memory_space<hbm>>
      %dma_start3A_219 = tpu.memref_squeeze %dma_start3A_218 : memref<1x64xf32, #tpu.memory_space<hbm>> -> memref<64xf32, #tpu.memory_space<hbm>>
      tpu.enqueue_dma source(%dma_start3A_219 : memref<64xf32, #tpu.memory_space<hbm>>) target(%dma_start3A_216 : memref<64xf32, #tpu.memory_space<vmem>>) target_semaphore(%arg7 : memref<!tpu.dma_semaphore, #tpu.memory_space<semaphore_mem>>)
      %slice3A_220 = vector.extract_strided_slice %get3A_14 {offsets = [13], sizes = [1], strides = [1]} : vector<16xi32> to vector<1xi32>
      %squeeze3A_221 = vector.extract %slice3A_220[0] : i32 from vector<1xi32>
      %add3A_222 = arith.constant 13 : i32
      %add3A_223 = arith.addi %mul3A_12, %add3A_222 : i32
      %dma_start3A_224 = arith.constant 0 : i32
      %dma_start3A_225 = tpu.memref_slice %arg6[%add3A_223, %dma_start3A_224] : memref<128x64xf32, #tpu.memory_space<vmem>> -> memref<1x64xf32, #tpu.memory_space<vmem>>
      %dma_start3A_226 = tpu.memref_squeeze %dma_start3A_225 : memref<1x64xf32, #tpu.memory_space<vmem>> -> memref<64xf32, #tpu.memory_space<vmem>>
      %dma_start3A_227 = arith.constant 0 : i32
      %dma_start3A_228 = tpu.memref_slice %arg3[%squeeze3A_221, %dma_start3A_227] : memref<100000x64xf32, #tpu.memory_space<hbm>> -> memref<1x64xf32, #tpu.memory_space<hbm>>
      %dma_start3A_229 = tpu.memref_squeeze %dma_start3A_228 : memref<1x64xf32, #tpu.memory_space<hbm>> -> memref<64xf32, #tpu.memory_space<hbm>>
      %dma_start3A_230 = arith.constant 0 : i32
      %dma_start3A_231 = tpu.memref_slice %arg6[%add3A_223, %dma_start3A_230] : memref<128x64xf32, #tpu.memory_space<vmem>> -> memref<1x64xf32, #tpu.memory_space<vmem>>
      %dma_start3A_232 = tpu.memref_squeeze %dma_start3A_231 : memref<1x64xf32, #tpu.memory_space<vmem>> -> memref<64xf32, #tpu.memory_space<vmem>>
      %dma_start3A_233 = arith.constant 0 : i32
      %dma_start3A_234 = tpu.memref_slice %arg3[%squeeze3A_221, %dma_start3A_233] : memref<100000x64xf32, #tpu.memory_space<hbm>> -> memref<1x64xf32, #tpu.memory_space<hbm>>
      %dma_start3A_235 = tpu.memref_squeeze %dma_start3A_234 : memref<1x64xf32, #tpu.memory_space<hbm>> -> memref<64xf32, #tpu.memory_space<hbm>>
      tpu.enqueue_dma source(%dma_start3A_235 : memref<64xf32, #tpu.memory_space<hbm>>) target(%dma_start3A_232 : memref<64xf32, #tpu.memory_space<vmem>>) target_semaphore(%arg7 : memref<!tpu.dma_semaphore, #tpu.memory_space<semaphore_mem>>)
      %slice3A_236 = vector.extract_strided_slice %get3A_14 {offsets = [14], sizes = [1], strides = [1]} : vector<16xi32> to vector<1xi32>
      %squeeze3A_237 = vector.extract %slice3A_236[0] : i32 from vector<1xi32>
      %add3A_238 = arith.constant 14 : i32
      %add3A_239 = arith.addi %mul3A_12, %add3A_238 : i32
      %dma_start3A_240 = arith.constant 0 : i32
      %dma_start3A_241 = tpu.memref_slice %arg6[%add3A_239, %dma_start3A_240] : memref<128x64xf32, #tpu.memory_space<vmem>> -> memref<1x64xf32, #tpu.memory_space<vmem>>
      %dma_start3A_242 = tpu.memref_squeeze %dma_start3A_241 : memref<1x64xf32, #tpu.memory_space<vmem>> -> memref<64xf32, #tpu.memory_space<vmem>>
      %dma_start3A_243 = arith.constant 0 : i32
      %dma_start3A_244 = tpu.memref_slice %arg3[%squeeze3A_237, %dma_start3A_243] : memref<100000x64xf32, #tpu.memory_space<hbm>> -> memref<1x64xf32, #tpu.memory_space<hbm>>
      %dma_start3A_245 = tpu.memref_squeeze %dma_start3A_244 : memref<1x64xf32, #tpu.memory_space<hbm>> -> memref<64xf32, #tpu.memory_space<hbm>>
      %dma_start3A_246 = arith.constant 0 : i32
      %dma_start3A_247 = tpu.memref_slice %arg6[%add3A_239, %dma_start3A_246] : memref<128x64xf32, #tpu.memory_space<vmem>> -> memref<1x64xf32, #tpu.memory_space<vmem>>
      %dma_start3A_248 = tpu.memref_squeeze %dma_start3A_247 : memref<1x64xf32, #tpu.memory_space<vmem>> -> memref<64xf32, #tpu.memory_space<vmem>>
      %dma_start3A_249 = arith.constant 0 : i32
      %dma_start3A_250 = tpu.memref_slice %arg3[%squeeze3A_237, %dma_start3A_249] : memref<100000x64xf32, #tpu.memory_space<hbm>> -> memref<1x64xf32, #tpu.memory_space<hbm>>
      %dma_start3A_251 = tpu.memref_squeeze %dma_start3A_250 : memref<1x64xf32, #tpu.memory_space<hbm>> -> memref<64xf32, #tpu.memory_space<hbm>>
      tpu.enqueue_dma source(%dma_start3A_251 : memref<64xf32, #tpu.memory_space<hbm>>) target(%dma_start3A_248 : memref<64xf32, #tpu.memory_space<vmem>>) target_semaphore(%arg7 : memref<!tpu.dma_semaphore, #tpu.memory_space<semaphore_mem>>)
      %slice3A_252 = vector.extract_strided_slice %get3A_14 {offsets = [15], sizes = [1], strides = [1]} : vector<16xi32> to vector<1xi32>
      %squeeze3A_253 = vector.extract %slice3A_252[0] : i32 from vector<1xi32>
      %add3A_254 = arith.constant 15 : i32
      %add3A_255 = arith.addi %mul3A_12, %add3A_254 : i32
      %dma_start3A_256 = arith.constant 0 : i32
      %dma_start3A_257 = tpu.memref_slice %arg6[%add3A_255, %dma_start3A_256] : memref<128x64xf32, #tpu.memory_space<vmem>> -> memref<1x64xf32, #tpu.memory_space<vmem>>
      %dma_start3A_258 = tpu.memref_squeeze %dma_start3A_257 : memref<1x64xf32, #tpu.memory_space<vmem>> -> memref<64xf32, #tpu.memory_space<vmem>>
      %dma_start3A_259 = arith.constant 0 : i32
      %dma_start3A_260 = tpu.memref_slice %arg3[%squeeze3A_253, %dma_start3A_259] : memref<100000x64xf32, #tpu.memory_space<hbm>> -> memref<1x64xf32, #tpu.memory_space<hbm>>
      %dma_start3A_261 = tpu.memref_squeeze %dma_start3A_260 : memref<1x64xf32, #tpu.memory_space<hbm>> -> memref<64xf32, #tpu.memory_space<hbm>>
      %dma_start3A_262 = arith.constant 0 : i32
      %dma_start3A_263 = tpu.memref_slice %arg6[%add3A_255, %dma_start3A_262] : memref<128x64xf32, #tpu.memory_space<vmem>> -> memref<1x64xf32, #tpu.memory_space<vmem>>
      %dma_start3A_264 = tpu.memref_squeeze %dma_start3A_263 : memref<1x64xf32, #tpu.memory_space<vmem>> -> memref<64xf32, #tpu.memory_space<vmem>>
      %dma_start3A_265 = arith.constant 0 : i32
      %dma_start3A_266 = tpu.memref_slice %arg3[%squeeze3A_253, %dma_start3A_265] : memref<100000x64xf32, #tpu.memory_space<hbm>> -> memref<1x64xf32, #tpu.memory_space<hbm>>
      %dma_start3A_267 = tpu.memref_squeeze %dma_start3A_266 : memref<1x64xf32, #tpu.memory_space<hbm>> -> memref<64xf32, #tpu.memory_space<hbm>>
      tpu.enqueue_dma source(%dma_start3A_267 : memref<64xf32, #tpu.memory_space<hbm>>) target(%dma_start3A_264 : memref<64xf32, #tpu.memory_space<vmem>>) target_semaphore(%arg7 : memref<!tpu.dma_semaphore, #tpu.memory_space<semaphore_mem>>)
      %scan3A_268 = arith.constant 0 : i32
      %scan3A_269 = arith.constant 0 : i32
      %scan3A_270 = arith.constant 16 : i32
      %scan3A_271 = arith.addi %scan3A_269, %scan3A_270 : i32
      %scan3A_272 = arith.constant 1 : i32
      %scan3A_273 = scf.for %scan3A_276 = %scan3A_269 to %scan3A_271 step %scan3A_272 iter_args(%scan3A_277 = %scan3A_268) -> (i32)  : i32 {
        %dma_wait3A = arith.constant 0 : i32
        %dma_wait3A_278 = arith.constant 0 : i32
        %dma_wait3A_279 = arith.constant 0 : i32
        %dma_wait3A_280 = tpu.memref_slice %arg6[%dma_wait3A_278, %dma_wait3A_279] : memref<128x64xf32, #tpu.memory_space<vmem>> -> memref<1x64xf32, #tpu.memory_space<vmem>>
        %dma_wait3A_281 = tpu.memref_squeeze %dma_wait3A_280 : memref<1x64xf32, #tpu.memory_space<vmem>> -> memref<64xf32, #tpu.memory_space<vmem>>
        %dma_wait3A_282 = arith.constant 0 : i32
        %dma_wait3A_283 = tpu.memref_slice %arg3[%dma_wait3A, %dma_wait3A_282] : memref<100000x64xf32, #tpu.memory_space<hbm>> -> memref<1x64xf32, #tpu.memory_space<hbm>>
        %dma_wait3A_284 = tpu.memref_squeeze %dma_wait3A_283 : memref<1x64xf32, #tpu.memory_space<hbm>> -> memref<64xf32, #tpu.memory_space<hbm>>
        %dma_wait3A_285 = arith.constant 0 : i32
        %dma_wait3A_286 = tpu.memref_slice %arg6[%dma_wait3A_278, %dma_wait3A_285] : memref<128x64xf32, #tpu.memory_space<vmem>> -> memref<1x64xf32, #tpu.memory_space<vmem>>
        %dma_wait3A_287 = tpu.memref_squeeze %dma_wait3A_286 : memref<1x64xf32, #tpu.memory_space<vmem>> -> memref<64xf32, #tpu.memory_space<vmem>>
        %dma_wait3A_288 = arith.constant 0 : i32
        %dma_wait3A_289 = tpu.memref_slice %arg3[%dma_wait3A, %dma_wait3A_288] : memref<100000x64xf32, #tpu.memory_space<hbm>> -> memref<1x64xf32, #tpu.memory_space<hbm>>
        %dma_wait3A_290 = tpu.memref_squeeze %dma_wait3A_289 : memref<1x64xf32, #tpu.memory_space<hbm>> -> memref<64xf32, #tpu.memory_space<hbm>>
        tpu.wait_dma2 semaphore(%arg7 : memref<!tpu.dma_semaphore, #tpu.memory_space<semaphore_mem>>) src(%dma_wait3A_290 : memref<64xf32, #tpu.memory_space<hbm>>) dst(%dma_wait3A_287 : memref<64xf32, #tpu.memory_space<vmem>>)
        %scan3A_291 = arith.constant 0 : i32
        scf.yield %scan3A_291 : i32
      }
      %scan3A_274 = arith.constant 16 : i32
      %scan3A_275 = arith.constant 0 : i32
      scf.yield %scan3A_275 : i32
    }
    %scan3A_8 = arith.constant 8 : i32
    "tpu.region"() ({
      %run_scoped3A = tpu.sem_alloc : memref<!tpu.dma_semaphore, #tpu.memory_space<semaphore_mem>>
      %dma_start3A = arith.constant 0 : i32
      %dma_start3A_9 = tpu.memref_slice %arg4[%mul3A_2, %dma_start3A] : memref<4096x64xf32, #tpu.memory_space<hbm>> -> memref<128x64xf32, #tpu.memory_space<hbm>>
      %dma_start3A_10 = arith.constant 0 : i32
      %dma_start3A_11 = tpu.memref_slice %arg4[%mul3A_2, %dma_start3A_10] : memref<4096x64xf32, #tpu.memory_space<hbm>> -> memref<128x64xf32, #tpu.memory_space<hbm>>
      tpu.enqueue_dma source(%arg6 : memref<128x64xf32, #tpu.memory_space<vmem>>) target(%dma_start3A_11 : memref<128x64xf32, #tpu.memory_space<hbm>>) target_semaphore(%run_scoped3A : memref<!tpu.dma_semaphore, #tpu.memory_space<semaphore_mem>>)
      %dma_wait3A = arith.constant 0 : i32
      %dma_wait3A_12 = tpu.memref_slice %arg4[%mul3A_2, %dma_wait3A] : memref<4096x64xf32, #tpu.memory_space<hbm>> -> memref<128x64xf32, #tpu.memory_space<hbm>>
      %dma_wait3A_13 = arith.constant 0 : i32
      %dma_wait3A_14 = tpu.memref_slice %arg4[%mul3A_2, %dma_wait3A_13] : memref<4096x64xf32, #tpu.memory_space<hbm>> -> memref<128x64xf32, #tpu.memory_space<hbm>>
      tpu.wait_dma2 semaphore(%run_scoped3A : memref<!tpu.dma_semaphore, #tpu.memory_space<semaphore_mem>>) src(%arg6 : memref<128x64xf32, #tpu.memory_space<vmem>>) dst(%dma_wait3A_14 : memref<128x64xf32, #tpu.memory_space<hbm>>)
      tpu.yield
    }) : () -> ()
    return
  }
}

#map = affine_map<(d0, d1) -> (0)>
#map1 = affine_map<(d0, d1) -> (0, 0)>
module attributes {stable_mosaic.version = 14 : i64} {
  func.func @_gather(%arg0: i32, %arg1: i32, %arg2: memref<4096xi32, #tpu.memory_space<hbm>>, %arg3: memref<100000x64xf32, #tpu.memory_space<hbm>>, %arg4: memref<4096x64xf32, #tpu.memory_space<hbm>>, %arg5: memref<128xi32, #tpu.memory_space<vmem>>, %arg6: memref<128x64xf32, #tpu.memory_space<vmem>>, %arg7: memref<!tpu.dma_semaphore, #tpu.memory_space<semaphore_mem>>) attributes {dimension_semantics = [#tpu.dimension_semantics<core_parallel>, #tpu.dimension_semantics<subcore_parallel>], iteration_bounds = array<i64: 2, 16>, scalar_prefetch = 0 : i64, scratch_operands = 3 : i64, tpu.core_type = #tpu.core_type<sc_vector_subcore>, window_params = [{transform_indices = #map}, {transform_indices = #map1}, {transform_indices = #map1}]} {
    %mul3A = arith.constant 2 : i32
    %mul3A_0 = arith.muli %arg1, %mul3A : i32
    %add3A = arith.addi %mul3A_0, %arg0 : i32
    %mul3A_1 = arith.constant 128 : i32
    %mul3A_2 = arith.muli %add3A, %mul3A_1 : i32
    "tpu.region"() ({
      %run_scoped3A = tpu.sem_alloc : memref<!tpu.dma_semaphore, #tpu.memory_space<semaphore_mem>>
      %dma_start3A = tpu.memref_slice %arg2[%mul3A_2] : memref<4096xi32, #tpu.memory_space<hbm>> -> memref<128xi32, #tpu.memory_space<hbm>>
      %dma_start3A_9 = tpu.memref_slice %arg2[%mul3A_2] : memref<4096xi32, #tpu.memory_space<hbm>> -> memref<128xi32, #tpu.memory_space<hbm>>
      tpu.enqueue_dma source(%dma_start3A_9 : memref<128xi32, #tpu.memory_space<hbm>>) target(%arg5 : memref<128xi32, #tpu.memory_space<vmem>>) target_semaphore(%run_scoped3A : memref<!tpu.dma_semaphore, #tpu.memory_space<semaphore_mem>>)
      %dma_wait3A = tpu.memref_slice %arg2[%mul3A_2] : memref<4096xi32, #tpu.memory_space<hbm>> -> memref<128xi32, #tpu.memory_space<hbm>>
      %dma_wait3A_10 = tpu.memref_slice %arg2[%mul3A_2] : memref<4096xi32, #tpu.memory_space<hbm>> -> memref<128xi32, #tpu.memory_space<hbm>>
      tpu.wait_dma2 semaphore(%run_scoped3A : memref<!tpu.dma_semaphore, #tpu.memory_space<semaphore_mem>>) src(%dma_wait3A_10 : memref<128xi32, #tpu.memory_space<hbm>>) dst(%arg5 : memref<128xi32, #tpu.memory_space<vmem>>)
      tpu.yield
    }) : () -> ()
    %scan3A = arith.constant 0 : i32
    %scan3A_3 = arith.constant 0 : i32
    %scan3A_4 = arith.constant 8 : i32
    %scan3A_5 = arith.addi %scan3A_3, %scan3A_4 : i32
    %scan3A_6 = arith.constant 1 : i32
    %scan3A_7 = scf.for %scan3A_9 = %scan3A_3 to %scan3A_5 step %scan3A_6 iter_args(%scan3A_10 = %scan3A) -> (i32)  : i32 {
      %mul3A_11 = arith.constant 16 : i32
      %mul3A_12 = arith.muli %scan3A_9, %mul3A_11 : i32
      %get3A = arith.index_cast %mul3A_12 : i32 to index
      %get3A_13 = tpu.vector_load %arg5[%get3A] {strides = array<i32>} : memref<128xi32, #tpu.memory_space<vmem>>, vector<16xi32>,
      %get3A_14 = vector.shape_cast %get3A_13 : vector<16xi32> to vector<16xi32>
      %slice3A = vector.extract_strided_slice %get3A_14 {offsets = [0], sizes = [1], strides = [1]} : vector<16xi32> to vector<1xi32>
      %squeeze3A = vector.extract %slice3A[0] : i32 from vector<1xi32>
      %add3A_15 = arith.constant 0 : i32
      %add3A_16 = arith.addi %mul3A_12, %add3A_15 : i32
      %dma_start3A = arith.constant 0 : i32
      %dma_start3A_17 = tpu.memref_slice %arg6[%add3A_16, %dma_start3A] : memref<128x64xf32, #tpu.memory_space<vmem>> -> memref<1x64xf32, #tpu.memory_space<vmem>>
      %dma_start3A_18 = tpu.memref_squeeze %dma_start3A_17 : memref<1x64xf32, #tpu.memory_space<vmem>> -> memref<64xf32, #tpu.memory_space<vmem>>
      %dma_start3A_19 = arith.constant 0 : i32
      %dma_start3A_20 = tpu.memref_slice %arg3[%squeeze3A, %dma_start3A_19] : memref<100000x64xf32, #tpu.memory_space<hbm>> -> memref<1x64xf32, #tpu.memory_space<hbm>>
      %dma_start3A_21 = tpu.memref_squeeze %dma_start3A_20 : memref<1x64xf32, #tpu.memory_space<hbm>> -> memref<64xf32, #tpu.memory_space<hbm>>
      %dma_start3A_22 = arith.constant 0 : i32
      %dma_start3A_23 = tpu.memref_slice %arg6[%add3A_16, %dma_start3A_22] : memref<128x64xf32, #tpu.memory_space<vmem>> -> memref<1x64xf32, #tpu.memory_space<vmem>>
      %dma_start3A_24 = tpu.memref_squeeze %dma_start3A_23 : memref<1x64xf32, #tpu.memory_space<vmem>> -> memref<64xf32, #tpu.memory_space<vmem>>
      %dma_start3A_25 = arith.constant 0 : i32
      %dma_start3A_26 = tpu.memref_slice %arg3[%squeeze3A, %dma_start3A_25] : memref<100000x64xf32, #tpu.memory_space<hbm>> -> memref<1x64xf32, #tpu.memory_space<hbm>>
      %dma_start3A_27 = tpu.memref_squeeze %dma_start3A_26 : memref<1x64xf32, #tpu.memory_space<hbm>> -> memref<64xf32, #tpu.memory_space<hbm>>
      tpu.enqueue_dma source(%dma_start3A_27 : memref<64xf32, #tpu.memory_space<hbm>>) target(%dma_start3A_24 : memref<64xf32, #tpu.memory_space<vmem>>) target_semaphore(%arg7 : memref<!tpu.dma_semaphore, #tpu.memory_space<semaphore_mem>>)
      %slice3A_28 = vector.extract_strided_slice %get3A_14 {offsets = [1], sizes = [1], strides = [1]} : vector<16xi32> to vector<1xi32>
      %squeeze3A_29 = vector.extract %slice3A_28[0] : i32 from vector<1xi32>
      %add3A_30 = arith.constant 1 : i32
      %add3A_31 = arith.addi %mul3A_12, %add3A_30 : i32
      %dma_start3A_32 = arith.constant 0 : i32
      %dma_start3A_33 = tpu.memref_slice %arg6[%add3A_31, %dma_start3A_32] : memref<128x64xf32, #tpu.memory_space<vmem>> -> memref<1x64xf32, #tpu.memory_space<vmem>>
      %dma_start3A_34 = tpu.memref_squeeze %dma_start3A_33 : memref<1x64xf32, #tpu.memory_space<vmem>> -> memref<64xf32, #tpu.memory_space<vmem>>
      %dma_start3A_35 = arith.constant 0 : i32
      %dma_start3A_36 = tpu.memref_slice %arg3[%squeeze3A_29, %dma_start3A_35] : memref<100000x64xf32, #tpu.memory_space<hbm>> -> memref<1x64xf32, #tpu.memory_space<hbm>>
      %dma_start3A_37 = tpu.memref_squeeze %dma_start3A_36 : memref<1x64xf32, #tpu.memory_space<hbm>> -> memref<64xf32, #tpu.memory_space<hbm>>
      %dma_start3A_38 = arith.constant 0 : i32
      %dma_start3A_39 = tpu.memref_slice %arg6[%add3A_31, %dma_start3A_38] : memref<128x64xf32, #tpu.memory_space<vmem>> -> memref<1x64xf32, #tpu.memory_space<vmem>>
      %dma_start3A_40 = tpu.memref_squeeze %dma_start3A_39 : memref<1x64xf32, #tpu.memory_space<vmem>> -> memref<64xf32, #tpu.memory_space<vmem>>
      %dma_start3A_41 = arith.constant 0 : i32
      %dma_start3A_42 = tpu.memref_slice %arg3[%squeeze3A_29, %dma_start3A_41] : memref<100000x64xf32, #tpu.memory_space<hbm>> -> memref<1x64xf32, #tpu.memory_space<hbm>>
      %dma_start3A_43 = tpu.memref_squeeze %dma_start3A_42 : memref<1x64xf32, #tpu.memory_space<hbm>> -> memref<64xf32, #tpu.memory_space<hbm>>
      tpu.enqueue_dma source(%dma_start3A_43 : memref<64xf32, #tpu.memory_space<hbm>>) target(%dma_start3A_40 : memref<64xf32, #tpu.memory_space<vmem>>) target_semaphore(%arg7 : memref<!tpu.dma_semaphore, #tpu.memory_space<semaphore_mem>>)
      %slice3A_44 = vector.extract_strided_slice %get3A_14 {offsets = [2], sizes = [1], strides = [1]} : vector<16xi32> to vector<1xi32>
      %squeeze3A_45 = vector.extract %slice3A_44[0] : i32 from vector<1xi32>
      %add3A_46 = arith.constant 2 : i32
      %add3A_47 = arith.addi %mul3A_12, %add3A_46 : i32
      %dma_start3A_48 = arith.constant 0 : i32
      %dma_start3A_49 = tpu.memref_slice %arg6[%add3A_47, %dma_start3A_48] : memref<128x64xf32, #tpu.memory_space<vmem>> -> memref<1x64xf32, #tpu.memory_space<vmem>>
      %dma_start3A_50 = tpu.memref_squeeze %dma_start3A_49 : memref<1x64xf32, #tpu.memory_space<vmem>> -> memref<64xf32, #tpu.memory_space<vmem>>
      %dma_start3A_51 = arith.constant 0 : i32
      %dma_start3A_52 = tpu.memref_slice %arg3[%squeeze3A_45, %dma_start3A_51] : memref<100000x64xf32, #tpu.memory_space<hbm>> -> memref<1x64xf32, #tpu.memory_space<hbm>>
      %dma_start3A_53 = tpu.memref_squeeze %dma_start3A_52 : memref<1x64xf32, #tpu.memory_space<hbm>> -> memref<64xf32, #tpu.memory_space<hbm>>
      %dma_start3A_54 = arith.constant 0 : i32
      %dma_start3A_55 = tpu.memref_slice %arg6[%add3A_47, %dma_start3A_54] : memref<128x64xf32, #tpu.memory_space<vmem>> -> memref<1x64xf32, #tpu.memory_space<vmem>>
      %dma_start3A_56 = tpu.memref_squeeze %dma_start3A_55 : memref<1x64xf32, #tpu.memory_space<vmem>> -> memref<64xf32, #tpu.memory_space<vmem>>
      %dma_start3A_57 = arith.constant 0 : i32
      %dma_start3A_58 = tpu.memref_slice %arg3[%squeeze3A_45, %dma_start3A_57] : memref<100000x64xf32, #tpu.memory_space<hbm>> -> memref<1x64xf32, #tpu.memory_space<hbm>>
      %dma_start3A_59 = tpu.memref_squeeze %dma_start3A_58 : memref<1x64xf32, #tpu.memory_space<hbm>> -> memref<64xf32, #tpu.memory_space<hbm>>
      tpu.enqueue_dma source(%dma_start3A_59 : memref<64xf32, #tpu.memory_space<hbm>>) target(%dma_start3A_56 : memref<64xf32, #tpu.memory_space<vmem>>) target_semaphore(%arg7 : memref<!tpu.dma_semaphore, #tpu.memory_space<semaphore_mem>>)
      %slice3A_60 = vector.extract_strided_slice %get3A_14 {offsets = [3], sizes = [1], strides = [1]} : vector<16xi32> to vector<1xi32>
      %squeeze3A_61 = vector.extract %slice3A_60[0] : i32 from vector<1xi32>
      %add3A_62 = arith.constant 3 : i32
      %add3A_63 = arith.addi %mul3A_12, %add3A_62 : i32
      %dma_start3A_64 = arith.constant 0 : i32
      %dma_start3A_65 = tpu.memref_slice %arg6[%add3A_63, %dma_start3A_64] : memref<128x64xf32, #tpu.memory_space<vmem>> -> memref<1x64xf32, #tpu.memory_space<vmem>>
      %dma_start3A_66 = tpu.memref_squeeze %dma_start3A_65 : memref<1x64xf32, #tpu.memory_space<vmem>> -> memref<64xf32, #tpu.memory_space<vmem>>
      %dma_start3A_67 = arith.constant 0 : i32
      %dma_start3A_68 = tpu.memref_slice %arg3[%squeeze3A_61, %dma_start3A_67] : memref<100000x64xf32, #tpu.memory_space<hbm>> -> memref<1x64xf32, #tpu.memory_space<hbm>>
      %dma_start3A_69 = tpu.memref_squeeze %dma_start3A_68 : memref<1x64xf32, #tpu.memory_space<hbm>> -> memref<64xf32, #tpu.memory_space<hbm>>
      %dma_start3A_70 = arith.constant 0 : i32
      %dma_start3A_71 = tpu.memref_slice %arg6[%add3A_63, %dma_start3A_70] : memref<128x64xf32, #tpu.memory_space<vmem>> -> memref<1x64xf32, #tpu.memory_space<vmem>>
      %dma_start3A_72 = tpu.memref_squeeze %dma_start3A_71 : memref<1x64xf32, #tpu.memory_space<vmem>> -> memref<64xf32, #tpu.memory_space<vmem>>
      %dma_start3A_73 = arith.constant 0 : i32
      %dma_start3A_74 = tpu.memref_slice %arg3[%squeeze3A_61, %dma_start3A_73] : memref<100000x64xf32, #tpu.memory_space<hbm>> -> memref<1x64xf32, #tpu.memory_space<hbm>>
      %dma_start3A_75 = tpu.memref_squeeze %dma_start3A_74 : memref<1x64xf32, #tpu.memory_space<hbm>> -> memref<64xf32, #tpu.memory_space<hbm>>
      tpu.enqueue_dma source(%dma_start3A_75 : memref<64xf32, #tpu.memory_space<hbm>>) target(%dma_start3A_72 : memref<64xf32, #tpu.memory_space<vmem>>) target_semaphore(%arg7 : memref<!tpu.dma_semaphore, #tpu.memory_space<semaphore_mem>>)
      %slice3A_76 = vector.extract_strided_slice %get3A_14 {offsets = [4], sizes = [1], strides = [1]} : vector<16xi32> to vector<1xi32>
      %squeeze3A_77 = vector.extract %slice3A_76[0] : i32 from vector<1xi32>
      %add3A_78 = arith.constant 4 : i32
      %add3A_79 = arith.addi %mul3A_12, %add3A_78 : i32
      %dma_start3A_80 = arith.constant 0 : i32
      %dma_start3A_81 = tpu.memref_slice %arg6[%add3A_79, %dma_start3A_80] : memref<128x64xf32, #tpu.memory_space<vmem>> -> memref<1x64xf32, #tpu.memory_space<vmem>>
      %dma_start3A_82 = tpu.memref_squeeze %dma_start3A_81 : memref<1x64xf32, #tpu.memory_space<vmem>> -> memref<64xf32, #tpu.memory_space<vmem>>
      %dma_start3A_83 = arith.constant 0 : i32
      %dma_start3A_84 = tpu.memref_slice %arg3[%squeeze3A_77, %dma_start3A_83] : memref<100000x64xf32, #tpu.memory_space<hbm>> -> memref<1x64xf32, #tpu.memory_space<hbm>>
      %dma_start3A_85 = tpu.memref_squeeze %dma_start3A_84 : memref<1x64xf32, #tpu.memory_space<hbm>> -> memref<64xf32, #tpu.memory_space<hbm>>
      %dma_start3A_86 = arith.constant 0 : i32
      %dma_start3A_87 = tpu.memref_slice %arg6[%add3A_79, %dma_start3A_86] : memref<128x64xf32, #tpu.memory_space<vmem>> -> memref<1x64xf32, #tpu.memory_space<vmem>>
      %dma_start3A_88 = tpu.memref_squeeze %dma_start3A_87 : memref<1x64xf32, #tpu.memory_space<vmem>> -> memref<64xf32, #tpu.memory_space<vmem>>
      %dma_start3A_89 = arith.constant 0 : i32
      %dma_start3A_90 = tpu.memref_slice %arg3[%squeeze3A_77, %dma_start3A_89] : memref<100000x64xf32, #tpu.memory_space<hbm>> -> memref<1x64xf32, #tpu.memory_space<hbm>>
      %dma_start3A_91 = tpu.memref_squeeze %dma_start3A_90 : memref<1x64xf32, #tpu.memory_space<hbm>> -> memref<64xf32, #tpu.memory_space<hbm>>
      tpu.enqueue_dma source(%dma_start3A_91 : memref<64xf32, #tpu.memory_space<hbm>>) target(%dma_start3A_88 : memref<64xf32, #tpu.memory_space<vmem>>) target_semaphore(%arg7 : memref<!tpu.dma_semaphore, #tpu.memory_space<semaphore_mem>>)
      %slice3A_92 = vector.extract_strided_slice %get3A_14 {offsets = [5], sizes = [1], strides = [1]} : vector<16xi32> to vector<1xi32>
      %squeeze3A_93 = vector.extract %slice3A_92[0] : i32 from vector<1xi32>
      %add3A_94 = arith.constant 5 : i32
      %add3A_95 = arith.addi %mul3A_12, %add3A_94 : i32
      %dma_start3A_96 = arith.constant 0 : i32
      %dma_start3A_97 = tpu.memref_slice %arg6[%add3A_95, %dma_start3A_96] : memref<128x64xf32, #tpu.memory_space<vmem>> -> memref<1x64xf32, #tpu.memory_space<vmem>>
      %dma_start3A_98 = tpu.memref_squeeze %dma_start3A_97 : memref<1x64xf32, #tpu.memory_space<vmem>> -> memref<64xf32, #tpu.memory_space<vmem>>
      %dma_start3A_99 = arith.constant 0 : i32
      %dma_start3A_100 = tpu.memref_slice %arg3[%squeeze3A_93, %dma_start3A_99] : memref<100000x64xf32, #tpu.memory_space<hbm>> -> memref<1x64xf32, #tpu.memory_space<hbm>>
      %dma_start3A_101 = tpu.memref_squeeze %dma_start3A_100 : memref<1x64xf32, #tpu.memory_space<hbm>> -> memref<64xf32, #tpu.memory_space<hbm>>
      %dma_start3A_102 = arith.constant 0 : i32
      %dma_start3A_103 = tpu.memref_slice %arg6[%add3A_95, %dma_start3A_102] : memref<128x64xf32, #tpu.memory_space<vmem>> -> memref<1x64xf32, #tpu.memory_space<vmem>>
      %dma_start3A_104 = tpu.memref_squeeze %dma_start3A_103 : memref<1x64xf32, #tpu.memory_space<vmem>> -> memref<64xf32, #tpu.memory_space<vmem>>
      %dma_start3A_105 = arith.constant 0 : i32
      %dma_start3A_106 = tpu.memref_slice %arg3[%squeeze3A_93, %dma_start3A_105] : memref<100000x64xf32, #tpu.memory_space<hbm>> -> memref<1x64xf32, #tpu.memory_space<hbm>>
      %dma_start3A_107 = tpu.memref_squeeze %dma_start3A_106 : memref<1x64xf32, #tpu.memory_space<hbm>> -> memref<64xf32, #tpu.memory_space<hbm>>
      tpu.enqueue_dma source(%dma_start3A_107 : memref<64xf32, #tpu.memory_space<hbm>>) target(%dma_start3A_104 : memref<64xf32, #tpu.memory_space<vmem>>) target_semaphore(%arg7 : memref<!tpu.dma_semaphore, #tpu.memory_space<semaphore_mem>>)
      %slice3A_108 = vector.extract_strided_slice %get3A_14 {offsets = [6], sizes = [1], strides = [1]} : vector<16xi32> to vector<1xi32>
      %squeeze3A_109 = vector.extract %slice3A_108[0] : i32 from vector<1xi32>
      %add3A_110 = arith.constant 6 : i32
      %add3A_111 = arith.addi %mul3A_12, %add3A_110 : i32
      %dma_start3A_112 = arith.constant 0 : i32
      %dma_start3A_113 = tpu.memref_slice %arg6[%add3A_111, %dma_start3A_112] : memref<128x64xf32, #tpu.memory_space<vmem>> -> memref<1x64xf32, #tpu.memory_space<vmem>>
      %dma_start3A_114 = tpu.memref_squeeze %dma_start3A_113 : memref<1x64xf32, #tpu.memory_space<vmem>> -> memref<64xf32, #tpu.memory_space<vmem>>
      %dma_start3A_115 = arith.constant 0 : i32
      %dma_start3A_116 = tpu.memref_slice %arg3[%squeeze3A_109, %dma_start3A_115] : memref<100000x64xf32, #tpu.memory_space<hbm>> -> memref<1x64xf32, #tpu.memory_space<hbm>>
      %dma_start3A_117 = tpu.memref_squeeze %dma_start3A_116 : memref<1x64xf32, #tpu.memory_space<hbm>> -> memref<64xf32, #tpu.memory_space<hbm>>
      %dma_start3A_118 = arith.constant 0 : i32
      %dma_start3A_119 = tpu.memref_slice %arg6[%add3A_111, %dma_start3A_118] : memref<128x64xf32, #tpu.memory_space<vmem>> -> memref<1x64xf32, #tpu.memory_space<vmem>>
      %dma_start3A_120 = tpu.memref_squeeze %dma_start3A_119 : memref<1x64xf32, #tpu.memory_space<vmem>> -> memref<64xf32, #tpu.memory_space<vmem>>
      %dma_start3A_121 = arith.constant 0 : i32
      %dma_start3A_122 = tpu.memref_slice %arg3[%squeeze3A_109, %dma_start3A_121] : memref<100000x64xf32, #tpu.memory_space<hbm>> -> memref<1x64xf32, #tpu.memory_space<hbm>>
      %dma_start3A_123 = tpu.memref_squeeze %dma_start3A_122 : memref<1x64xf32, #tpu.memory_space<hbm>> -> memref<64xf32, #tpu.memory_space<hbm>>
      tpu.enqueue_dma source(%dma_start3A_123 : memref<64xf32, #tpu.memory_space<hbm>>) target(%dma_start3A_120 : memref<64xf32, #tpu.memory_space<vmem>>) target_semaphore(%arg7 : memref<!tpu.dma_semaphore, #tpu.memory_space<semaphore_mem>>)
      %slice3A_124 = vector.extract_strided_slice %get3A_14 {offsets = [7], sizes = [1], strides = [1]} : vector<16xi32> to vector<1xi32>
      %squeeze3A_125 = vector.extract %slice3A_124[0] : i32 from vector<1xi32>
      %add3A_126 = arith.constant 7 : i32
      %add3A_127 = arith.addi %mul3A_12, %add3A_126 : i32
      %dma_start3A_128 = arith.constant 0 : i32
      %dma_start3A_129 = tpu.memref_slice %arg6[%add3A_127, %dma_start3A_128] : memref<128x64xf32, #tpu.memory_space<vmem>> -> memref<1x64xf32, #tpu.memory_space<vmem>>
      %dma_start3A_130 = tpu.memref_squeeze %dma_start3A_129 : memref<1x64xf32, #tpu.memory_space<vmem>> -> memref<64xf32, #tpu.memory_space<vmem>>
      %dma_start3A_131 = arith.constant 0 : i32
      %dma_start3A_132 = tpu.memref_slice %arg3[%squeeze3A_125, %dma_start3A_131] : memref<100000x64xf32, #tpu.memory_space<hbm>> -> memref<1x64xf32, #tpu.memory_space<hbm>>
      %dma_start3A_133 = tpu.memref_squeeze %dma_start3A_132 : memref<1x64xf32, #tpu.memory_space<hbm>> -> memref<64xf32, #tpu.memory_space<hbm>>
      %dma_start3A_134 = arith.constant 0 : i32
      %dma_start3A_135 = tpu.memref_slice %arg6[%add3A_127, %dma_start3A_134] : memref<128x64xf32, #tpu.memory_space<vmem>> -> memref<1x64xf32, #tpu.memory_space<vmem>>
      %dma_start3A_136 = tpu.memref_squeeze %dma_start3A_135 : memref<1x64xf32, #tpu.memory_space<vmem>> -> memref<64xf32, #tpu.memory_space<vmem>>
      %dma_start3A_137 = arith.constant 0 : i32
      %dma_start3A_138 = tpu.memref_slice %arg3[%squeeze3A_125, %dma_start3A_137] : memref<100000x64xf32, #tpu.memory_space<hbm>> -> memref<1x64xf32, #tpu.memory_space<hbm>>
      %dma_start3A_139 = tpu.memref_squeeze %dma_start3A_138 : memref<1x64xf32, #tpu.memory_space<hbm>> -> memref<64xf32, #tpu.memory_space<hbm>>
      tpu.enqueue_dma source(%dma_start3A_139 : memref<64xf32, #tpu.memory_space<hbm>>) target(%dma_start3A_136 : memref<64xf32, #tpu.memory_space<vmem>>) target_semaphore(%arg7 : memref<!tpu.dma_semaphore, #tpu.memory_space<semaphore_mem>>)
      %slice3A_140 = vector.extract_strided_slice %get3A_14 {offsets = [8], sizes = [1], strides = [1]} : vector<16xi32> to vector<1xi32>
      %squeeze3A_141 = vector.extract %slice3A_140[0] : i32 from vector<1xi32>
      %add3A_142 = arith.constant 8 : i32
      %add3A_143 = arith.addi %mul3A_12, %add3A_142 : i32
      %dma_start3A_144 = arith.constant 0 : i32
      %dma_start3A_145 = tpu.memref_slice %arg6[%add3A_143, %dma_start3A_144] : memref<128x64xf32, #tpu.memory_space<vmem>> -> memref<1x64xf32, #tpu.memory_space<vmem>>
      %dma_start3A_146 = tpu.memref_squeeze %dma_start3A_145 : memref<1x64xf32, #tpu.memory_space<vmem>> -> memref<64xf32, #tpu.memory_space<vmem>>
      %dma_start3A_147 = arith.constant 0 : i32
      %dma_start3A_148 = tpu.memref_slice %arg3[%squeeze3A_141, %dma_start3A_147] : memref<100000x64xf32, #tpu.memory_space<hbm>> -> memref<1x64xf32, #tpu.memory_space<hbm>>
      %dma_start3A_149 = tpu.memref_squeeze %dma_start3A_148 : memref<1x64xf32, #tpu.memory_space<hbm>> -> memref<64xf32, #tpu.memory_space<hbm>>
      %dma_start3A_150 = arith.constant 0 : i32
      %dma_start3A_151 = tpu.memref_slice %arg6[%add3A_143, %dma_start3A_150] : memref<128x64xf32, #tpu.memory_space<vmem>> -> memref<1x64xf32, #tpu.memory_space<vmem>>
      %dma_start3A_152 = tpu.memref_squeeze %dma_start3A_151 : memref<1x64xf32, #tpu.memory_space<vmem>> -> memref<64xf32, #tpu.memory_space<vmem>>
      %dma_start3A_153 = arith.constant 0 : i32
      %dma_start3A_154 = tpu.memref_slice %arg3[%squeeze3A_141, %dma_start3A_153] : memref<100000x64xf32, #tpu.memory_space<hbm>> -> memref<1x64xf32, #tpu.memory_space<hbm>>
      %dma_start3A_155 = tpu.memref_squeeze %dma_start3A_154 : memref<1x64xf32, #tpu.memory_space<hbm>> -> memref<64xf32, #tpu.memory_space<hbm>>
      tpu.enqueue_dma source(%dma_start3A_155 : memref<64xf32, #tpu.memory_space<hbm>>) target(%dma_start3A_152 : memref<64xf32, #tpu.memory_space<vmem>>) target_semaphore(%arg7 : memref<!tpu.dma_semaphore, #tpu.memory_space<semaphore_mem>>)
      %slice3A_156 = vector.extract_strided_slice %get3A_14 {offsets = [9], sizes = [1], strides = [1]} : vector<16xi32> to vector<1xi32>
      %squeeze3A_157 = vector.extract %slice3A_156[0] : i32 from vector<1xi32>
      %add3A_158 = arith.constant 9 : i32
      %add3A_159 = arith.addi %mul3A_12, %add3A_158 : i32
      %dma_start3A_160 = arith.constant 0 : i32
      %dma_start3A_161 = tpu.memref_slice %arg6[%add3A_159, %dma_start3A_160] : memref<128x64xf32, #tpu.memory_space<vmem>> -> memref<1x64xf32, #tpu.memory_space<vmem>>
      %dma_start3A_162 = tpu.memref_squeeze %dma_start3A_161 : memref<1x64xf32, #tpu.memory_space<vmem>> -> memref<64xf32, #tpu.memory_space<vmem>>
      %dma_start3A_163 = arith.constant 0 : i32
      %dma_start3A_164 = tpu.memref_slice %arg3[%squeeze3A_157, %dma_start3A_163] : memref<100000x64xf32, #tpu.memory_space<hbm>> -> memref<1x64xf32, #tpu.memory_space<hbm>>
      %dma_start3A_165 = tpu.memref_squeeze %dma_start3A_164 : memref<1x64xf32, #tpu.memory_space<hbm>> -> memref<64xf32, #tpu.memory_space<hbm>>
      %dma_start3A_166 = arith.constant 0 : i32
      %dma_start3A_167 = tpu.memref_slice %arg6[%add3A_159, %dma_start3A_166] : memref<128x64xf32, #tpu.memory_space<vmem>> -> memref<1x64xf32, #tpu.memory_space<vmem>>
      %dma_start3A_168 = tpu.memref_squeeze %dma_start3A_167 : memref<1x64xf32, #tpu.memory_space<vmem>> -> memref<64xf32, #tpu.memory_space<vmem>>
      %dma_start3A_169 = arith.constant 0 : i32
      %dma_start3A_170 = tpu.memref_slice %arg3[%squeeze3A_157, %dma_start3A_169] : memref<100000x64xf32, #tpu.memory_space<hbm>> -> memref<1x64xf32, #tpu.memory_space<hbm>>
      %dma_start3A_171 = tpu.memref_squeeze %dma_start3A_170 : memref<1x64xf32, #tpu.memory_space<hbm>> -> memref<64xf32, #tpu.memory_space<hbm>>
      tpu.enqueue_dma source(%dma_start3A_171 : memref<64xf32, #tpu.memory_space<hbm>>) target(%dma_start3A_168 : memref<64xf32, #tpu.memory_space<vmem>>) target_semaphore(%arg7 : memref<!tpu.dma_semaphore, #tpu.memory_space<semaphore_mem>>)
      %slice3A_172 = vector.extract_strided_slice %get3A_14 {offsets = [10], sizes = [1], strides = [1]} : vector<16xi32> to vector<1xi32>
      %squeeze3A_173 = vector.extract %slice3A_172[0] : i32 from vector<1xi32>
      %add3A_174 = arith.constant 10 : i32
      %add3A_175 = arith.addi %mul3A_12, %add3A_174 : i32
      %dma_start3A_176 = arith.constant 0 : i32
      %dma_start3A_177 = tpu.memref_slice %arg6[%add3A_175, %dma_start3A_176] : memref<128x64xf32, #tpu.memory_space<vmem>> -> memref<1x64xf32, #tpu.memory_space<vmem>>
      %dma_start3A_178 = tpu.memref_squeeze %dma_start3A_177 : memref<1x64xf32, #tpu.memory_space<vmem>> -> memref<64xf32, #tpu.memory_space<vmem>>
      %dma_start3A_179 = arith.constant 0 : i32
      %dma_start3A_180 = tpu.memref_slice %arg3[%squeeze3A_173, %dma_start3A_179] : memref<100000x64xf32, #tpu.memory_space<hbm>> -> memref<1x64xf32, #tpu.memory_space<hbm>>
      %dma_start3A_181 = tpu.memref_squeeze %dma_start3A_180 : memref<1x64xf32, #tpu.memory_space<hbm>> -> memref<64xf32, #tpu.memory_space<hbm>>
      %dma_start3A_182 = arith.constant 0 : i32
      %dma_start3A_183 = tpu.memref_slice %arg6[%add3A_175, %dma_start3A_182] : memref<128x64xf32, #tpu.memory_space<vmem>> -> memref<1x64xf32, #tpu.memory_space<vmem>>
      %dma_start3A_184 = tpu.memref_squeeze %dma_start3A_183 : memref<1x64xf32, #tpu.memory_space<vmem>> -> memref<64xf32, #tpu.memory_space<vmem>>
      %dma_start3A_185 = arith.constant 0 : i32
      %dma_start3A_186 = tpu.memref_slice %arg3[%squeeze3A_173, %dma_start3A_185] : memref<100000x64xf32, #tpu.memory_space<hbm>> -> memref<1x64xf32, #tpu.memory_space<hbm>>
      %dma_start3A_187 = tpu.memref_squeeze %dma_start3A_186 : memref<1x64xf32, #tpu.memory_space<hbm>> -> memref<64xf32, #tpu.memory_space<hbm>>
      tpu.enqueue_dma source(%dma_start3A_187 : memref<64xf32, #tpu.memory_space<hbm>>) target(%dma_start3A_184 : memref<64xf32, #tpu.memory_space<vmem>>) target_semaphore(%arg7 : memref<!tpu.dma_semaphore, #tpu.memory_space<semaphore_mem>>)
      %slice3A_188 = vector.extract_strided_slice %get3A_14 {offsets = [11], sizes = [1], strides = [1]} : vector<16xi32> to vector<1xi32>
      %squeeze3A_189 = vector.extract %slice3A_188[0] : i32 from vector<1xi32>
      %add3A_190 = arith.constant 11 : i32
      %add3A_191 = arith.addi %mul3A_12, %add3A_190 : i32
      %dma_start3A_192 = arith.constant 0 : i32
      %dma_start3A_193 = tpu.memref_slice %arg6[%add3A_191, %dma_start3A_192] : memref<128x64xf32, #tpu.memory_space<vmem>> -> memref<1x64xf32, #tpu.memory_space<vmem>>
      %dma_start3A_194 = tpu.memref_squeeze %dma_start3A_193 : memref<1x64xf32, #tpu.memory_space<vmem>> -> memref<64xf32, #tpu.memory_space<vmem>>
      %dma_start3A_195 = arith.constant 0 : i32
      %dma_start3A_196 = tpu.memref_slice %arg3[%squeeze3A_189, %dma_start3A_195] : memref<100000x64xf32, #tpu.memory_space<hbm>> -> memref<1x64xf32, #tpu.memory_space<hbm>>
      %dma_start3A_197 = tpu.memref_squeeze %dma_start3A_196 : memref<1x64xf32, #tpu.memory_space<hbm>> -> memref<64xf32, #tpu.memory_space<hbm>>
      %dma_start3A_198 = arith.constant 0 : i32
      %dma_start3A_199 = tpu.memref_slice %arg6[%add3A_191, %dma_start3A_198] : memref<128x64xf32, #tpu.memory_space<vmem>> -> memref<1x64xf32, #tpu.memory_space<vmem>>
      %dma_start3A_200 = tpu.memref_squeeze %dma_start3A_199 : memref<1x64xf32, #tpu.memory_space<vmem>> -> memref<64xf32, #tpu.memory_space<vmem>>
      %dma_start3A_201 = arith.constant 0 : i32
      %dma_start3A_202 = tpu.memref_slice %arg3[%squeeze3A_189, %dma_start3A_201] : memref<100000x64xf32, #tpu.memory_space<hbm>> -> memref<1x64xf32, #tpu.memory_space<hbm>>
      %dma_start3A_203 = tpu.memref_squeeze %dma_start3A_202 : memref<1x64xf32, #tpu.memory_space<hbm>> -> memref<64xf32, #tpu.memory_space<hbm>>
      tpu.enqueue_dma source(%dma_start3A_203 : memref<64xf32, #tpu.memory_space<hbm>>) target(%dma_start3A_200 : memref<64xf32, #tpu.memory_space<vmem>>) target_semaphore(%arg7 : memref<!tpu.dma_semaphore, #tpu.memory_space<semaphore_mem>>)
      %slice3A_204 = vector.extract_strided_slice %get3A_14 {offsets = [12], sizes = [1], strides = [1]} : vector<16xi32> to vector<1xi32>
      %squeeze3A_205 = vector.extract %slice3A_204[0] : i32 from vector<1xi32>
      %add3A_206 = arith.constant 12 : i32
      %add3A_207 = arith.addi %mul3A_12, %add3A_206 : i32
      %dma_start3A_208 = arith.constant 0 : i32
      %dma_start3A_209 = tpu.memref_slice %arg6[%add3A_207, %dma_start3A_208] : memref<128x64xf32, #tpu.memory_space<vmem>> -> memref<1x64xf32, #tpu.memory_space<vmem>>
      %dma_start3A_210 = tpu.memref_squeeze %dma_start3A_209 : memref<1x64xf32, #tpu.memory_space<vmem>> -> memref<64xf32, #tpu.memory_space<vmem>>
      %dma_start3A_211 = arith.constant 0 : i32
      %dma_start3A_212 = tpu.memref_slice %arg3[%squeeze3A_205, %dma_start3A_211] : memref<100000x64xf32, #tpu.memory_space<hbm>> -> memref<1x64xf32, #tpu.memory_space<hbm>>
      %dma_start3A_213 = tpu.memref_squeeze %dma_start3A_212 : memref<1x64xf32, #tpu.memory_space<hbm>> -> memref<64xf32, #tpu.memory_space<hbm>>
      %dma_start3A_214 = arith.constant 0 : i32
      %dma_start3A_215 = tpu.memref_slice %arg6[%add3A_207, %dma_start3A_214] : memref<128x64xf32, #tpu.memory_space<vmem>> -> memref<1x64xf32, #tpu.memory_space<vmem>>
      %dma_start3A_216 = tpu.memref_squeeze %dma_start3A_215 : memref<1x64xf32, #tpu.memory_space<vmem>> -> memref<64xf32, #tpu.memory_space<vmem>>
      %dma_start3A_217 = arith.constant 0 : i32
      %dma_start3A_218 = tpu.memref_slice %arg3[%squeeze3A_205, %dma_start3A_217] : memref<100000x64xf32, #tpu.memory_space<hbm>> -> memref<1x64xf32, #tpu.memory_space<hbm>>
      %dma_start3A_219 = tpu.memref_squeeze %dma_start3A_218 : memref<1x64xf32, #tpu.memory_space<hbm>> -> memref<64xf32, #tpu.memory_space<hbm>>
      tpu.enqueue_dma source(%dma_start3A_219 : memref<64xf32, #tpu.memory_space<hbm>>) target(%dma_start3A_216 : memref<64xf32, #tpu.memory_space<vmem>>) target_semaphore(%arg7 : memref<!tpu.dma_semaphore, #tpu.memory_space<semaphore_mem>>)
      %slice3A_220 = vector.extract_strided_slice %get3A_14 {offsets = [13], sizes = [1], strides = [1]} : vector<16xi32> to vector<1xi32>
      %squeeze3A_221 = vector.extract %slice3A_220[0] : i32 from vector<1xi32>
      %add3A_222 = arith.constant 13 : i32
      %add3A_223 = arith.addi %mul3A_12, %add3A_222 : i32
      %dma_start3A_224 = arith.constant 0 : i32
      %dma_start3A_225 = tpu.memref_slice %arg6[%add3A_223, %dma_start3A_224] : memref<128x64xf32, #tpu.memory_space<vmem>> -> memref<1x64xf32, #tpu.memory_space<vmem>>
      %dma_start3A_226 = tpu.memref_squeeze %dma_start3A_225 : memref<1x64xf32, #tpu.memory_space<vmem>> -> memref<64xf32, #tpu.memory_space<vmem>>
      %dma_start3A_227 = arith.constant 0 : i32
      %dma_start3A_228 = tpu.memref_slice %arg3[%squeeze3A_221, %dma_start3A_227] : memref<100000x64xf32, #tpu.memory_space<hbm>> -> memref<1x64xf32, #tpu.memory_space<hbm>>
      %dma_start3A_229 = tpu.memref_squeeze %dma_start3A_228 : memref<1x64xf32, #tpu.memory_space<hbm>> -> memref<64xf32, #tpu.memory_space<hbm>>
      %dma_start3A_230 = arith.constant 0 : i32
      %dma_start3A_231 = tpu.memref_slice %arg6[%add3A_223, %dma_start3A_230] : memref<128x64xf32, #tpu.memory_space<vmem>> -> memref<1x64xf32, #tpu.memory_space<vmem>>
      %dma_start3A_232 = tpu.memref_squeeze %dma_start3A_231 : memref<1x64xf32, #tpu.memory_space<vmem>> -> memref<64xf32, #tpu.memory_space<vmem>>
      %dma_start3A_233 = arith.constant 0 : i32
      %dma_start3A_234 = tpu.memref_slice %arg3[%squeeze3A_221, %dma_start3A_233] : memref<100000x64xf32, #tpu.memory_space<hbm>> -> memref<1x64xf32, #tpu.memory_space<hbm>>
      %dma_start3A_235 = tpu.memref_squeeze %dma_start3A_234 : memref<1x64xf32, #tpu.memory_space<hbm>> -> memref<64xf32, #tpu.memory_space<hbm>>
      tpu.enqueue_dma source(%dma_start3A_235 : memref<64xf32, #tpu.memory_space<hbm>>) target(%dma_start3A_232 : memref<64xf32, #tpu.memory_space<vmem>>) target_semaphore(%arg7 : memref<!tpu.dma_semaphore, #tpu.memory_space<semaphore_mem>>)
      %slice3A_236 = vector.extract_strided_slice %get3A_14 {offsets = [14], sizes = [1], strides = [1]} : vector<16xi32> to vector<1xi32>
      %squeeze3A_237 = vector.extract %slice3A_236[0] : i32 from vector<1xi32>
      %add3A_238 = arith.constant 14 : i32
      %add3A_239 = arith.addi %mul3A_12, %add3A_238 : i32
      %dma_start3A_240 = arith.constant 0 : i32
      %dma_start3A_241 = tpu.memref_slice %arg6[%add3A_239, %dma_start3A_240] : memref<128x64xf32, #tpu.memory_space<vmem>> -> memref<1x64xf32, #tpu.memory_space<vmem>>
      %dma_start3A_242 = tpu.memref_squeeze %dma_start3A_241 : memref<1x64xf32, #tpu.memory_space<vmem>> -> memref<64xf32, #tpu.memory_space<vmem>>
      %dma_start3A_243 = arith.constant 0 : i32
      %dma_start3A_244 = tpu.memref_slice %arg3[%squeeze3A_237, %dma_start3A_243] : memref<100000x64xf32, #tpu.memory_space<hbm>> -> memref<1x64xf32, #tpu.memory_space<hbm>>
      %dma_start3A_245 = tpu.memref_squeeze %dma_start3A_244 : memref<1x64xf32, #tpu.memory_space<hbm>> -> memref<64xf32, #tpu.memory_space<hbm>>
      %dma_start3A_246 = arith.constant 0 : i32
      %dma_start3A_247 = tpu.memref_slice %arg6[%add3A_239, %dma_start3A_246] : memref<128x64xf32, #tpu.memory_space<vmem>> -> memref<1x64xf32, #tpu.memory_space<vmem>>
      %dma_start3A_248 = tpu.memref_squeeze %dma_start3A_247 : memref<1x64xf32, #tpu.memory_space<vmem>> -> memref<64xf32, #tpu.memory_space<vmem>>
      %dma_start3A_249 = arith.constant 0 : i32
      %dma_start3A_250 = tpu.memref_slice %arg3[%squeeze3A_237, %dma_start3A_249] : memref<100000x64xf32, #tpu.memory_space<hbm>> -> memref<1x64xf32, #tpu.memory_space<hbm>>
      %dma_start3A_251 = tpu.memref_squeeze %dma_start3A_250 : memref<1x64xf32, #tpu.memory_space<hbm>> -> memref<64xf32, #tpu.memory_space<hbm>>
      tpu.enqueue_dma source(%dma_start3A_251 : memref<64xf32, #tpu.memory_space<hbm>>) target(%dma_start3A_248 : memref<64xf32, #tpu.memory_space<vmem>>) target_semaphore(%arg7 : memref<!tpu.dma_semaphore, #tpu.memory_space<semaphore_mem>>)
      %slice3A_252 = vector.extract_strided_slice %get3A_14 {offsets = [15], sizes = [1], strides = [1]} : vector<16xi32> to vector<1xi32>
      %squeeze3A_253 = vector.extract %slice3A_252[0] : i32 from vector<1xi32>
      %add3A_254 = arith.constant 15 : i32
      %add3A_255 = arith.addi %mul3A_12, %add3A_254 : i32
      %dma_start3A_256 = arith.constant 0 : i32
      %dma_start3A_257 = tpu.memref_slice %arg6[%add3A_255, %dma_start3A_256] : memref<128x64xf32, #tpu.memory_space<vmem>> -> memref<1x64xf32, #tpu.memory_space<vmem>>
      %dma_start3A_258 = tpu.memref_squeeze %dma_start3A_257 : memref<1x64xf32, #tpu.memory_space<vmem>> -> memref<64xf32, #tpu.memory_space<vmem>>
      %dma_start3A_259 = arith.constant 0 : i32
      %dma_start3A_260 = tpu.memref_slice %arg3[%squeeze3A_253, %dma_start3A_259] : memref<100000x64xf32, #tpu.memory_space<hbm>> -> memref<1x64xf32, #tpu.memory_space<hbm>>
      %dma_start3A_261 = tpu.memref_squeeze %dma_start3A_260 : memref<1x64xf32, #tpu.memory_space<hbm>> -> memref<64xf32, #tpu.memory_space<hbm>>
      %dma_start3A_262 = arith.constant 0 : i32
      %dma_start3A_263 = tpu.memref_slice %arg6[%add3A_255, %dma_start3A_262] : memref<128x64xf32, #tpu.memory_space<vmem>> -> memref<1x64xf32, #tpu.memory_space<vmem>>
      %dma_start3A_264 = tpu.memref_squeeze %dma_start3A_263 : memref<1x64xf32, #tpu.memory_space<vmem>> -> memref<64xf32, #tpu.memory_space<vmem>>
      %dma_start3A_265 = arith.constant 0 : i32
      %dma_start3A_266 = tpu.memref_slice %arg3[%squeeze3A_253, %dma_start3A_265] : memref<100000x64xf32, #tpu.memory_space<hbm>> -> memref<1x64xf32, #tpu.memory_space<hbm>>
      %dma_start3A_267 = tpu.memref_squeeze %dma_start3A_266 : memref<1x64xf32, #tpu.memory_space<hbm>> -> memref<64xf32, #tpu.memory_space<hbm>>
      tpu.enqueue_dma source(%dma_start3A_267 : memref<64xf32, #tpu.memory_space<hbm>>) target(%dma_start3A_264 : memref<64xf32, #tpu.memory_space<vmem>>) target_semaphore(%arg7 : memref<!tpu.dma_semaphore, #tpu.memory_space<semaphore_mem>>)
      %scan3A_268 = arith.constant 0 : i32
      %scan3A_269 = arith.constant 0 : i32
      %scan3A_270 = arith.constant 16 : i32
      %scan3A_271 = arith.addi %scan3A_269, %scan3A_270 : i32
      %scan3A_272 = arith.constant 1 : i32
      %scan3A_273 = scf.for %scan3A_276 = %scan3A_269 to %scan3A_271 step %scan3A_272 iter_args(%scan3A_277 = %scan3A_268) -> (i32)  : i32 {
        %dma_wait3A = arith.constant 0 : i32
        %dma_wait3A_278 = arith.constant 0 : i32
        %dma_wait3A_279 = arith.constant 0 : i32
        %dma_wait3A_280 = tpu.memref_slice %arg6[%dma_wait3A_278, %dma_wait3A_279] : memref<128x64xf32, #tpu.memory_space<vmem>> -> memref<1x64xf32, #tpu.memory_space<vmem>>
        %dma_wait3A_281 = tpu.memref_squeeze %dma_wait3A_280 : memref<1x64xf32, #tpu.memory_space<vmem>> -> memref<64xf32, #tpu.memory_space<vmem>>
        %dma_wait3A_282 = arith.constant 0 : i32
        %dma_wait3A_283 = tpu.memref_slice %arg3[%dma_wait3A, %dma_wait3A_282] : memref<100000x64xf32, #tpu.memory_space<hbm>> -> memref<1x64xf32, #tpu.memory_space<hbm>>
        %dma_wait3A_284 = tpu.memref_squeeze %dma_wait3A_283 : memref<1x64xf32, #tpu.memory_space<hbm>> -> memref<64xf32, #tpu.memory_space<hbm>>
        %dma_wait3A_285 = arith.constant 0 : i32
        %dma_wait3A_286 = tpu.memref_slice %arg6[%dma_wait3A_278, %dma_wait3A_285] : memref<128x64xf32, #tpu.memory_space<vmem>> -> memref<1x64xf32, #tpu.memory_space<vmem>>
        %dma_wait3A_287 = tpu.memref_squeeze %dma_wait3A_286 : memref<1x64xf32, #tpu.memory_space<vmem>> -> memref<64xf32, #tpu.memory_space<vmem>>
        %dma_wait3A_288 = arith.constant 0 : i32
        %dma_wait3A_289 = tpu.memref_slice %arg3[%dma_wait3A, %dma_wait3A_288] : memref<100000x64xf32, #tpu.memory_space<hbm>> -> memref<1x64xf32, #tpu.memory_space<hbm>>
        %dma_wait3A_290 = tpu.memref_squeeze %dma_wait3A_289 : memref<1x64xf32, #tpu.memory_space<hbm>> -> memref<64xf32, #tpu.memory_space<hbm>>
        tpu.wait_dma2 semaphore(%arg7 : memref<!tpu.dma_semaphore, #tpu.memory_space<semaphore_mem>>) src(%dma_wait3A_290 : memref<64xf32, #tpu.memory_space<hbm>>) dst(%dma_wait3A_287 : memref<64xf32, #tpu.memory_space<vmem>>)
        %scan3A_291 = arith.constant 0 : i32
        scf.yield %scan3A_291 : i32
      }
      %scan3A_274 = arith.constant 16 : i32
      %scan3A_275 = arith.constant 0 : i32
      scf.yield %scan3A_275 : i32
    }
    %scan3A_8 = arith.constant 8 : i32
    "tpu.region"() ({
      %run_scoped3A = tpu.sem_alloc : memref<!tpu.dma_semaphore, #tpu.memory_space<semaphore_mem>>
      %dma_start3A = arith.constant 0 : i32
      %dma_start3A_9 = tpu.memref_slice %arg4[%mul3A_2, %dma_start3A] : memref<4096x64xf32, #tpu.memory_space<hbm>> -> memref<128x64xf32, #tpu.memory_space<hbm>>
      %dma_start3A_10 = arith.constant 0 : i32
      %dma_start3A_11 = tpu.memref_slice %arg4[%mul3A_2, %dma_start3A_10] : memref<4096x64xf32, #tpu.memory_space<hbm>> -> memref<128x64xf32, #tpu.memory_space<hbm>>
      tpu.enqueue_dma source(%arg6 : memref<128x64xf32, #tpu.memory_space<vmem>>) target(%dma_start3A_11 : memref<128x64xf32, #tpu.memory_space<hbm>>) target_semaphore(%run_scoped3A : memref<!tpu.dma_semaphore, #tpu.memory_space<semaphore_mem>>)
      %dma_wait3A = arith.constant 0 : i32
      %dma_wait3A_12 = tpu.memref_slice %arg4[%mul3A_2, %dma_wait3A] : memref<4096x64xf32, #tpu.memory_space<hbm>> -> memref<128x64xf32, #tpu.memory_space<hbm>>
      %dma_wait3A_13 = arith.constant 0 : i32
      %dma_wait3A_14 = tpu.memref_slice %arg4[%mul3A_2, %dma_wait3A_13] : memref<4096x64xf32, #tpu.memory_space<hbm>> -> memref<128x64xf32, #tpu.memory_space<hbm>>
      tpu.wait_dma2 semaphore(%run_scoped3A : memref<!tpu.dma_semaphore, #tpu.memory_space<semaphore_mem>>) src(%arg6 : memref<128x64xf32, #tpu.memory_space<vmem>>) dst(%dma_wait3A_14 : memref<128x64xf32, #tpu.memory_space<hbm>>)
      tpu.yield
    }) : () -> ()
    return
  }
}

#map = affine_map<(d0, d1) -> (0)>
#map1 = affine_map<(d0, d1) -> (0, 0)>
module attributes {stable_mosaic.version = 14 : i64} {
  func.func @_gather(%arg0: i32, %arg1: i32, %arg2: memref<4096xi32, #tpu.memory_space<hbm>>, %arg3: memref<100000x64xf32, #tpu.memory_space<hbm>>, %arg4: memref<4096x64xf32, #tpu.memory_space<hbm>>, %arg5: memref<128xi32, #tpu.memory_space<vmem>>, %arg6: memref<128x64xf32, #tpu.memory_space<vmem>>, %arg7: memref<!tpu.dma_semaphore, #tpu.memory_space<semaphore_mem>>) attributes {dimension_semantics = [#tpu.dimension_semantics<core_parallel>, #tpu.dimension_semantics<subcore_parallel>], iteration_bounds = array<i64: 2, 16>, scalar_prefetch = 0 : i64, scratch_operands = 3 : i64, tpu.core_type = #tpu.core_type<sc_vector_subcore>, window_params = [{transform_indices = #map}, {transform_indices = #map1}, {transform_indices = #map1}]} {
    %mul3A = arith.constant 2 : i32
    %mul3A_0 = arith.muli %arg1, %mul3A : i32
    %add3A = arith.addi %mul3A_0, %arg0 : i32
    %mul3A_1 = arith.constant 128 : i32
    %mul3A_2 = arith.muli %add3A, %mul3A_1 : i32
    "tpu.region"() ({
      %run_scoped3A = tpu.sem_alloc : memref<!tpu.dma_semaphore, #tpu.memory_space<semaphore_mem>>
      %dma_start3A = tpu.memref_slice %arg2[%mul3A_2] : memref<4096xi32, #tpu.memory_space<hbm>> -> memref<128xi32, #tpu.memory_space<hbm>>
      %dma_start3A_9 = tpu.memref_slice %arg2[%mul3A_2] : memref<4096xi32, #tpu.memory_space<hbm>> -> memref<128xi32, #tpu.memory_space<hbm>>
      tpu.enqueue_dma source(%dma_start3A_9 : memref<128xi32, #tpu.memory_space<hbm>>) target(%arg5 : memref<128xi32, #tpu.memory_space<vmem>>) target_semaphore(%run_scoped3A : memref<!tpu.dma_semaphore, #tpu.memory_space<semaphore_mem>>)
      %dma_wait3A = tpu.memref_slice %arg2[%mul3A_2] : memref<4096xi32, #tpu.memory_space<hbm>> -> memref<128xi32, #tpu.memory_space<hbm>>
      %dma_wait3A_10 = tpu.memref_slice %arg2[%mul3A_2] : memref<4096xi32, #tpu.memory_space<hbm>> -> memref<128xi32, #tpu.memory_space<hbm>>
      tpu.wait_dma2 semaphore(%run_scoped3A : memref<!tpu.dma_semaphore, #tpu.memory_space<semaphore_mem>>) src(%dma_wait3A_10 : memref<128xi32, #tpu.memory_space<hbm>>) dst(%arg5 : memref<128xi32, #tpu.memory_space<vmem>>)
      tpu.yield
    }) : () -> ()
    %scan3A = arith.constant 0 : i32
    %scan3A_3 = arith.constant 0 : i32
    %scan3A_4 = arith.constant 8 : i32
    %scan3A_5 = arith.addi %scan3A_3, %scan3A_4 : i32
    %scan3A_6 = arith.constant 1 : i32
    %scan3A_7 = scf.for %scan3A_9 = %scan3A_3 to %scan3A_5 step %scan3A_6 iter_args(%scan3A_10 = %scan3A) -> (i32)  : i32 {
      %mul3A_11 = arith.constant 16 : i32
      %mul3A_12 = arith.muli %scan3A_9, %mul3A_11 : i32
      %get3A = arith.index_cast %mul3A_12 : i32 to index
      %get3A_13 = tpu.vector_load %arg5[%get3A] {strides = array<i32>} : memref<128xi32, #tpu.memory_space<vmem>>, vector<16xi32>,
      %get3A_14 = vector.shape_cast %get3A_13 : vector<16xi32> to vector<16xi32>
      %slice3A = vector.extract_strided_slice %get3A_14 {offsets = [0], sizes = [1], strides = [1]} : vector<16xi32> to vector<1xi32>
      %squeeze3A = vector.extract %slice3A[0] : i32 from vector<1xi32>
      %add3A_15 = arith.constant 0 : i32
      %add3A_16 = arith.addi %mul3A_12, %add3A_15 : i32
      %dma_start3A = arith.constant 0 : i32
      %dma_start3A_17 = tpu.memref_slice %arg6[%add3A_16, %dma_start3A] : memref<128x64xf32, #tpu.memory_space<vmem>> -> memref<1x64xf32, #tpu.memory_space<vmem>>
      %dma_start3A_18 = tpu.memref_squeeze %dma_start3A_17 : memref<1x64xf32, #tpu.memory_space<vmem>> -> memref<64xf32, #tpu.memory_space<vmem>>
      %dma_start3A_19 = arith.constant 0 : i32
      %dma_start3A_20 = tpu.memref_slice %arg3[%squeeze3A, %dma_start3A_19] : memref<100000x64xf32, #tpu.memory_space<hbm>> -> memref<1x64xf32, #tpu.memory_space<hbm>>
      %dma_start3A_21 = tpu.memref_squeeze %dma_start3A_20 : memref<1x64xf32, #tpu.memory_space<hbm>> -> memref<64xf32, #tpu.memory_space<hbm>>
      %dma_start3A_22 = arith.constant 0 : i32
      %dma_start3A_23 = tpu.memref_slice %arg6[%add3A_16, %dma_start3A_22] : memref<128x64xf32, #tpu.memory_space<vmem>> -> memref<1x64xf32, #tpu.memory_space<vmem>>
      %dma_start3A_24 = tpu.memref_squeeze %dma_start3A_23 : memref<1x64xf32, #tpu.memory_space<vmem>> -> memref<64xf32, #tpu.memory_space<vmem>>
      %dma_start3A_25 = arith.constant 0 : i32
      %dma_start3A_26 = tpu.memref_slice %arg3[%squeeze3A, %dma_start3A_25] : memref<100000x64xf32, #tpu.memory_space<hbm>> -> memref<1x64xf32, #tpu.memory_space<hbm>>
      %dma_start3A_27 = tpu.memref_squeeze %dma_start3A_26 : memref<1x64xf32, #tpu.memory_space<hbm>> -> memref<64xf32, #tpu.memory_space<hbm>>
      tpu.enqueue_dma source(%dma_start3A_27 : memref<64xf32, #tpu.memory_space<hbm>>) target(%dma_start3A_24 : memref<64xf32, #tpu.memory_space<vmem>>) target_semaphore(%arg7 : memref<!tpu.dma_semaphore, #tpu.memory_space<semaphore_mem>>)
      %slice3A_28 = vector.extract_strided_slice %get3A_14 {offsets = [1], sizes = [1], strides = [1]} : vector<16xi32> to vector<1xi32>
      %squeeze3A_29 = vector.extract %slice3A_28[0] : i32 from vector<1xi32>
      %add3A_30 = arith.constant 1 : i32
      %add3A_31 = arith.addi %mul3A_12, %add3A_30 : i32
      %dma_start3A_32 = arith.constant 0 : i32
      %dma_start3A_33 = tpu.memref_slice %arg6[%add3A_31, %dma_start3A_32] : memref<128x64xf32, #tpu.memory_space<vmem>> -> memref<1x64xf32, #tpu.memory_space<vmem>>
      %dma_start3A_34 = tpu.memref_squeeze %dma_start3A_33 : memref<1x64xf32, #tpu.memory_space<vmem>> -> memref<64xf32, #tpu.memory_space<vmem>>
      %dma_start3A_35 = arith.constant 0 : i32
      %dma_start3A_36 = tpu.memref_slice %arg3[%squeeze3A_29, %dma_start3A_35] : memref<100000x64xf32, #tpu.memory_space<hbm>> -> memref<1x64xf32, #tpu.memory_space<hbm>>
      %dma_start3A_37 = tpu.memref_squeeze %dma_start3A_36 : memref<1x64xf32, #tpu.memory_space<hbm>> -> memref<64xf32, #tpu.memory_space<hbm>>
      %dma_start3A_38 = arith.constant 0 : i32
      %dma_start3A_39 = tpu.memref_slice %arg6[%add3A_31, %dma_start3A_38] : memref<128x64xf32, #tpu.memory_space<vmem>> -> memref<1x64xf32, #tpu.memory_space<vmem>>
      %dma_start3A_40 = tpu.memref_squeeze %dma_start3A_39 : memref<1x64xf32, #tpu.memory_space<vmem>> -> memref<64xf32, #tpu.memory_space<vmem>>
      %dma_start3A_41 = arith.constant 0 : i32
      %dma_start3A_42 = tpu.memref_slice %arg3[%squeeze3A_29, %dma_start3A_41] : memref<100000x64xf32, #tpu.memory_space<hbm>> -> memref<1x64xf32, #tpu.memory_space<hbm>>
      %dma_start3A_43 = tpu.memref_squeeze %dma_start3A_42 : memref<1x64xf32, #tpu.memory_space<hbm>> -> memref<64xf32, #tpu.memory_space<hbm>>
      tpu.enqueue_dma source(%dma_start3A_43 : memref<64xf32, #tpu.memory_space<hbm>>) target(%dma_start3A_40 : memref<64xf32, #tpu.memory_space<vmem>>) target_semaphore(%arg7 : memref<!tpu.dma_semaphore, #tpu.memory_space<semaphore_mem>>)
      %slice3A_44 = vector.extract_strided_slice %get3A_14 {offsets = [2], sizes = [1], strides = [1]} : vector<16xi32> to vector<1xi32>
      %squeeze3A_45 = vector.extract %slice3A_44[0] : i32 from vector<1xi32>
      %add3A_46 = arith.constant 2 : i32
      %add3A_47 = arith.addi %mul3A_12, %add3A_46 : i32
      %dma_start3A_48 = arith.constant 0 : i32
      %dma_start3A_49 = tpu.memref_slice %arg6[%add3A_47, %dma_start3A_48] : memref<128x64xf32, #tpu.memory_space<vmem>> -> memref<1x64xf32, #tpu.memory_space<vmem>>
      %dma_start3A_50 = tpu.memref_squeeze %dma_start3A_49 : memref<1x64xf32, #tpu.memory_space<vmem>> -> memref<64xf32, #tpu.memory_space<vmem>>
      %dma_start3A_51 = arith.constant 0 : i32
      %dma_start3A_52 = tpu.memref_slice %arg3[%squeeze3A_45, %dma_start3A_51] : memref<100000x64xf32, #tpu.memory_space<hbm>> -> memref<1x64xf32, #tpu.memory_space<hbm>>
      %dma_start3A_53 = tpu.memref_squeeze %dma_start3A_52 : memref<1x64xf32, #tpu.memory_space<hbm>> -> memref<64xf32, #tpu.memory_space<hbm>>
      %dma_start3A_54 = arith.constant 0 : i32
      %dma_start3A_55 = tpu.memref_slice %arg6[%add3A_47, %dma_start3A_54] : memref<128x64xf32, #tpu.memory_space<vmem>> -> memref<1x64xf32, #tpu.memory_space<vmem>>
      %dma_start3A_56 = tpu.memref_squeeze %dma_start3A_55 : memref<1x64xf32, #tpu.memory_space<vmem>> -> memref<64xf32, #tpu.memory_space<vmem>>
      %dma_start3A_57 = arith.constant 0 : i32
      %dma_start3A_58 = tpu.memref_slice %arg3[%squeeze3A_45, %dma_start3A_57] : memref<100000x64xf32, #tpu.memory_space<hbm>> -> memref<1x64xf32, #tpu.memory_space<hbm>>
      %dma_start3A_59 = tpu.memref_squeeze %dma_start3A_58 : memref<1x64xf32, #tpu.memory_space<hbm>> -> memref<64xf32, #tpu.memory_space<hbm>>
      tpu.enqueue_dma source(%dma_start3A_59 : memref<64xf32, #tpu.memory_space<hbm>>) target(%dma_start3A_56 : memref<64xf32, #tpu.memory_space<vmem>>) target_semaphore(%arg7 : memref<!tpu.dma_semaphore, #tpu.memory_space<semaphore_mem>>)
      %slice3A_60 = vector.extract_strided_slice %get3A_14 {offsets = [3], sizes = [1], strides = [1]} : vector<16xi32> to vector<1xi32>
      %squeeze3A_61 = vector.extract %slice3A_60[0] : i32 from vector<1xi32>
      %add3A_62 = arith.constant 3 : i32
      %add3A_63 = arith.addi %mul3A_12, %add3A_62 : i32
      %dma_start3A_64 = arith.constant 0 : i32
      %dma_start3A_65 = tpu.memref_slice %arg6[%add3A_63, %dma_start3A_64] : memref<128x64xf32, #tpu.memory_space<vmem>> -> memref<1x64xf32, #tpu.memory_space<vmem>>
      %dma_start3A_66 = tpu.memref_squeeze %dma_start3A_65 : memref<1x64xf32, #tpu.memory_space<vmem>> -> memref<64xf32, #tpu.memory_space<vmem>>
      %dma_start3A_67 = arith.constant 0 : i32
      %dma_start3A_68 = tpu.memref_slice %arg3[%squeeze3A_61, %dma_start3A_67] : memref<100000x64xf32, #tpu.memory_space<hbm>> -> memref<1x64xf32, #tpu.memory_space<hbm>>
      %dma_start3A_69 = tpu.memref_squeeze %dma_start3A_68 : memref<1x64xf32, #tpu.memory_space<hbm>> -> memref<64xf32, #tpu.memory_space<hbm>>
      %dma_start3A_70 = arith.constant 0 : i32
      %dma_start3A_71 = tpu.memref_slice %arg6[%add3A_63, %dma_start3A_70] : memref<128x64xf32, #tpu.memory_space<vmem>> -> memref<1x64xf32, #tpu.memory_space<vmem>>
      %dma_start3A_72 = tpu.memref_squeeze %dma_start3A_71 : memref<1x64xf32, #tpu.memory_space<vmem>> -> memref<64xf32, #tpu.memory_space<vmem>>
      %dma_start3A_73 = arith.constant 0 : i32
      %dma_start3A_74 = tpu.memref_slice %arg3[%squeeze3A_61, %dma_start3A_73] : memref<100000x64xf32, #tpu.memory_space<hbm>> -> memref<1x64xf32, #tpu.memory_space<hbm>>
      %dma_start3A_75 = tpu.memref_squeeze %dma_start3A_74 : memref<1x64xf32, #tpu.memory_space<hbm>> -> memref<64xf32, #tpu.memory_space<hbm>>
      tpu.enqueue_dma source(%dma_start3A_75 : memref<64xf32, #tpu.memory_space<hbm>>) target(%dma_start3A_72 : memref<64xf32, #tpu.memory_space<vmem>>) target_semaphore(%arg7 : memref<!tpu.dma_semaphore, #tpu.memory_space<semaphore_mem>>)
      %slice3A_76 = vector.extract_strided_slice %get3A_14 {offsets = [4], sizes = [1], strides = [1]} : vector<16xi32> to vector<1xi32>
      %squeeze3A_77 = vector.extract %slice3A_76[0] : i32 from vector<1xi32>
      %add3A_78 = arith.constant 4 : i32
      %add3A_79 = arith.addi %mul3A_12, %add3A_78 : i32
      %dma_start3A_80 = arith.constant 0 : i32
      %dma_start3A_81 = tpu.memref_slice %arg6[%add3A_79, %dma_start3A_80] : memref<128x64xf32, #tpu.memory_space<vmem>> -> memref<1x64xf32, #tpu.memory_space<vmem>>
      %dma_start3A_82 = tpu.memref_squeeze %dma_start3A_81 : memref<1x64xf32, #tpu.memory_space<vmem>> -> memref<64xf32, #tpu.memory_space<vmem>>
      %dma_start3A_83 = arith.constant 0 : i32
      %dma_start3A_84 = tpu.memref_slice %arg3[%squeeze3A_77, %dma_start3A_83] : memref<100000x64xf32, #tpu.memory_space<hbm>> -> memref<1x64xf32, #tpu.memory_space<hbm>>
      %dma_start3A_85 = tpu.memref_squeeze %dma_start3A_84 : memref<1x64xf32, #tpu.memory_space<hbm>> -> memref<64xf32, #tpu.memory_space<hbm>>
      %dma_start3A_86 = arith.constant 0 : i32
      %dma_start3A_87 = tpu.memref_slice %arg6[%add3A_79, %dma_start3A_86] : memref<128x64xf32, #tpu.memory_space<vmem>> -> memref<1x64xf32, #tpu.memory_space<vmem>>
      %dma_start3A_88 = tpu.memref_squeeze %dma_start3A_87 : memref<1x64xf32, #tpu.memory_space<vmem>> -> memref<64xf32, #tpu.memory_space<vmem>>
      %dma_start3A_89 = arith.constant 0 : i32
      %dma_start3A_90 = tpu.memref_slice %arg3[%squeeze3A_77, %dma_start3A_89] : memref<100000x64xf32, #tpu.memory_space<hbm>> -> memref<1x64xf32, #tpu.memory_space<hbm>>
      %dma_start3A_91 = tpu.memref_squeeze %dma_start3A_90 : memref<1x64xf32, #tpu.memory_space<hbm>> -> memref<64xf32, #tpu.memory_space<hbm>>
      tpu.enqueue_dma source(%dma_start3A_91 : memref<64xf32, #tpu.memory_space<hbm>>) target(%dma_start3A_88 : memref<64xf32, #tpu.memory_space<vmem>>) target_semaphore(%arg7 : memref<!tpu.dma_semaphore, #tpu.memory_space<semaphore_mem>>)
      %slice3A_92 = vector.extract_strided_slice %get3A_14 {offsets = [5], sizes = [1], strides = [1]} : vector<16xi32> to vector<1xi32>
      %squeeze3A_93 = vector.extract %slice3A_92[0] : i32 from vector<1xi32>
      %add3A_94 = arith.constant 5 : i32
      %add3A_95 = arith.addi %mul3A_12, %add3A_94 : i32
      %dma_start3A_96 = arith.constant 0 : i32
      %dma_start3A_97 = tpu.memref_slice %arg6[%add3A_95, %dma_start3A_96] : memref<128x64xf32, #tpu.memory_space<vmem>> -> memref<1x64xf32, #tpu.memory_space<vmem>>
      %dma_start3A_98 = tpu.memref_squeeze %dma_start3A_97 : memref<1x64xf32, #tpu.memory_space<vmem>> -> memref<64xf32, #tpu.memory_space<vmem>>
      %dma_start3A_99 = arith.constant 0 : i32
      %dma_start3A_100 = tpu.memref_slice %arg3[%squeeze3A_93, %dma_start3A_99] : memref<100000x64xf32, #tpu.memory_space<hbm>> -> memref<1x64xf32, #tpu.memory_space<hbm>>
      %dma_start3A_101 = tpu.memref_squeeze %dma_start3A_100 : memref<1x64xf32, #tpu.memory_space<hbm>> -> memref<64xf32, #tpu.memory_space<hbm>>
      %dma_start3A_102 = arith.constant 0 : i32
      %dma_start3A_103 = tpu.memref_slice %arg6[%add3A_95, %dma_start3A_102] : memref<128x64xf32, #tpu.memory_space<vmem>> -> memref<1x64xf32, #tpu.memory_space<vmem>>
      %dma_start3A_104 = tpu.memref_squeeze %dma_start3A_103 : memref<1x64xf32, #tpu.memory_space<vmem>> -> memref<64xf32, #tpu.memory_space<vmem>>
      %dma_start3A_105 = arith.constant 0 : i32
      %dma_start3A_106 = tpu.memref_slice %arg3[%squeeze3A_93, %dma_start3A_105] : memref<100000x64xf32, #tpu.memory_space<hbm>> -> memref<1x64xf32, #tpu.memory_space<hbm>>
      %dma_start3A_107 = tpu.memref_squeeze %dma_start3A_106 : memref<1x64xf32, #tpu.memory_space<hbm>> -> memref<64xf32, #tpu.memory_space<hbm>>
      tpu.enqueue_dma source(%dma_start3A_107 : memref<64xf32, #tpu.memory_space<hbm>>) target(%dma_start3A_104 : memref<64xf32, #tpu.memory_space<vmem>>) target_semaphore(%arg7 : memref<!tpu.dma_semaphore, #tpu.memory_space<semaphore_mem>>)
      %slice3A_108 = vector.extract_strided_slice %get3A_14 {offsets = [6], sizes = [1], strides = [1]} : vector<16xi32> to vector<1xi32>
      %squeeze3A_109 = vector.extract %slice3A_108[0] : i32 from vector<1xi32>
      %add3A_110 = arith.constant 6 : i32
      %add3A_111 = arith.addi %mul3A_12, %add3A_110 : i32
      %dma_start3A_112 = arith.constant 0 : i32
      %dma_start3A_113 = tpu.memref_slice %arg6[%add3A_111, %dma_start3A_112] : memref<128x64xf32, #tpu.memory_space<vmem>> -> memref<1x64xf32, #tpu.memory_space<vmem>>
      %dma_start3A_114 = tpu.memref_squeeze %dma_start3A_113 : memref<1x64xf32, #tpu.memory_space<vmem>> -> memref<64xf32, #tpu.memory_space<vmem>>
      %dma_start3A_115 = arith.constant 0 : i32
      %dma_start3A_116 = tpu.memref_slice %arg3[%squeeze3A_109, %dma_start3A_115] : memref<100000x64xf32, #tpu.memory_space<hbm>> -> memref<1x64xf32, #tpu.memory_space<hbm>>
      %dma_start3A_117 = tpu.memref_squeeze %dma_start3A_116 : memref<1x64xf32, #tpu.memory_space<hbm>> -> memref<64xf32, #tpu.memory_space<hbm>>
      %dma_start3A_118 = arith.constant 0 : i32
      %dma_start3A_119 = tpu.memref_slice %arg6[%add3A_111, %dma_start3A_118] : memref<128x64xf32, #tpu.memory_space<vmem>> -> memref<1x64xf32, #tpu.memory_space<vmem>>
      %dma_start3A_120 = tpu.memref_squeeze %dma_start3A_119 : memref<1x64xf32, #tpu.memory_space<vmem>> -> memref<64xf32, #tpu.memory_space<vmem>>
      %dma_start3A_121 = arith.constant 0 : i32
      %dma_start3A_122 = tpu.memref_slice %arg3[%squeeze3A_109, %dma_start3A_121] : memref<100000x64xf32, #tpu.memory_space<hbm>> -> memref<1x64xf32, #tpu.memory_space<hbm>>
      %dma_start3A_123 = tpu.memref_squeeze %dma_start3A_122 : memref<1x64xf32, #tpu.memory_space<hbm>> -> memref<64xf32, #tpu.memory_space<hbm>>
      tpu.enqueue_dma source(%dma_start3A_123 : memref<64xf32, #tpu.memory_space<hbm>>) target(%dma_start3A_120 : memref<64xf32, #tpu.memory_space<vmem>>) target_semaphore(%arg7 : memref<!tpu.dma_semaphore, #tpu.memory_space<semaphore_mem>>)
      %slice3A_124 = vector.extract_strided_slice %get3A_14 {offsets = [7], sizes = [1], strides = [1]} : vector<16xi32> to vector<1xi32>
      %squeeze3A_125 = vector.extract %slice3A_124[0] : i32 from vector<1xi32>
      %add3A_126 = arith.constant 7 : i32
      %add3A_127 = arith.addi %mul3A_12, %add3A_126 : i32
      %dma_start3A_128 = arith.constant 0 : i32
      %dma_start3A_129 = tpu.memref_slice %arg6[%add3A_127, %dma_start3A_128] : memref<128x64xf32, #tpu.memory_space<vmem>> -> memref<1x64xf32, #tpu.memory_space<vmem>>
      %dma_start3A_130 = tpu.memref_squeeze %dma_start3A_129 : memref<1x64xf32, #tpu.memory_space<vmem>> -> memref<64xf32, #tpu.memory_space<vmem>>
      %dma_start3A_131 = arith.constant 0 : i32
      %dma_start3A_132 = tpu.memref_slice %arg3[%squeeze3A_125, %dma_start3A_131] : memref<100000x64xf32, #tpu.memory_space<hbm>> -> memref<1x64xf32, #tpu.memory_space<hbm>>
      %dma_start3A_133 = tpu.memref_squeeze %dma_start3A_132 : memref<1x64xf32, #tpu.memory_space<hbm>> -> memref<64xf32, #tpu.memory_space<hbm>>
      %dma_start3A_134 = arith.constant 0 : i32
      %dma_start3A_135 = tpu.memref_slice %arg6[%add3A_127, %dma_start3A_134] : memref<128x64xf32, #tpu.memory_space<vmem>> -> memref<1x64xf32, #tpu.memory_space<vmem>>
      %dma_start3A_136 = tpu.memref_squeeze %dma_start3A_135 : memref<1x64xf32, #tpu.memory_space<vmem>> -> memref<64xf32, #tpu.memory_space<vmem>>
      %dma_start3A_137 = arith.constant 0 : i32
      %dma_start3A_138 = tpu.memref_slice %arg3[%squeeze3A_125, %dma_start3A_137] : memref<100000x64xf32, #tpu.memory_space<hbm>> -> memref<1x64xf32, #tpu.memory_space<hbm>>
      %dma_start3A_139 = tpu.memref_squeeze %dma_start3A_138 : memref<1x64xf32, #tpu.memory_space<hbm>> -> memref<64xf32, #tpu.memory_space<hbm>>
      tpu.enqueue_dma source(%dma_start3A_139 : memref<64xf32, #tpu.memory_space<hbm>>) target(%dma_start3A_136 : memref<64xf32, #tpu.memory_space<vmem>>) target_semaphore(%arg7 : memref<!tpu.dma_semaphore, #tpu.memory_space<semaphore_mem>>)
      %slice3A_140 = vector.extract_strided_slice %get3A_14 {offsets = [8], sizes = [1], strides = [1]} : vector<16xi32> to vector<1xi32>
      %squeeze3A_141 = vector.extract %slice3A_140[0] : i32 from vector<1xi32>
      %add3A_142 = arith.constant 8 : i32
      %add3A_143 = arith.addi %mul3A_12, %add3A_142 : i32
      %dma_start3A_144 = arith.constant 0 : i32
      %dma_start3A_145 = tpu.memref_slice %arg6[%add3A_143, %dma_start3A_144] : memref<128x64xf32, #tpu.memory_space<vmem>> -> memref<1x64xf32, #tpu.memory_space<vmem>>
      %dma_start3A_146 = tpu.memref_squeeze %dma_start3A_145 : memref<1x64xf32, #tpu.memory_space<vmem>> -> memref<64xf32, #tpu.memory_space<vmem>>
      %dma_start3A_147 = arith.constant 0 : i32
      %dma_start3A_148 = tpu.memref_slice %arg3[%squeeze3A_141, %dma_start3A_147] : memref<100000x64xf32, #tpu.memory_space<hbm>> -> memref<1x64xf32, #tpu.memory_space<hbm>>
      %dma_start3A_149 = tpu.memref_squeeze %dma_start3A_148 : memref<1x64xf32, #tpu.memory_space<hbm>> -> memref<64xf32, #tpu.memory_space<hbm>>
      %dma_start3A_150 = arith.constant 0 : i32
      %dma_start3A_151 = tpu.memref_slice %arg6[%add3A_143, %dma_start3A_150] : memref<128x64xf32, #tpu.memory_space<vmem>> -> memref<1x64xf32, #tpu.memory_space<vmem>>
      %dma_start3A_152 = tpu.memref_squeeze %dma_start3A_151 : memref<1x64xf32, #tpu.memory_space<vmem>> -> memref<64xf32, #tpu.memory_space<vmem>>
      %dma_start3A_153 = arith.constant 0 : i32
      %dma_start3A_154 = tpu.memref_slice %arg3[%squeeze3A_141, %dma_start3A_153] : memref<100000x64xf32, #tpu.memory_space<hbm>> -> memref<1x64xf32, #tpu.memory_space<hbm>>
      %dma_start3A_155 = tpu.memref_squeeze %dma_start3A_154 : memref<1x64xf32, #tpu.memory_space<hbm>> -> memref<64xf32, #tpu.memory_space<hbm>>
      tpu.enqueue_dma source(%dma_start3A_155 : memref<64xf32, #tpu.memory_space<hbm>>) target(%dma_start3A_152 : memref<64xf32, #tpu.memory_space<vmem>>) target_semaphore(%arg7 : memref<!tpu.dma_semaphore, #tpu.memory_space<semaphore_mem>>)
      %slice3A_156 = vector.extract_strided_slice %get3A_14 {offsets = [9], sizes = [1], strides = [1]} : vector<16xi32> to vector<1xi32>
      %squeeze3A_157 = vector.extract %slice3A_156[0] : i32 from vector<1xi32>
      %add3A_158 = arith.constant 9 : i32
      %add3A_159 = arith.addi %mul3A_12, %add3A_158 : i32
      %dma_start3A_160 = arith.constant 0 : i32
      %dma_start3A_161 = tpu.memref_slice %arg6[%add3A_159, %dma_start3A_160] : memref<128x64xf32, #tpu.memory_space<vmem>> -> memref<1x64xf32, #tpu.memory_space<vmem>>
      %dma_start3A_162 = tpu.memref_squeeze %dma_start3A_161 : memref<1x64xf32, #tpu.memory_space<vmem>> -> memref<64xf32, #tpu.memory_space<vmem>>
      %dma_start3A_163 = arith.constant 0 : i32
      %dma_start3A_164 = tpu.memref_slice %arg3[%squeeze3A_157, %dma_start3A_163] : memref<100000x64xf32, #tpu.memory_space<hbm>> -> memref<1x64xf32, #tpu.memory_space<hbm>>
      %dma_start3A_165 = tpu.memref_squeeze %dma_start3A_164 : memref<1x64xf32, #tpu.memory_space<hbm>> -> memref<64xf32, #tpu.memory_space<hbm>>
      %dma_start3A_166 = arith.constant 0 : i32
      %dma_start3A_167 = tpu.memref_slice %arg6[%add3A_159, %dma_start3A_166] : memref<128x64xf32, #tpu.memory_space<vmem>> -> memref<1x64xf32, #tpu.memory_space<vmem>>
      %dma_start3A_168 = tpu.memref_squeeze %dma_start3A_167 : memref<1x64xf32, #tpu.memory_space<vmem>> -> memref<64xf32, #tpu.memory_space<vmem>>
      %dma_start3A_169 = arith.constant 0 : i32
      %dma_start3A_170 = tpu.memref_slice %arg3[%squeeze3A_157, %dma_start3A_169] : memref<100000x64xf32, #tpu.memory_space<hbm>> -> memref<1x64xf32, #tpu.memory_space<hbm>>
      %dma_start3A_171 = tpu.memref_squeeze %dma_start3A_170 : memref<1x64xf32, #tpu.memory_space<hbm>> -> memref<64xf32, #tpu.memory_space<hbm>>
      tpu.enqueue_dma source(%dma_start3A_171 : memref<64xf32, #tpu.memory_space<hbm>>) target(%dma_start3A_168 : memref<64xf32, #tpu.memory_space<vmem>>) target_semaphore(%arg7 : memref<!tpu.dma_semaphore, #tpu.memory_space<semaphore_mem>>)
      %slice3A_172 = vector.extract_strided_slice %get3A_14 {offsets = [10], sizes = [1], strides = [1]} : vector<16xi32> to vector<1xi32>
      %squeeze3A_173 = vector.extract %slice3A_172[0] : i32 from vector<1xi32>
      %add3A_174 = arith.constant 10 : i32
      %add3A_175 = arith.addi %mul3A_12, %add3A_174 : i32
      %dma_start3A_176 = arith.constant 0 : i32
      %dma_start3A_177 = tpu.memref_slice %arg6[%add3A_175, %dma_start3A_176] : memref<128x64xf32, #tpu.memory_space<vmem>> -> memref<1x64xf32, #tpu.memory_space<vmem>>
      %dma_start3A_178 = tpu.memref_squeeze %dma_start3A_177 : memref<1x64xf32, #tpu.memory_space<vmem>> -> memref<64xf32, #tpu.memory_space<vmem>>
      %dma_start3A_179 = arith.constant 0 : i32
      %dma_start3A_180 = tpu.memref_slice %arg3[%squeeze3A_173, %dma_start3A_179] : memref<100000x64xf32, #tpu.memory_space<hbm>> -> memref<1x64xf32, #tpu.memory_space<hbm>>
      %dma_start3A_181 = tpu.memref_squeeze %dma_start3A_180 : memref<1x64xf32, #tpu.memory_space<hbm>> -> memref<64xf32, #tpu.memory_space<hbm>>
      %dma_start3A_182 = arith.constant 0 : i32
      %dma_start3A_183 = tpu.memref_slice %arg6[%add3A_175, %dma_start3A_182] : memref<128x64xf32, #tpu.memory_space<vmem>> -> memref<1x64xf32, #tpu.memory_space<vmem>>
      %dma_start3A_184 = tpu.memref_squeeze %dma_start3A_183 : memref<1x64xf32, #tpu.memory_space<vmem>> -> memref<64xf32, #tpu.memory_space<vmem>>
      %dma_start3A_185 = arith.constant 0 : i32
      %dma_start3A_186 = tpu.memref_slice %arg3[%squeeze3A_173, %dma_start3A_185] : memref<100000x64xf32, #tpu.memory_space<hbm>> -> memref<1x64xf32, #tpu.memory_space<hbm>>
      %dma_start3A_187 = tpu.memref_squeeze %dma_start3A_186 : memref<1x64xf32, #tpu.memory_space<hbm>> -> memref<64xf32, #tpu.memory_space<hbm>>
      tpu.enqueue_dma source(%dma_start3A_187 : memref<64xf32, #tpu.memory_space<hbm>>) target(%dma_start3A_184 : memref<64xf32, #tpu.memory_space<vmem>>) target_semaphore(%arg7 : memref<!tpu.dma_semaphore, #tpu.memory_space<semaphore_mem>>)
      %slice3A_188 = vector.extract_strided_slice %get3A_14 {offsets = [11], sizes = [1], strides = [1]} : vector<16xi32> to vector<1xi32>
      %squeeze3A_189 = vector.extract %slice3A_188[0] : i32 from vector<1xi32>
      %add3A_190 = arith.constant 11 : i32
      %add3A_191 = arith.addi %mul3A_12, %add3A_190 : i32
      %dma_start3A_192 = arith.constant 0 : i32
      %dma_start3A_193 = tpu.memref_slice %arg6[%add3A_191, %dma_start3A_192] : memref<128x64xf32, #tpu.memory_space<vmem>> -> memref<1x64xf32, #tpu.memory_space<vmem>>
      %dma_start3A_194 = tpu.memref_squeeze %dma_start3A_193 : memref<1x64xf32, #tpu.memory_space<vmem>> -> memref<64xf32, #tpu.memory_space<vmem>>
      %dma_start3A_195 = arith.constant 0 : i32
      %dma_start3A_196 = tpu.memref_slice %arg3[%squeeze3A_189, %dma_start3A_195] : memref<100000x64xf32, #tpu.memory_space<hbm>> -> memref<1x64xf32, #tpu.memory_space<hbm>>
      %dma_start3A_197 = tpu.memref_squeeze %dma_start3A_196 : memref<1x64xf32, #tpu.memory_space<hbm>> -> memref<64xf32, #tpu.memory_space<hbm>>
      %dma_start3A_198 = arith.constant 0 : i32
      %dma_start3A_199 = tpu.memref_slice %arg6[%add3A_191, %dma_start3A_198] : memref<128x64xf32, #tpu.memory_space<vmem>> -> memref<1x64xf32, #tpu.memory_space<vmem>>
      %dma_start3A_200 = tpu.memref_squeeze %dma_start3A_199 : memref<1x64xf32, #tpu.memory_space<vmem>> -> memref<64xf32, #tpu.memory_space<vmem>>
      %dma_start3A_201 = arith.constant 0 : i32
      %dma_start3A_202 = tpu.memref_slice %arg3[%squeeze3A_189, %dma_start3A_201] : memref<100000x64xf32, #tpu.memory_space<hbm>> -> memref<1x64xf32, #tpu.memory_space<hbm>>
      %dma_start3A_203 = tpu.memref_squeeze %dma_start3A_202 : memref<1x64xf32, #tpu.memory_space<hbm>> -> memref<64xf32, #tpu.memory_space<hbm>>
      tpu.enqueue_dma source(%dma_start3A_203 : memref<64xf32, #tpu.memory_space<hbm>>) target(%dma_start3A_200 : memref<64xf32, #tpu.memory_space<vmem>>) target_semaphore(%arg7 : memref<!tpu.dma_semaphore, #tpu.memory_space<semaphore_mem>>)
      %slice3A_204 = vector.extract_strided_slice %get3A_14 {offsets = [12], sizes = [1], strides = [1]} : vector<16xi32> to vector<1xi32>
      %squeeze3A_205 = vector.extract %slice3A_204[0] : i32 from vector<1xi32>
      %add3A_206 = arith.constant 12 : i32
      %add3A_207 = arith.addi %mul3A_12, %add3A_206 : i32
      %dma_start3A_208 = arith.constant 0 : i32
      %dma_start3A_209 = tpu.memref_slice %arg6[%add3A_207, %dma_start3A_208] : memref<128x64xf32, #tpu.memory_space<vmem>> -> memref<1x64xf32, #tpu.memory_space<vmem>>
      %dma_start3A_210 = tpu.memref_squeeze %dma_start3A_209 : memref<1x64xf32, #tpu.memory_space<vmem>> -> memref<64xf32, #tpu.memory_space<vmem>>
      %dma_start3A_211 = arith.constant 0 : i32
      %dma_start3A_212 = tpu.memref_slice %arg3[%squeeze3A_205, %dma_start3A_211] : memref<100000x64xf32, #tpu.memory_space<hbm>> -> memref<1x64xf32, #tpu.memory_space<hbm>>
      %dma_start3A_213 = tpu.memref_squeeze %dma_start3A_212 : memref<1x64xf32, #tpu.memory_space<hbm>> -> memref<64xf32, #tpu.memory_space<hbm>>
      %dma_start3A_214 = arith.constant 0 : i32
      %dma_start3A_215 = tpu.memref_slice %arg6[%add3A_207, %dma_start3A_214] : memref<128x64xf32, #tpu.memory_space<vmem>> -> memref<1x64xf32, #tpu.memory_space<vmem>>
      %dma_start3A_216 = tpu.memref_squeeze %dma_start3A_215 : memref<1x64xf32, #tpu.memory_space<vmem>> -> memref<64xf32, #tpu.memory_space<vmem>>
      %dma_start3A_217 = arith.constant 0 : i32
      %dma_start3A_218 = tpu.memref_slice %arg3[%squeeze3A_205, %dma_start3A_217] : memref<100000x64xf32, #tpu.memory_space<hbm>> -> memref<1x64xf32, #tpu.memory_space<hbm>>
      %dma_start3A_219 = tpu.memref_squeeze %dma_start3A_218 : memref<1x64xf32, #tpu.memory_space<hbm>> -> memref<64xf32, #tpu.memory_space<hbm>>
      tpu.enqueue_dma source(%dma_start3A_219 : memref<64xf32, #tpu.memory_space<hbm>>) target(%dma_start3A_216 : memref<64xf32, #tpu.memory_space<vmem>>) target_semaphore(%arg7 : memref<!tpu.dma_semaphore, #tpu.memory_space<semaphore_mem>>)
      %slice3A_220 = vector.extract_strided_slice %get3A_14 {offsets = [13], sizes = [1], strides = [1]} : vector<16xi32> to vector<1xi32>
      %squeeze3A_221 = vector.extract %slice3A_220[0] : i32 from vector<1xi32>
      %add3A_222 = arith.constant 13 : i32
      %add3A_223 = arith.addi %mul3A_12, %add3A_222 : i32
      %dma_start3A_224 = arith.constant 0 : i32
      %dma_start3A_225 = tpu.memref_slice %arg6[%add3A_223, %dma_start3A_224] : memref<128x64xf32, #tpu.memory_space<vmem>> -> memref<1x64xf32, #tpu.memory_space<vmem>>
      %dma_start3A_226 = tpu.memref_squeeze %dma_start3A_225 : memref<1x64xf32, #tpu.memory_space<vmem>> -> memref<64xf32, #tpu.memory_space<vmem>>
      %dma_start3A_227 = arith.constant 0 : i32
      %dma_start3A_228 = tpu.memref_slice %arg3[%squeeze3A_221, %dma_start3A_227] : memref<100000x64xf32, #tpu.memory_space<hbm>> -> memref<1x64xf32, #tpu.memory_space<hbm>>
      %dma_start3A_229 = tpu.memref_squeeze %dma_start3A_228 : memref<1x64xf32, #tpu.memory_space<hbm>> -> memref<64xf32, #tpu.memory_space<hbm>>
      %dma_start3A_230 = arith.constant 0 : i32
      %dma_start3A_231 = tpu.memref_slice %arg6[%add3A_223, %dma_start3A_230] : memref<128x64xf32, #tpu.memory_space<vmem>> -> memref<1x64xf32, #tpu.memory_space<vmem>>
      %dma_start3A_232 = tpu.memref_squeeze %dma_start3A_231 : memref<1x64xf32, #tpu.memory_space<vmem>> -> memref<64xf32, #tpu.memory_space<vmem>>
      %dma_start3A_233 = arith.constant 0 : i32
      %dma_start3A_234 = tpu.memref_slice %arg3[%squeeze3A_221, %dma_start3A_233] : memref<100000x64xf32, #tpu.memory_space<hbm>> -> memref<1x64xf32, #tpu.memory_space<hbm>>
      %dma_start3A_235 = tpu.memref_squeeze %dma_start3A_234 : memref<1x64xf32, #tpu.memory_space<hbm>> -> memref<64xf32, #tpu.memory_space<hbm>>
      tpu.enqueue_dma source(%dma_start3A_235 : memref<64xf32, #tpu.memory_space<hbm>>) target(%dma_start3A_232 : memref<64xf32, #tpu.memory_space<vmem>>) target_semaphore(%arg7 : memref<!tpu.dma_semaphore, #tpu.memory_space<semaphore_mem>>)
      %slice3A_236 = vector.extract_strided_slice %get3A_14 {offsets = [14], sizes = [1], strides = [1]} : vector<16xi32> to vector<1xi32>
      %squeeze3A_237 = vector.extract %slice3A_236[0] : i32 from vector<1xi32>
      %add3A_238 = arith.constant 14 : i32
      %add3A_239 = arith.addi %mul3A_12, %add3A_238 : i32
      %dma_start3A_240 = arith.constant 0 : i32
      %dma_start3A_241 = tpu.memref_slice %arg6[%add3A_239, %dma_start3A_240] : memref<128x64xf32, #tpu.memory_space<vmem>> -> memref<1x64xf32, #tpu.memory_space<vmem>>
      %dma_start3A_242 = tpu.memref_squeeze %dma_start3A_241 : memref<1x64xf32, #tpu.memory_space<vmem>> -> memref<64xf32, #tpu.memory_space<vmem>>
      %dma_start3A_243 = arith.constant 0 : i32
      %dma_start3A_244 = tpu.memref_slice %arg3[%squeeze3A_237, %dma_start3A_243] : memref<100000x64xf32, #tpu.memory_space<hbm>> -> memref<1x64xf32, #tpu.memory_space<hbm>>
      %dma_start3A_245 = tpu.memref_squeeze %dma_start3A_244 : memref<1x64xf32, #tpu.memory_space<hbm>> -> memref<64xf32, #tpu.memory_space<hbm>>
      %dma_start3A_246 = arith.constant 0 : i32
      %dma_start3A_247 = tpu.memref_slice %arg6[%add3A_239, %dma_start3A_246] : memref<128x64xf32, #tpu.memory_space<vmem>> -> memref<1x64xf32, #tpu.memory_space<vmem>>
      %dma_start3A_248 = tpu.memref_squeeze %dma_start3A_247 : memref<1x64xf32, #tpu.memory_space<vmem>> -> memref<64xf32, #tpu.memory_space<vmem>>
      %dma_start3A_249 = arith.constant 0 : i32
      %dma_start3A_250 = tpu.memref_slice %arg3[%squeeze3A_237, %dma_start3A_249] : memref<100000x64xf32, #tpu.memory_space<hbm>> -> memref<1x64xf32, #tpu.memory_space<hbm>>
      %dma_start3A_251 = tpu.memref_squeeze %dma_start3A_250 : memref<1x64xf32, #tpu.memory_space<hbm>> -> memref<64xf32, #tpu.memory_space<hbm>>
      tpu.enqueue_dma source(%dma_start3A_251 : memref<64xf32, #tpu.memory_space<hbm>>) target(%dma_start3A_248 : memref<64xf32, #tpu.memory_space<vmem>>) target_semaphore(%arg7 : memref<!tpu.dma_semaphore, #tpu.memory_space<semaphore_mem>>)
      %slice3A_252 = vector.extract_strided_slice %get3A_14 {offsets = [15], sizes = [1], strides = [1]} : vector<16xi32> to vector<1xi32>
      %squeeze3A_253 = vector.extract %slice3A_252[0] : i32 from vector<1xi32>
      %add3A_254 = arith.constant 15 : i32
      %add3A_255 = arith.addi %mul3A_12, %add3A_254 : i32
      %dma_start3A_256 = arith.constant 0 : i32
      %dma_start3A_257 = tpu.memref_slice %arg6[%add3A_255, %dma_start3A_256] : memref<128x64xf32, #tpu.memory_space<vmem>> -> memref<1x64xf32, #tpu.memory_space<vmem>>
      %dma_start3A_258 = tpu.memref_squeeze %dma_start3A_257 : memref<1x64xf32, #tpu.memory_space<vmem>> -> memref<64xf32, #tpu.memory_space<vmem>>
      %dma_start3A_259 = arith.constant 0 : i32
      %dma_start3A_260 = tpu.memref_slice %arg3[%squeeze3A_253, %dma_start3A_259] : memref<100000x64xf32, #tpu.memory_space<hbm>> -> memref<1x64xf32, #tpu.memory_space<hbm>>
      %dma_start3A_261 = tpu.memref_squeeze %dma_start3A_260 : memref<1x64xf32, #tpu.memory_space<hbm>> -> memref<64xf32, #tpu.memory_space<hbm>>
      %dma_start3A_262 = arith.constant 0 : i32
      %dma_start3A_263 = tpu.memref_slice %arg6[%add3A_255, %dma_start3A_262] : memref<128x64xf32, #tpu.memory_space<vmem>> -> memref<1x64xf32, #tpu.memory_space<vmem>>
      %dma_start3A_264 = tpu.memref_squeeze %dma_start3A_263 : memref<1x64xf32, #tpu.memory_space<vmem>> -> memref<64xf32, #tpu.memory_space<vmem>>
      %dma_start3A_265 = arith.constant 0 : i32
      %dma_start3A_266 = tpu.memref_slice %arg3[%squeeze3A_253, %dma_start3A_265] : memref<100000x64xf32, #tpu.memory_space<hbm>> -> memref<1x64xf32, #tpu.memory_space<hbm>>
      %dma_start3A_267 = tpu.memref_squeeze %dma_start3A_266 : memref<1x64xf32, #tpu.memory_space<hbm>> -> memref<64xf32, #tpu.memory_space<hbm>>
      tpu.enqueue_dma source(%dma_start3A_267 : memref<64xf32, #tpu.memory_space<hbm>>) target(%dma_start3A_264 : memref<64xf32, #tpu.memory_space<vmem>>) target_semaphore(%arg7 : memref<!tpu.dma_semaphore, #tpu.memory_space<semaphore_mem>>)
      %scan3A_268 = arith.constant 0 : i32
      %scan3A_269 = arith.constant 0 : i32
      %scan3A_270 = arith.constant 16 : i32
      %scan3A_271 = arith.addi %scan3A_269, %scan3A_270 : i32
      %scan3A_272 = arith.constant 1 : i32
      %scan3A_273 = scf.for %scan3A_276 = %scan3A_269 to %scan3A_271 step %scan3A_272 iter_args(%scan3A_277 = %scan3A_268) -> (i32)  : i32 {
        %dma_wait3A = arith.constant 0 : i32
        %dma_wait3A_278 = arith.constant 0 : i32
        %dma_wait3A_279 = arith.constant 0 : i32
        %dma_wait3A_280 = tpu.memref_slice %arg6[%dma_wait3A_278, %dma_wait3A_279] : memref<128x64xf32, #tpu.memory_space<vmem>> -> memref<1x64xf32, #tpu.memory_space<vmem>>
        %dma_wait3A_281 = tpu.memref_squeeze %dma_wait3A_280 : memref<1x64xf32, #tpu.memory_space<vmem>> -> memref<64xf32, #tpu.memory_space<vmem>>
        %dma_wait3A_282 = arith.constant 0 : i32
        %dma_wait3A_283 = tpu.memref_slice %arg3[%dma_wait3A, %dma_wait3A_282] : memref<100000x64xf32, #tpu.memory_space<hbm>> -> memref<1x64xf32, #tpu.memory_space<hbm>>
        %dma_wait3A_284 = tpu.memref_squeeze %dma_wait3A_283 : memref<1x64xf32, #tpu.memory_space<hbm>> -> memref<64xf32, #tpu.memory_space<hbm>>
        %dma_wait3A_285 = arith.constant 0 : i32
        %dma_wait3A_286 = tpu.memref_slice %arg6[%dma_wait3A_278, %dma_wait3A_285] : memref<128x64xf32, #tpu.memory_space<vmem>> -> memref<1x64xf32, #tpu.memory_space<vmem>>
        %dma_wait3A_287 = tpu.memref_squeeze %dma_wait3A_286 : memref<1x64xf32, #tpu.memory_space<vmem>> -> memref<64xf32, #tpu.memory_space<vmem>>
        %dma_wait3A_288 = arith.constant 0 : i32
        %dma_wait3A_289 = tpu.memref_slice %arg3[%dma_wait3A, %dma_wait3A_288] : memref<100000x64xf32, #tpu.memory_space<hbm>> -> memref<1x64xf32, #tpu.memory_space<hbm>>
        %dma_wait3A_290 = tpu.memref_squeeze %dma_wait3A_289 : memref<1x64xf32, #tpu.memory_space<hbm>> -> memref<64xf32, #tpu.memory_space<hbm>>
        tpu.wait_dma2 semaphore(%arg7 : memref<!tpu.dma_semaphore, #tpu.memory_space<semaphore_mem>>) src(%dma_wait3A_290 : memref<64xf32, #tpu.memory_space<hbm>>) dst(%dma_wait3A_287 : memref<64xf32, #tpu.memory_space<vmem>>)
        %scan3A_291 = arith.constant 0 : i32
        scf.yield %scan3A_291 : i32
      }
      %scan3A_274 = arith.constant 16 : i32
      %scan3A_275 = arith.constant 0 : i32
      scf.yield %scan3A_275 : i32
    }
    %scan3A_8 = arith.constant 8 : i32
    "tpu.region"() ({
      %run_scoped3A = tpu.sem_alloc : memref<!tpu.dma_semaphore, #tpu.memory_space<semaphore_mem>>
      %dma_start3A = arith.constant 0 : i32
      %dma_start3A_9 = tpu.memref_slice %arg4[%mul3A_2, %dma_start3A] : memref<4096x64xf32, #tpu.memory_space<hbm>> -> memref<128x64xf32, #tpu.memory_space<hbm>>
      %dma_start3A_10 = arith.constant 0 : i32
      %dma_start3A_11 = tpu.memref_slice %arg4[%mul3A_2, %dma_start3A_10] : memref<4096x64xf32, #tpu.memory_space<hbm>> -> memref<128x64xf32, #tpu.memory_space<hbm>>
      tpu.enqueue_dma source(%arg6 : memref<128x64xf32, #tpu.memory_space<vmem>>) target(%dma_start3A_11 : memref<128x64xf32, #tpu.memory_space<hbm>>) target_semaphore(%run_scoped3A : memref<!tpu.dma_semaphore, #tpu.memory_space<semaphore_mem>>)
      %dma_wait3A = arith.constant 0 : i32
      %dma_wait3A_12 = tpu.memref_slice %arg4[%mul3A_2, %dma_wait3A] : memref<4096x64xf32, #tpu.memory_space<hbm>> -> memref<128x64xf32, #tpu.memory_space<hbm>>
      %dma_wait3A_13 = arith.constant 0 : i32
      %dma_wait3A_14 = tpu.memref_slice %arg4[%mul3A_2, %dma_wait3A_13] : memref<4096x64xf32, #tpu.memory_space<hbm>> -> memref<128x64xf32, #tpu.memory_space<hbm>>
      tpu.wait_dma2 semaphore(%run_scoped3A : memref<!tpu.dma_semaphore, #tpu.memory_space<semaphore_mem>>) src(%arg6 : memref<128x64xf32, #tpu.memory_space<vmem>>) dst(%dma_wait3A_14 : memref<128x64xf32, #tpu.memory_space<hbm>>)
      tpu.yield
    }) : () -> ()
    return
  }
}

module attributes {stable_mosaic.version = 14 : i64} {
  func.func @_mlp_body(%arg0: i32, %arg1: memref<512x2048xf32, #tpu.memory_space<vmem>>, %arg2: memref<2048x128xf32, #tpu.memory_space<vmem>>, %arg3: memref<1x128xf32, #tpu.memory_space<vmem>>, %arg4: memref<128x64xf32, #tpu.memory_space<vmem>>, %arg5: memref<1x64xf32, #tpu.memory_space<vmem>>, %arg6: memref<1x64xf32, #tpu.memory_space<vmem>>, %arg7: memref<1x1xf32, #tpu.memory_space<vmem>>, %arg8: memref<512x64xf32, #tpu.memory_space<vmem>>, %arg9: memref<512x64xf32, #tpu.memory_space<vmem>>, %arg10: memref<512x64xf32, #tpu.memory_space<vmem>>, %arg11: memref<512x1xf32, #tpu.memory_space<vmem>>) attributes {dimension_semantics = [#tpu.dimension_semantics<arbitrary>], iteration_bounds = array<i64: 8>, scalar_prefetch = 0 : i64, scratch_operands = 0 : i64, tpu.core_type = #tpu.core_type<tc>, window_params = [{transform_indices = @transform_0, window_bounds = array<i64: 512, 2048>}, {pipeline_mode = #tpu.pipeline_mode<synchronous>, transform_indices = @transform_1, window_bounds = array<i64: 2048, 128>}, {pipeline_mode = #tpu.pipeline_mode<synchronous>, transform_indices = @transform_2, window_bounds = array<i64: 1, 128>}, {pipeline_mode = #tpu.pipeline_mode<synchronous>, transform_indices = @transform_3, window_bounds = array<i64: 128, 64>}, {pipeline_mode = #tpu.pipeline_mode<synchronous>, transform_indices = @transform_4, window_bounds = array<i64: 1, 64>}, {pipeline_mode = #tpu.pipeline_mode<synchronous>, transform_indices = @transform_5, window_bounds = array<i64: 1, 64>}, {pipeline_mode = #tpu.pipeline_mode<synchronous>, transform_indices = @transform_6, window_bounds = array<i64: 1, 1>}, {transform_indices = @transform_7, window_bounds = array<i64: 512, 64>}, {transform_indices = @transform_8, window_bounds = array<i64: 512, 64>}, {transform_indices = @transform_9, window_bounds = array<i64: 512, 64>}, {transform_indices = @transform_10, window_bounds = array<i64: 512, 1>}]} {
    %get3A = arith.constant 0 : index
    %get3A_0 = arith.constant 0 : index
    %get3A_1 = vector.load %arg1[%get3A, %get3A_0] : memref<512x2048xf32, #tpu.memory_space<vmem>>, vector<512x2048xf32>
    %get3A_2 = arith.constant 0 : index
    %get3A_3 = arith.constant 0 : index
    %get3A_4 = vector.load %arg2[%get3A_2, %get3A_3] : memref<2048x128xf32, #tpu.memory_space<vmem>>, vector<2048x128xf32>
    %dot_general3A = arith.constant dense<0.000000e+00> : vector<512x128xf32>
    %dot_general3A_5 = tpu.matmul %get3A_1, %get3A_4, %dot_general3A {dimension_numbers = #tpu.dot_dimension_numbers<[1], [0], [0], [1], [0, 0, 1, 1], [], []>, transpose_lhs_hint = false} : vector<512x2048xf32>, vector<2048x128xf32>, vector<512x128xf32> -> vector<512x128xf32>
    %get3A_6 = arith.constant 0 : index
    %get3A_7 = arith.constant 0 : index
    %get3A_8 = vector.load %arg3[%get3A_6, %get3A_7] : memref<1x128xf32, #tpu.memory_space<vmem>>, vector<1x128xf32>
    %add3A = vector.broadcast %get3A_8 : vector<1x128xf32> to vector<512x128xf32>
    %add3A_9 = arith.addf %dot_general3A_5, %add3A : vector<512x128xf32>
    %max3A = arith.constant 0.000000e+00 : f32
    %max3A_10 = vector.broadcast %max3A : f32 to vector<512x128xf32>
    %max3A_11 = arith.maximumf %add3A_9, %max3A_10 : vector<512x128xf32>
    %get3A_12 = arith.constant 0 : index
    %get3A_13 = arith.constant 0 : index
    %get3A_14 = vector.load %arg4[%get3A_12, %get3A_13] : memref<128x64xf32, #tpu.memory_space<vmem>>, vector<128x64xf32>
    %dot_general3A_15 = arith.constant dense<0.000000e+00> : vector<512x64xf32>
    %dot_general3A_16 = tpu.matmul %max3A_11, %get3A_14, %dot_general3A_15 {dimension_numbers = #tpu.dot_dimension_numbers<[1], [0], [0], [1], [0, 0, 1, 1], [], []>, transpose_lhs_hint = false} : vector<512x128xf32>, vector<128x64xf32>, vector<512x64xf32> -> vector<512x64xf32>
    %get3A_17 = arith.constant 0 : index
    %get3A_18 = arith.constant 0 : index
    %get3A_19 = vector.load %arg5[%get3A_17, %get3A_18] : memref<1x64xf32, #tpu.memory_space<vmem>>, vector<1x64xf32>
    %add3A_20 = vector.broadcast %get3A_19 : vector<1x64xf32> to vector<512x64xf32>
    %add3A_21 = arith.addf %dot_general3A_16, %add3A_20 : vector<512x64xf32>
    %get3A_22 = arith.constant 0 : index
    %get3A_23 = arith.constant 0 : index
    %get3A_24 = vector.load %arg8[%get3A_22, %get3A_23] : memref<512x64xf32, #tpu.memory_space<vmem>>, vector<512x64xf32>
    %get3A_25 = arith.constant 0 : index
    %get3A_26 = arith.constant 0 : index
    %get3A_27 = vector.load %arg9[%get3A_25, %get3A_26] : memref<512x64xf32, #tpu.memory_space<vmem>>, vector<512x64xf32>
    %mul3A = arith.mulf %get3A_24, %get3A_27 : vector<512x64xf32>
    %get3A_28 = arith.constant 0 : index
    %get3A_29 = arith.constant 0 : index
    %get3A_30 = vector.load %arg10[%get3A_28, %get3A_29] : memref<512x64xf32, #tpu.memory_space<vmem>>, vector<512x64xf32>
    %mul3A_31 = arith.mulf %get3A_30, %add3A_21 : vector<512x64xf32>
    %add3A_32 = arith.addf %mul3A, %mul3A_31 : vector<512x64xf32>
    %get3A_33 = arith.constant 0 : index
    %get3A_34 = arith.constant 0 : index
    %get3A_35 = vector.load %arg6[%get3A_33, %get3A_34] : memref<1x64xf32, #tpu.memory_space<vmem>>, vector<1x64xf32>
    %mul3A_36 = vector.broadcast %get3A_35 : vector<1x64xf32> to vector<512x64xf32>
    %mul3A_37 = arith.mulf %add3A_32, %mul3A_36 : vector<512x64xf32>
    %reduce_sum3A = arith.constant dense<0.000000e+00> : vector<512xf32>
    %reduce_sum3A_38 = vector.multi_reduction <add>, %mul3A_37, %reduce_sum3A [1] : vector<512x64xf32> to vector<512xf32>
    %broadcast_in_dim3A = vector.shape_cast %reduce_sum3A_38 : vector<512xf32> to vector<512x1xf32>
    %get3A_39 = arith.constant 0 : index
    %get3A_40 = arith.constant 0 : index
    %get3A_41 = vector.load %arg7[%get3A_39, %get3A_40] : memref<1x1xf32, #tpu.memory_space<vmem>>, vector<1x1xf32>
    %add3A_42 = vector.broadcast %get3A_41 : vector<1x1xf32> to vector<512x1xf32>
    %add3A_43 = arith.addf %broadcast_in_dim3A, %add3A_42 : vector<512x1xf32>
    %logistic3A = arith.negf %add3A_43 : vector<512x1xf32>
    %logistic3A_44 = math.exp %logistic3A : vector<512x1xf32>
    %logistic3A_45 = arith.constant 1.000000e+00 : f32
    %logistic3A_46 = vector.broadcast %logistic3A_45 : f32 to vector<512x1xf32>
    %logistic3A_47 = arith.addf %logistic3A_46, %logistic3A_44 : vector<512x1xf32>
    %logistic3A_48 = arith.divf %logistic3A_46, %logistic3A_47 : vector<512x1xf32>
    %swap3A = arith.constant 0 : index
    %swap3A_49 = arith.constant 0 : index
    %swap3A_50 = vector.load %arg11[%swap3A, %swap3A_49] : memref<512x1xf32, #tpu.memory_space<vmem>>, vector<512x1xf32>
    tpu.vector_store %arg11[%swap3A, %swap3A_49], %logistic3A_48 {strides = array<i32>} : memref<512x1xf32, #tpu.memory_space<vmem>>, vector<512x1xf32>,
    return
  }
  func.func @transform_0(%arg0: i32) -> (i32, i32) {
    %c0_i32 = arith.constant 0 : i32
    %c0_i32_0 = arith.constant 0 : i32
    return %arg0, %c0_i32 : i32, i32
  }
  func.func @transform_1(%arg0: i32) -> (i32, i32) {
    %c0_i32 = arith.constant 0 : i32
    %c0_i32_0 = arith.constant 0 : i32
    %c0_i32_1 = arith.constant 0 : i32
    return %c0_i32, %c0_i32_0 : i32, i32
  }
  func.func @transform_2(%arg0: i32) -> (i32, i32) {
    %c0_i32 = arith.constant 0 : i32
    %c0_i32_0 = arith.constant 0 : i32
    %c0_i32_1 = arith.constant 0 : i32
    return %c0_i32, %c0_i32_0 : i32, i32
  }
  func.func @transform_3(%arg0: i32) -> (i32, i32) {
    %c0_i32 = arith.constant 0 : i32
    %c0_i32_0 = arith.constant 0 : i32
    %c0_i32_1 = arith.constant 0 : i32
    return %c0_i32, %c0_i32_0 : i32, i32
  }
  func.func @transform_4(%arg0: i32) -> (i32, i32) {
    %c0_i32 = arith.constant 0 : i32
    %c0_i32_0 = arith.constant 0 : i32
    %c0_i32_1 = arith.constant 0 : i32
    return %c0_i32, %c0_i32_0 : i32, i32
  }
  func.func @transform_5(%arg0: i32) -> (i32, i32) {
    %c0_i32 = arith.constant 0 : i32
    %c0_i32_0 = arith.constant 0 : i32
    %c0_i32_1 = arith.constant 0 : i32
    return %c0_i32, %c0_i32_0 : i32, i32
  }
  func.func @transform_6(%arg0: i32) -> (i32, i32) {
    %c0_i32 = arith.constant 0 : i32
    %c0_i32_0 = arith.constant 0 : i32
    %c0_i32_1 = arith.constant 0 : i32
    return %c0_i32, %c0_i32_0 : i32, i32
  }
  func.func @transform_7(%arg0: i32) -> (i32, i32) {
    %c0_i32 = arith.constant 0 : i32
    %c0_i32_0 = arith.constant 0 : i32
    return %arg0, %c0_i32 : i32, i32
  }
  func.func @transform_8(%arg0: i32) -> (i32, i32) {
    %c0_i32 = arith.constant 0 : i32
    %c0_i32_0 = arith.constant 0 : i32
    return %arg0, %c0_i32 : i32, i32
  }
  func.func @transform_9(%arg0: i32) -> (i32, i32) {
    %c0_i32 = arith.constant 0 : i32
    %c0_i32_0 = arith.constant 0 : i32
    return %arg0, %c0_i32 : i32, i32
  }
  func.func @transform_10(%arg0: i32) -> (i32, i32) {
    %c0_i32 = arith.constant 0 : i32
    %c0_i32_0 = arith.constant 0 : i32
    return %arg0, %c0_i32 : i32, i32
  }
}

</mosaic_0001>

<sc_bundles>
// kernel: kernel.12.cloned.1.call-start
scs
__scs_entry_jumppad:
0x0: {  	(pc) =	sbr.rel $0x88, $3  }
0x1: {  	(tag) =	ssettag $0x0;
	lr =	simm.s32 $0x1  }
0x2: {  	[smem:$0x3F95] =	sst lr;
	_ =	strace $0xD0000000  }
0x3: {  	_ = 	snop  }
0x4: {  	_ = 	snop  }
0x5: {  	_ = 	snop  }
0x6: {  	_ = 	snop  }
0x7: {  	_ = 	snop  }
__scs_overlays_trampoline_lowered:
0x8: {  	[smem:$0x3FA4] =	sst s0  }
0x9: {  	[smem:$0x3FA5] =	sst s1  }
0xa: {  	[smem:$0x3FA6] =	sst s2  }
0xb: {  	[smem:$0x3FA7] =	sst s3  }
0xc: {  	[smem:$0x3FA8] =	sst s4  }
0xd: {  	[smem:$0x3FA9] =	sst s5  }
0xe: {  	[smem:$0x3FAA] =	sst s6  }
0xf: {  	[smem:$0x3FAB] =	sst s7  }
0x10: {  	[smem:$0x3FAC] =	sst s8  }
0x11: {  	[smem:$0x3FAD] =	sst s9;
	s0 =	simm.s32 @!p0 $0x0  }
0x12: {  	s1 =	sld [smem:$0x3F93];
	s0 =	simm.s32 @p0 $0x1  }
0x13: {  	[smem:$0x3FAE] =	sst s0;
	s0 =	simm.s32 @!p1 $0x0  }
0x14: {  	s2 =	sld [smem:$0x3F92];
	s0 =	simm.s32 @p1 $0x1  }
0x15: {  	[smem:$0x3FAF] =	sst s0;
	s0 =	simm.s32 @!p2 $0x0  }
0x16: {  	s3 =	sld [smem:$0x3FDB];
	s0 =	simm.s32 @p2 $0x1  }
0x17: {  	s4 =	simm.s32 $0x1BF5;
	[smem:$0x3FB1] =	sst s0  }
0x18: {  	s0 =	sld [smem:$0x3F94];
	_ =	swait.ge [sflag:s4], $0x0  }
0x19: {  	s7 =	sld [smem:$0x3F95]  }
0x1a: {  	s8 =	sadd.s32 $0xFFFFE003, lr  }
0x1b: {  	s9 =	sadd.s32 $0xFFFFFEF7, lr;
	s5 =	simm.s32 $0xFFFFFFFF;
	p2 =	slt.u32 s8, $0xFFFFF086  }
0x1c: {  	p1 =	slt.u32 s9, $0xF7A;
	s5 =	simm.s32 @!p2 $0x0  }
0x1d: {  	s5 =	simm.s32 @p1 $0x1;
	p0 =	seq.s32 s7, s2  }
0x1e: {  	s7 =	smul.u32 @!p0 $0xF7A, s2;
	p2 =	seq.s32 @!p0 s5, $0x0  }
0x1f: {  	s9 =	smul.u32 $0xF7A, s1;
	s8 =	simm.s32 @!p0 $0x1BF5;
	p2 =	por !p2, p0  }
0x20: {  	[sflag:s8] =	ssyncset.s32 @!p0 $0xFFFFF086;
	s6 =	sadd.s32 @!p0 s3, s7;
	s7 =	simm.s32 @!p0 $0x108  }
0x21: {  	s3 =	sadd.s32 s3, s9;
	s6 =	sadd.s32 @!p0 $0x88, s6;
	s7 =	simm.s32 @p2 $0x1082  }
0x22: {  	[simem:s7], [sflag:s8] =	dma.local @!p0 [hbm:s6], $0xF7A  }
0x23: {  	s9 =	sor.u32 $0xD0000000, s2;
	s6 =	simm.s32 $0x108;
	_ =	swait.ge @!p0 [sflag:s8], $0x0  }
0x24: {  	s3 =	sadd.s32 $0x88, s3;
	s6 =	simm.s32 @!p1 $0x1082;
	[sflag:s4] =	ssyncset.s32 $0xFFFFF086  }
0x25: {  	[simem:s6], [sflag:s4] =	dma.local [hbm:s3], $0xF7A  }
0x26: {  	[smem:$0x3F95] =	sst s1;
	(tag) =	ssettag s2;
	_ =	strace s9  }
0x27: {  	s1 =	sld [smem:$0x3FA5]  }
0x28: {  	s2 =	sld [smem:$0x3FA6]  }
0x29: {  	s4 =	sld [smem:$0x3FA8]  }
0x2a: {  	p0 =	seq.s32 s5, $0x0;
	s5 =	sld [smem:$0x3FA9]  }
0x2b: {  	s6 =	sld [smem:$0x3FAA]  }
0x2c: {  	s7 =	sld [smem:$0x3FAB]  }
0x2d: {  	s3 =	simm.s32 $0x108;
	s8 =	sld [smem:$0x3FAC]  }
0x2e: {  	s3 =	simm.s32 @!p0 $0x1082;
	s9 =	sld [smem:$0x3FAD]  }
0x2f: {  	lr =	sadd.s32 s0, s3;
	s0 =	sld [smem:$0x3FA4]  }
0x30: {  	s3 =	sld [smem:$0x3FA7]  }
0x31: {  	[smem:$0x3FB0] =	sst s10  }
0x32: {  	s10 =	sld [smem:$0x3FAE];
	_ =	sdelay $0x3  }
0x33: {  	p0 =	seq.s32 s10, $0x1;
	s10 =	sld [smem:$0x3FB0];
	_ =	sdelay $0x3  }
0x34: {  	[smem:$0x3FB0] =	sst s10  }
0x35: {  	s10 =	sld [smem:$0x3FAF];
	_ =	sdelay $0x3  }
0x36: {  	p1 =	seq.s32 s10, $0x1;
	s10 =	sld [smem:$0x3FB0];
	_ =	sdelay $0x3  }
0x37: {  	[smem:$0x3FB0] =	sst s10  }
0x38: {  	s10 =	sld [smem:$0x3FB1]  }
0x39: {  	_ = 	snop;
	(pc) =	sbr.ind lr, $3  }
0x3a: {  	_ = 	snop  }
0x3b: {  	_ = 	snop  }
0x3c: {  	p2 =	seq.s32 s10, $0x1;
	s10 =	sld [smem:$0x3FB0]  }
0x3d: {  	_ =	shalt  }
0x3e: {  	_ =	shalt  }
0x3f: {  	_ =	shalt  }
0x40: {  	_ =	shalt  }
0x41: {  	_ =	shalt  }
0x42: {  	_ =	shalt  }
0x43: {  	_ =	shalt  }
0x44: {  	_ =	shalt  }
0x45: {  	_ =	shalt  }
0x46: {  	_ =	shalt  }
0x47: {  	_ =	shalt  }
0x48: {  	_ =	shalt  }
0x49: {  	_ =	shalt  }
0x4a: {  	_ =	shalt  }
0x4b: {  	_ =	shalt  }
0x4c: {  	_ =	shalt  }
0x4d: {  	_ =	shalt  }
0x4e: {  	_ =	shalt  }
0x4f: {  	_ =	shalt  }
0x50: {  	_ =	shalt  }
0x51: {  	_ =	shalt  }
0x52: {  	_ =	shalt  }
0x53: {  	_ =	shalt  }
0x54: {  	_ =	shalt  }
0x55: {  	_ =	shalt  }
0x56: {  	_ =	shalt  }
0x57: {  	_ =	shalt  }
0x58: {  	_ =	shalt  }
0x59: {  	_ =	shalt  }
0x5a: {  	_ =	shalt  }
0x5b: {  	_ =	shalt  }
0x5c: {  	_ =	shalt  }
0x5d: {  	_ =	shalt  }
0x5e: {  	_ =	shalt  }
0x5f: {  	_ =	shalt  }
0x60: {  	_ =	shalt  }
0x61: {  	_ =	shalt  }
0x62: {  	_ =	shalt  }
0x63: {  	_ =	shalt  }
0x64: {  	_ =	shalt  }
0x65: {  	_ =	shalt  }
0x66: {  	_ =	shalt  }
0x67: {  	_ =	shalt  }
0x68: {  	_ =	shalt  }
0x69: {  	_ =	shalt  }
0x6a: {  	_ =	shalt  }
0x6b: {  	_ =	shalt  }
0x6c: {  	_ =	shalt  }
0x6d: {  	_ =	shalt  }
0x6e: {  	_ =	shalt  }
0x6f: {  	_ =	shalt  }
0x70: {  	_ =	shalt  }
0x71: {  	_ =	shalt  }
0x72: {  	_ =	shalt  }
0x73: {  	_ =	shalt  }
0x74: {  	_ =	shalt  }
0x75: {  	_ =	shalt  }
0x76: {  	_ =	shalt  }
0x77: {  	_ =	shalt  }
0x78: {  	_ =	shalt  }
0x79: {  	_ =	shalt  }
0x7a: {  	_ =	shalt  }
0x7b: {  	_ =	shalt  }
0x7c: {  	_ =	shalt  }
0x7d: {  	_ =	shalt  }
0x7e: {  	_ =	shalt  }
0x7f: {  	_ =	shalt  }
0x80: {  	_ =	shalt  }
0x81: {  	_ =	shalt  }
0x82: {  	_ =	shalt  }
0x83: {  	_ =	shalt  }
0x84: {  	_ =	shalt  }
0x85: {  	_ =	shalt  }
0x86: {  	_ =	shalt  }
0x87: {  	_ =	shalt  }
.Lfunc_end0:
.L_simem_size_0:
called_computation.2_lowered:
.L_overlay_start_0:
0x88: {  	s2 =	sld [smem:$0x3FD9]  }
0x89: {  	s3 =	sld [smem:$0x3FFE];
	_ =	sdelay $0x1  }
0x8a: {  	s1 =	srdreg.scid  }
0x8b: {  	s0 =	sand.u32 $0x1, s1  }
0x8c: {  	s17 =	sshll.u32 s0, $0xA;
	s2 =	sadd.s32 s3, s2  }
0x8d: {  	s2 =	sadd.s32 s2, s17  }
0x8e: {  	[smem:$0x3FBC] =	sst s2  }
0x8f: {  	_ = 	snop  }
0x90: {  	s2 =	sld [smem:$0x3FC9];
	(tm) =	ssettm $0x1  }
0x91: {  	s18 =	sld [smem:$0x3FFB];
	_ =	sdelay $0x3  }
0x92: {  	_ =	strace s18  }
0x93: {  	s3 =	sld [smem:$0x3FFC];
	_ =	sdelay $0x3  }
0x94: {  	_ =	strace s3  }
0x95: {  	s3 =	sld [smem:$0x3FFD];
	_ =	sdelay $0x3  }
0x96: {  	_ =	strace s3  }
0x97: {  	_ =	strace $0x8FFFFFFF  }
0x98: {  	s19 =	sld [smem:$0x3FDB];
	_ =	sdelay $0x1  }
0x99: {  	s4 =	simm.s32 $_scs_section_size  }
0x9a: {  	s5 =	simm.s32 $_size__tile_overlayer_lowered;
	s6 =	simm.s32 $_tile_overlayer_lowered  }
0x9b: {  	s22 =	simm.s32 $0x1BFF;
	s21 =	sshll.u32 s6, $0x1;
	s3 =	sadd.s32 s4, s19  }
0x9c: {  	s7 =	simm.s32 $0x0;
	s20 =	sshll.u32 s5, $0x1;
	s5 =	sadd.s32 s21, s3  }
0x9d: {  	[timem:s7], [sflag:s22] =	dma.local [hbm:s5], s20  }
0x9e: {  	_ =	swait.ge [sflag:s22], s20  }
0x9f: {  	s4 =	ssub.s32 $0x0, s20;
	[sflag:s22] =	ssyncset.done $0x0  }
0xa0: {  	[sflag:s22] =	ssyncadd.s32 s4;
	_ =	sdelay $0x1  }
0xa1: {  	s23 =	simm.s32 $0x1B8B  }
0xa2: {  	_ =	swait.ge [sflag:s23], $0x1  }
0xa3: {  	[sflag:s23] =	ssyncset.done $0x0  }
0xa4: {  	s25 =	simm.s32 $0x1B8E;
	s24 =	sld [smem:$0x3FFE];
	[sflag:s23] =	ssyncadd.s32 $0xFFFFFFFF  }
0xa5: {  	s26 =	simm.s32 $execute0_lowered;
	[smem:$0x3FD2] =	sst s25  }
0xa6: {  	s5 =	sshll.u32 s26, $0x1;
	_ =	strace $0x80000046;
	[dreg:$0x1] =	wrdreg $0xFFFFFFFF  }
0xa7: {  	s28 =	simm.s32 $_size_execute0_lowered;
	s3 =	sadd.s32 s3, s5;
	[dreg:$0x0] =	wrdreg $0x0  }
0xa8: {  	s5 =	sshll.u32 s28, $0x1;
	[dreg:$0x2] =	wrdreg s3  }
0xa9: {  	[dreg:$0x3] =	wrdreg s5  }
0xaa: {  	[dreg:$0x4] =	wrdreg $0xC0  }
0xab: {  	_ =	task [dreg:s7], $0x5FFFF  }
0xac: {  	[dreg:$0x1] =	wrdreg $0xFFFFFFFF  }
0xad: {  	[dreg:$0x0] =	wrdreg $0x60  }
0xae: {  	[dreg:$0x2] =	wrdreg s2  }
0xaf: {  	[dreg:$0x3] =	wrdreg s24  }
0xb0: {  	[dreg:$0x4] =	wrdreg $0xB  }
0xb1: {  	_ =	task.clear_ibuf [dreg:s7], $0x5FFFF;
	_ =	strace $0x90000046  }
0xb2: {  	s29 =	simm.s32 $0xB;
	_ =	strace $0x80000048  }
0xb3: {  	_ =	swait.ge [sflag:s29], $0x1  }
0xb4: {  	[sflag:s29] =	ssyncadd.s32 $0xFFFFFFFF  }
0xb5: {  	_ =	strace $0x90000048  }
0xb6: {  	_ =	sfence  }
0xb7: {  	s30 =	sld [smem:$0x0];
	_ =	sdelay $0x2  }
0xb8: {  	s31 =	sshll.u32 s1, $0xD;
	s1 =	sshrl.u32 s1, $0x2  }
0xb9: {  	s3 =	sand.u32 $0x4000, s31;
	s1 =	sadd.s32 s1, s30  }
0xba: {  	s0 =	sor.u32 s3, s0;
	s1 =	sshll.u32 s1, $0x11  }
0xbb: {  	s0 =	sor.u32 s1, s0  }
0xbc: {  	s0 =	sadd.s32 $0x8F2B, s0  }
0xbd: {  	[sflag:s0] =	ssyncadd.remote.s32 $0x1  }
0xbe: {  	_ =	sfence.sel $0xFFFF  }
0xbf: {  	[dreg:$0x0] =	wrdreg $0xFFFFFFFF;
	(pc) =	sbr.abs _section_cstart, $3  }
0xc0: {  	[dreg:$0x1] =	wrdreg $0xFFFFFFFF  }
0xc1: {  	_ =	task.clear_ibuf [dreg:s7], $0x2FFFF;
	_ =	strace $0x9FFFFFFF  }
0xc2: {  	(tm) =	ssettm $0x7FFFFFFF  }
0xc3: {  	_ =	shalt  }
tec
execute0_lowered:
.L_overlay_start_1:
0x0: {  	(tag) =	ssettag $0x1  }
0x1: {  	s4 =	rddreg [dreg:$0x0]  }
0x2: {  	s5 =	rddreg [dreg:$0x1];
	s2 =	simm.s32 $0x0;
	s3 =	srdreg.scid  }
0x3: {  	s1 =	stileid.u32;
	s10 =	simm.s32 $0x0;
	s6 =	sand.u32 $0x1, s3  }
0x4: {  	[smem:$0x7FF] =	sst s2;
	s7 =	sshll.u32 s1, $0x8;
	s8 =	sshll.u32 s6, $0x7  }
0x5: {  	s3 =	sadd.s32 $0x3800, s5;
	s6 =	ssub.s32 $0x2, s6;
	s7 =	sor.u32 s8, s7  }
0x6: {  	_ =	strace $0x80000047;
	s9 =	sshrl.u32 s6, $0x1;
	s8 =	sshll.u32 s7, $0x4  }
0x7: {  	s7 =	sshrl.u32 s7, $0x3;
	s6 =	ssub.s32 s6, s9;
	s9 =	simm.s32 $0x80  }
0x8: {  	s5 =	sadd.s32 s8, s5;
	s4 =	sadd.s32 s4, s7;
	s6 =	smax.u32 s6, $0x1  }
0x9: {  	s7 =	simm.s32 $0x2;
	s8 =	simm.s32 $0x1;
	s5 =	sadd.s32 $0x18A200, s5  }
.LBB2_1:
0xa: {  	[tilespmem:s2], [sflag:$0x2] =	stream.linear.gather [hbm4b:s4+s2], $0x80, $0x38;
	[tilespmem:$0x4080] =	vst v63  }
0xb: {  	_ =	swait.ge [sflag:s7], $0x80  }
0xc: {  	[sflag:s7] =	ssyncset.done $0x0  }
0xd: {  	[sflag:s7] =	ssyncadd.s32 $0xFFFFFF80  }
0xe: {  	v0 =	vld [tilespmem:s2+$0x0];
	_ =	sdelay $0x4  }
0xf: {  	v0 =	vshll.u32 v0, $0x4  }
0x10: {  	(v2sf) =	vpush v0, $0x0  }
0x11: {  	(v2sf) =	vpush v0, $0x1  }
0x12: {  	(v2sf) =	vpush v0, $0x2;
	_ =	sdelay $0x1  }
0x13: {  	(v2sf) =	vpush v0, $0x3;
	_ =	sdelay $0x1  }
0x14: {  	(v2sf) =	vpush v0, $0x4;
	_ =	sdelay $0x1  }
0x15: {  	(v2sf) =	vpush v0, $0x5;
	_ =	sdelay $0x1  }
0x16: {  	(v2sf) =	vpush v0, $0x6  }
0x17: {  	s13 =	simm.s32 $0x100;
	s14 =	simm.s32 $0x200  }
0x18: {  	s15 =	simm.s32 $0x280;
	s16 =	simm.s32 $0x80;
	s17 =	simm.s32 $0x180;
	(v2sf) =	vpush v0, $0x7  }
0x19: {  	s18 =	simm.s32 $0x300;
	s12 =	simm.s32 $0x680;
	s11 =	simm.s32 $0x700  }
0x1a: {  	s19 =	simm.s32 $0x380;
	s20 =	simm.s32 $0x580;
	s21 =	simm.s32 $0x600;
	(v2sf) =	vpush v0, $0x8  }
0x1b: {  	s22 =	simm.s32 $0x480;
	s23 =	simm.s32 $0x500;
	s24 =	spop (v2sf)  }
0x1c: {  	s25 =	simm.s32 $0x400;
	(v2sf) =	vpush v0, $0x9;
	s24 =	sand.u32 $0x1FFFFFF0, s24;
	s26 =	spop (v2sf)  }
0x1d: {  	s24 =	sadd.s32 s3, s24;
	s26 =	sand.u32 $0x1FFFFFF0, s26;
	s28 =	spop (v2sf)  }
0x1e: {  	(v2sf) =	vpush v0, $0xA;
	[tilespmem:s16], [sflag:$0x1] =	stream.linear.gather [hbm4b:s24+s2], $0x80, $0x38;
	[tilespmem:$0x4080] =	vst v63  }
0x1f: {  	s26 =	sadd.s32 s3, s26;
	s28 =	sand.u32 $0x1FFFFFF0, s28;
	s29 =	spop (v2sf)  }
0x20: {  	(v2sf) =	vpush v0, $0xB;
	[tilespmem:s13], [sflag:$0x1] =	stream.linear.gather [hbm4b:s26+s2], $0x80, $0x38;
	[tilespmem:$0x4080] =	vst v63  }
0x21: {  	s30 =	sadd.s32 s3, s28;
	s31 =	sand.u32 $0x1FFFFFF0, s29;
	s0 =	spop (v2sf)  }
0x22: {  	(v2sf) =	vpush v0, $0xC;
	[tilespmem:s17], [sflag:$0x1] =	stream.linear.gather [hbm4b:s30+s2], $0x80, $0x38;
	[tilespmem:$0x4080] =	vst v63  }
0x23: {  	s16 =	sadd.s32 s3, s31;
	s24 =	spop (v2sf);
	s17 =	sand.u32 $0x1FFFFFF0, s0  }
0x24: {  	(v2sf) =	vpush v0, $0xD;
	[tilespmem:s14], [sflag:$0x1] =	stream.linear.gather [hbm4b:s16+s2], $0x80, $0x38;
	[tilespmem:$0x4080] =	vst v63  }
0x25: {  	s28 =	sand.u32 $0x1FFFFFF0, s24;
	s29 =	spop (v2sf);
	s26 =	sadd.s32 s3, s17  }
0x26: {  	(v2sf) =	vpush v0, $0xE;
	[tilespmem:s15], [sflag:$0x1] =	stream.linear.gather [hbm4b:s26+s2], $0x80, $0x38;
	[tilespmem:$0x4080] =	vst v63  }
0x27: {  	s30 =	sadd.s32 s3, s28;
	s31 =	sand.u32 $0x1FFFFFF0, s29;
	s0 =	spop (v2sf)  }
0x28: {  	(v2sf) =	vpush v0, $0xF;
	[tilespmem:s18], [sflag:$0x1] =	stream.linear.gather [hbm4b:s30+s2], $0x80, $0x38;
	[tilespmem:$0x4080] =	vst v63  }
0x29: {  	s17 =	spop (v2sf);
	s14 =	sadd.s32 s3, s31;
	s16 =	sand.u32 $0x1FFFFFF0, s0  }
0x2a: {  	[tilespmem:s19], [sflag:$0x1] =	stream.linear.gather [hbm4b:s14+s2], $0x80, $0x38;
	[tilespmem:$0x4080] =	vst v63  }
0x2b: {  	s18 =	sadd.s32 s3, s16;
	s19 =	sand.u32 $0x1FFFFFF0, s17;
	s24 =	spop (v2sf)  }
0x2c: {  	[tilespmem:s25], [sflag:$0x1] =	stream.linear.gather [hbm4b:s18+s2], $0x80, $0x38;
	[tilespmem:$0x4080] =	vst v63  }
0x2d: {  	s26 =	sadd.s32 s3, s19;
	s28 =	sand.u32 $0x1FFFFFF0, s24;
	s29 =	spop (v2sf)  }
0x2e: {  	[tilespmem:s22], [sflag:$0x1] =	stream.linear.gather [hbm4b:s26+s2], $0x80, $0x38;
	[tilespmem:$0x4080] =	vst v63  }
0x2f: {  	s30 =	sadd.s32 s3, s28;
	s31 =	sand.u32 $0x1FFFFFF0, s29;
	s0 =	spop (v2sf)  }
0x30: {  	[tilespmem:s23], [sflag:$0x1] =	stream.linear.gather [hbm4b:s30+s2], $0x80, $0x38;
	[tilespmem:$0x4080] =	vst v63  }
0x31: {  	s14 =	sadd.s32 s3, s31;
	s15 =	sand.u32 $0x1FFFFFF0, s0;
	s16 =	spop (v2sf)  }
0x32: {  	[tilespmem:s20], [sflag:$0x1] =	stream.linear.gather [hbm4b:s14+s2], $0x80, $0x38;
	[tilespmem:$0x4080] =	vst v63  }
0x33: {  	s17 =	sadd.s32 s3, s15;
	s18 =	sand.u32 $0x1FFFFFF0, s16;
	s19 =	spop (v2sf)  }
0x34: {  	[tilespmem:s21], [sflag:$0x1] =	stream.linear.gather [hbm4b:s17+s2], $0x80, $0x38;
	[tilespmem:$0x4080] =	vst v63  }
0x35: {  	s22 =	spop (v2sf);
	s20 =	sadd.s32 s3, s18;
	s21 =	sand.u32 $0x1FFFFFF0, s19  }
0x36: {  	[tilespmem:s12], [sflag:$0x1] =	stream.linear.gather [hbm4b:s20+s2], $0x80, $0x38;
	[tilespmem:$0x4080] =	vst v63  }
0x37: {  	s24 =	sand.u32 $0x1FFFFFF0, s22;
	s25 =	spop (v2sf);
	s23 =	sadd.s32 s3, s21  }
0x38: {  	[tilespmem:s11], [sflag:$0x1] =	stream.linear.gather [hbm4b:s23+s2], $0x80, $0x38;
	[tilespmem:$0x4080] =	vst v63  }
0x39: {  	s26 =	simm.s32 $0x780;
	s28 =	sadd.s32 s3, s24;
	s29 =	sand.u32 $0x1FFFFFF0, s25  }
0x3a: {  	[tilespmem:s26], [sflag:$0x1] =	stream.linear.gather [hbm4b:s28+s2], $0x80, $0x38;
	[tilespmem:$0x4080] =	vst v63  }
0x3b: {  	s30 =	simm.s32 $0x800;
	s31 =	sadd.s32 s3, s29  }
0x3c: {  	[tilespmem:s30], [sflag:$0x1] =	stream.linear.gather [hbm4b:s31+s2], $0x80, $0x38;
	[tilespmem:$0x4080] =	vst v63  }
0x3d: {  	_ =	swait.ge [sflag:s8], $0x80  }
0x3e: {  	[sflag:s8] =	ssyncset.done $0x0  }
0x3f: {  	[sflag:s8] =	ssyncadd.s32 $0xFFFFFF80  }
0x40: {  	_ =	swait.ge [sflag:s8], $0x80  }
0x41: {  	[sflag:s8] =	ssyncset.done $0x0  }
0x42: {  	[sflag:s8] =	ssyncadd.s32 $0xFFFFFF80  }
0x43: {  	_ =	swait.ge [sflag:s8], $0x80  }
0x44: {  	[sflag:s8] =	ssyncset.done $0x0  }
0x45: {  	[sflag:s8] =	ssyncadd.s32 $0xFFFFFF80  }
0x46: {  	_ =	swait.ge [sflag:s8], $0x80  }
0x47: {  	[sflag:s8] =	ssyncset.done $0x0  }
0x48: {  	[sflag:s8] =	ssyncadd.s32 $0xFFFFFF80  }
0x49: {  	_ =	swait.ge [sflag:s8], $0x80  }
0x4a: {  	[sflag:s8] =	ssyncset.done $0x0  }
0x4b: {  	[sflag:s8] =	ssyncadd.s32 $0xFFFFFF80  }
0x4c: {  	_ =	swait.ge [sflag:s8], $0x80  }
0x4d: {  	[sflag:s8] =	ssyncset.done $0x0  }
0x4e: {  	[sflag:s8] =	ssyncadd.s32 $0xFFFFFF80  }
0x4f: {  	_ =	swait.ge [sflag:s8], $0x80  }
0x50: {  	[sflag:s8] =	ssyncset.done $0x0  }
0x51: {  	[sflag:s8] =	ssyncadd.s32 $0xFFFFFF80  }
0x52: {  	_ =	swait.ge [sflag:s8], $0x80  }
0x53: {  	[sflag:s8] =	ssyncset.done $0x0  }
0x54: {  	[sflag:s8] =	ssyncadd.s32 $0xFFFFFF80  }
0x55: {  	_ =	swait.ge [sflag:s8], $0x80  }
0x56: {  	[sflag:s8] =	ssyncset.done $0x0  }
0x57: {  	[sflag:s8] =	ssyncadd.s32 $0xFFFFFF80  }
0x58: {  	_ =	swait.ge [sflag:s8], $0x80  }
0x59: {  	[sflag:s8] =	ssyncset.done $0x0  }
0x5a: {  	[sflag:s8] =	ssyncadd.s32 $0xFFFFFF80  }
0x5b: {  	_ =	swait.ge [sflag:s8], $0x80  }
0x5c: {  	[sflag:s8] =	ssyncset.done $0x0  }
0x5d: {  	[sflag:s8] =	ssyncadd.s32 $0xFFFFFF80  }
0x5e: {  	_ =	swait.ge [sflag:s8], $0x80  }
0x5f: {  	[sflag:s8] =	ssyncset.done $0x0  }
0x60: {  	[sflag:s8] =	ssyncadd.s32 $0xFFFFFF80  }
0x61: {  	_ =	swait.ge [sflag:s8], $0x80  }
0x62: {  	[sflag:s8] =	ssyncset.done $0x0  }
0x63: {  	[sflag:s8] =	ssyncadd.s32 $0xFFFFFF80  }
0x64: {  	s12 =	simm.s32 $0x0;
	s11 =	simm.s32 $0x2000;
	_ =	swait.ge [sflag:s8], $0x80  }
.LBB2_2:
0x65: {  	p0 =	sne.s32 s11, $0xE000;
	[sflag:s8] =	ssyncset.done $0x0;
	s12 =	sadd.s32 $0x10, s12  }
0x66: {  	s13 =	smov.u32 s11;
	s11 =	sadd.s32 $0x2000, s11;
	[sflag:s8] =	ssyncadd.s32 $0xFFFFFF80  }
0x67: {  	_ =	swait.ge [sflag:s8], $0x80  }
0x68: {  	[sflag:s8] =	ssyncset.done $0x0  }
0x69: {  	[sflag:s8] =	ssyncadd.s32 $0xFFFFFF80  }
0x6a: {  	_ =	swait.ge [sflag:s8], $0x80  }
0x6b: {  	[sflag:s8] =	ssyncset.done $0x0  }
0x6c: {  	[sflag:s8] =	ssyncadd.s32 $0xFFFFFF80  }
0x6d: {  	v0 =	vld [tilespmem:s12+$0x0];
	_ =	sdelay $0x4  }
0x6e: {  	v0 =	vshll.u32 v0, $0x4  }
0x6f: {  	(v2sf) =	vpush v0, $0x0  }
0x70: {  	(v2sf) =	vpush v0, $0x1  }
0x71: {  	(v2sf) =	vpush v0, $0x2;
	_ =	sdelay $0x1  }
0x72: {  	(v2sf) =	vpush v0, $0x3;
	_ =	sdelay $0x1  }
0x73: {  	(v2sf) =	vpush v0, $0x4;
	_ =	sdelay $0x1  }
0x74: {  	(v2sf) =	vpush v0, $0x5  }
0x75: {  	s13 =	sshra.s32 s13, $0x2  }
0x76: {  	s21 =	sadd.s32 $0x100, s13;
	s22 =	sadd.s32 $0x200, s13;
	s23 =	sadd.s32 $0x280, s13;
	(v2sf) =	vpush v0, $0x6  }
0x77: {  	s24 =	sadd.s32 $0x80, s13;
	s25 =	sadd.s32 $0x180, s13  }
0x78: {  	s26 =	sadd.s32 $0x300, s13;
	(v2sf) =	vpush v0, $0x7  }
0x79: {  	s16 =	sadd.s32 $0x680, s13;
	s15 =	sadd.s32 $0x700, s13;
	s14 =	sadd.s32 $0x800, s13  }
0x7a: {  	s28 =	sadd.s32 $0x380, s13;
	s18 =	sadd.s32 $0x580, s13;
	s17 =	sadd.s32 $0x600, s13;
	(v2sf) =	vpush v0, $0x8  }
0x7b: {  	s20 =	sadd.s32 $0x480, s13;
	s19 =	sadd.s32 $0x500, s13;
	s29 =	spop (v2sf)  }
0x7c: {  	s30 =	sadd.s32 $0x400, s13;
	s29 =	sand.u32 $0x1FFFFFF0, s29;
	s31 =	spop (v2sf);
	(v2sf) =	vpush v0, $0x9  }
0x7d: {  	s29 =	sadd.s32 s3, s29;
	s31 =	sand.u32 $0x1FFFFFF0, s31;
	s0 =	spop (v2sf)  }
0x7e: {  	[tilespmem:s24], [sflag:$0x1] =	stream.linear.gather [hbm4b:s29+s2], $0x80, $0x38;
	(v2sf) =	vpush v0, $0xA;
	[tilespmem:$0x4080] =	vst v63  }
0x7f: {  	s24 =	sadd.s32 s3, s31;
	s0 =	sand.u32 $0x1FFFFFF0, s0;
	s29 =	spop (v2sf)  }
0x80: {  	[tilespmem:s21], [sflag:$0x1] =	stream.linear.gather [hbm4b:s24+s2], $0x80, $0x38;
	(v2sf) =	vpush v0, $0xB;
	[tilespmem:$0x4080] =	vst v63  }
0x81: {  	s0 =	sadd.s32 s3, s0;
	s21 =	sand.u32 $0x1FFFFFF0, s29;
	s24 =	spop (v2sf)  }
0x82: {  	[tilespmem:s25], [sflag:$0x1] =	stream.linear.gather [hbm4b:s0+s2], $0x80, $0x38;
	(v2sf) =	vpush v0, $0xC;
	[tilespmem:$0x4080] =	vst v63  }
0x83: {  	s0 =	sadd.s32 s3, s21;
	s21 =	sand.u32 $0x1FFFFFF0, s24;
	s24 =	spop (v2sf)  }
0x84: {  	[tilespmem:s22], [sflag:$0x1] =	stream.linear.gather [hbm4b:s0+s2], $0x80, $0x38;
	(v2sf) =	vpush v0, $0xD;
	[tilespmem:$0x4080] =	vst v63  }
0x85: {  	s0 =	sadd.s32 s3, s21;
	s21 =	sand.u32 $0x1FFFFFF0, s24;
	s22 =	spop (v2sf)  }
0x86: {  	[tilespmem:s23], [sflag:$0x1] =	stream.linear.gather [hbm4b:s0+s2], $0x80, $0x38;
	(v2sf) =	vpush v0, $0xE;
	[tilespmem:$0x4080] =	vst v63  }
0x87: {  	s0 =	sadd.s32 s3, s21;
	s21 =	sand.u32 $0x1FFFFFF0, s22;
	s22 =	spop (v2sf)  }
0x88: {  	[tilespmem:s26], [sflag:$0x1] =	stream.linear.gather [hbm4b:s0+s2], $0x80, $0x38;
	(v2sf) =	vpush v0, $0xF;
	[tilespmem:$0x4080] =	vst v63  }
0x89: {  	s0 =	sadd.s32 s3, s21;
	s21 =	sand.u32 $0x1FFFFFF0, s22;
	s22 =	spop (v2sf)  }
0x8a: {  	[tilespmem:s28], [sflag:$0x1] =	stream.linear.gather [hbm4b:s0+s2], $0x80, $0x38;
	[tilespmem:$0x4080] =	vst v63  }
0x8b: {  	s0 =	sadd.s32 s3, s21;
	s21 =	sand.u32 $0x1FFFFFF0, s22;
	s22 =	spop (v2sf)  }
0x8c: {  	[tilespmem:s30], [sflag:$0x1] =	stream.linear.gather [hbm4b:s0+s2], $0x80, $0x38;
	[tilespmem:$0x4080] =	vst v63  }
0x8d: {  	s0 =	sadd.s32 s3, s21;
	s21 =	sand.u32 $0x1FFFFFF0, s22;
	s22 =	spop (v2sf)  }
0x8e: {  	[tilespmem:s20], [sflag:$0x1] =	stream.linear.gather [hbm4b:s0+s2], $0x80, $0x38;
	[tilespmem:$0x4080] =	vst v63  }
0x8f: {  	s0 =	sadd.s32 s3, s21;
	s20 =	sand.u32 $0x1FFFFFF0, s22;
	s21 =	spop (v2sf)  }
0x90: {  	[tilespmem:s19], [sflag:$0x1] =	stream.linear.gather [hbm4b:s0+s2], $0x80, $0x38;
	[tilespmem:$0x4080] =	vst v63  }
0x91: {  	s0 =	sadd.s32 s3, s20;
	s19 =	sand.u32 $0x1FFFFFF0, s21;
	s20 =	spop (v2sf)  }
0x92: {  	[tilespmem:s18], [sflag:$0x1] =	stream.linear.gather [hbm4b:s0+s2], $0x80, $0x38;
	[tilespmem:$0x4080] =	vst v63  }
0x93: {  	s0 =	sadd.s32 s3, s19;
	s18 =	sand.u32 $0x1FFFFFF0, s20;
	s19 =	spop (v2sf)  }
0x94: {  	[tilespmem:s17], [sflag:$0x1] =	stream.linear.gather [hbm4b:s0+s2], $0x80, $0x38;
	[tilespmem:$0x4080] =	vst v63  }
0x95: {  	s0 =	sadd.s32 s3, s18;
	s17 =	sand.u32 $0x1FFFFFF0, s19;
	s18 =	spop (v2sf)  }
0x96: {  	[tilespmem:s16], [sflag:$0x1] =	stream.linear.gather [hbm4b:s0+s2], $0x80, $0x38;
	[tilespmem:$0x4080] =	vst v63  }
0x97: {  	s0 =	sadd.s32 s3, s17;
	s16 =	sand.u32 $0x1FFFFFF0, s18;
	s17 =	spop (v2sf)  }
0x98: {  	[tilespmem:s15], [sflag:$0x1] =	stream.linear.gather [hbm4b:s0+s2], $0x80, $0x38;
	[tilespmem:$0x4080] =	vst v63  }
0x99: {  	s0 =	sadd.s32 $0x780, s13;
	s13 =	sadd.s32 s3, s16;
	s15 =	sand.u32 $0x1FFFFFF0, s17  }
0x9a: {  	[tilespmem:s0], [sflag:$0x1] =	stream.linear.gather [hbm4b:s13+s2], $0x80, $0x38;
	[tilespmem:$0x4080] =	vst v63  }
0x9b: {  	s0 =	sadd.s32 s3, s15  }
0x9c: {  	[tilespmem:s14], [sflag:$0x1] =	stream.linear.gather [hbm4b:s0+s2], $0x80, $0x38;
	[tilespmem:$0x4080] =	vst v63  }
0x9d: {  	_ =	swait.ge [sflag:s8], $0x80  }
0x9e: {  	[sflag:s8] =	ssyncset.done $0x0  }
0x9f: {  	[sflag:s8] =	ssyncadd.s32 $0xFFFFFF80  }
0xa0: {  	_ =	swait.ge [sflag:s8], $0x80  }
0xa1: {  	[sflag:s8] =	ssyncset.done $0x0  }
0xa2: {  	[sflag:s8] =	ssyncadd.s32 $0xFFFFFF80  }
0xa3: {  	_ =	swait.ge [sflag:s8], $0x80  }
0xa4: {  	[sflag:s8] =	ssyncset.done $0x0  }
0xa5: {  	[sflag:s8] =	ssyncadd.s32 $0xFFFFFF80  }
0xa6: {  	_ =	swait.ge [sflag:s8], $0x80  }
0xa7: {  	[sflag:s8] =	ssyncset.done $0x0  }
0xa8: {  	[sflag:s8] =	ssyncadd.s32 $0xFFFFFF80  }
0xa9: {  	_ =	swait.ge [sflag:s8], $0x80  }
0xaa: {  	[sflag:s8] =	ssyncset.done $0x0  }
0xab: {  	[sflag:s8] =	ssyncadd.s32 $0xFFFFFF80  }
0xac: {  	_ =	swait.ge [sflag:s8], $0x80  }
0xad: {  	[sflag:s8] =	ssyncset.done $0x0  }
0xae: {  	[sflag:s8] =	ssyncadd.s32 $0xFFFFFF80  }
0xaf: {  	_ =	swait.ge [sflag:s8], $0x80  }
0xb0: {  	[sflag:s8] =	ssyncset.done $0x0  }
0xb1: {  	[sflag:s8] =	ssyncadd.s32 $0xFFFFFF80  }
0xb2: {  	_ =	swait.ge [sflag:s8], $0x80  }
0xb3: {  	[sflag:s8] =	ssyncset.done $0x0  }
0xb4: {  	[sflag:s8] =	ssyncadd.s32 $0xFFFFFF80  }
0xb5: {  	_ =	swait.ge [sflag:s8], $0x80  }
0xb6: {  	[sflag:s8] =	ssyncset.done $0x0  }
0xb7: {  	[sflag:s8] =	ssyncadd.s32 $0xFFFFFF80  }
0xb8: {  	_ =	swait.ge [sflag:s8], $0x80  }
0xb9: {  	[sflag:s8] =	ssyncset.done $0x0  }
0xba: {  	[sflag:s8] =	ssyncadd.s32 $0xFFFFFF80  }
0xbb: {  	_ =	swait.ge [sflag:s8], $0x80  }
0xbc: {  	[sflag:s8] =	ssyncset.done $0x0  }
0xbd: {  	[sflag:s8] =	ssyncadd.s32 $0xFFFFFF80  }
0xbe: {  	_ =	swait.ge [sflag:s8], $0x80  }
0xbf: {  	[sflag:s8] =	ssyncset.done $0x0  }
.Ltmp0:
0xc0: {  	[sflag:s8] =	ssyncadd.s32 $0xFFFFFF80;
	(pc) =	sbr.rel @p0 .LBB2_2-.Ltmp0, $4  }
0xc1: {  	_ =	swait.ge [sflag:s8], $0x80  }
0xc2: {  	[sflag:s8] =	ssyncset.done $0x0  }
0xc3: {  	[sflag:s8] =	ssyncadd.s32 $0xFFFFFF80  }
0xc4: {  	_ =	swait.ge [sflag:s8], $0x80  }
0xc5: {  	[sflag:s8] =	ssyncset.done $0x0  }
0xc6: {  	[sflag:s8] =	ssyncadd.s32 $0xFFFFFF80  }
0xc7: {  	_ =	swait.ge [sflag:s8], $0x80  }
0xc8: {  	[sflag:s8] =	ssyncset.done $0x0  }
0xc9: {  	[sflag:s8] =	ssyncadd.s32 $0xFFFFFF80  }
0xca: {  	s10 =	sadd.s32 $0x1, s10;
	_ =	swait.ge [sflag:s8], $0x80  }
0xcb: {  	p0 =	sne.s32 s10, s6;
	[sflag:s8] =	ssyncset.done $0x0  }
.Ltmp1:
0xcc: {  	[sflag:s8] =	ssyncadd.s32 $0xFFFFFF80;
	(pc) =	sbr.rel @p0 .LBB2_1-.Ltmp1, $4  }
0xcd: {  	[hbm4b:s5+s2] =	stream.linear.scatter [tilespmem:s9], [sflag:$0x2], $0x4000, $0x38;
	[tilespmem:$0x4080] =	vst v63  }
0xce: {  	_ =	swait.ge [sflag:s7], $0x4000  }
0xcf: {  	[sflag:s7] =	ssyncset.done $0x0  }
0xd0: {  	[sflag:s7] =	ssyncadd.s32 $0xFFFFC000  }
0xd1: {  	_ =	sfence.sel $0x180000  }
0xd2: {  	[bflag:$0x0] =	sbarrier.arrive $0xFFFF  }
0xd3: {  	_ =	strace $0x90000047  }
0xd4: {  	[bflag:$0x2] =	sbarrier.arrive $0xFFFF  }
0xd5: {  	p0 =	sne.s32 s1, $0x0;
	s0 =	rddreg [dreg:$0x2]  }
0xd6: {  	s0 =	sadd.s32 @!p0 $0x100000, s0  }
0xd7: {  	[sflag:s0] =	ssyncadd.tile.s32 @!p0 $0x1;
	_ =	shalt  }
.Lfunc_end2:
_tile_overlayer_lowered:
.L_overlay_start_2:
0xd8: {  	(tag) =	ssettag $0x2  }
0xd9: {  	s0 =	rddreg [dreg:$0x0];
	s2 =	stileid.u32  }
0xda: {  	s1 =	rddreg [dreg:$0x1];
	p0 =	sne.s32 s2, $0x0  }
0xdb: {  	s3 =	rddreg [dreg:$0x2];
	[bflag:$0x3] =	sbarrier.arrive $0xFFFF;
	s2 =	simm.s32 @!p0 $0x1C02  }
0xdc: {  	[timem:s3], [sflag:s2] =	dma.local @!p0 [hbm:s0], s1  }
0xdd: {  	s0 =	simm.s32 @!p0 $0x2  }
0xde: {  	_ =	swait.ge @!p0 [sflag:s0], s1  }
0xdf: {  	s1 =	ssub.s32 @!p0 $0x0, s1;
	[sflag:s0] =	ssyncset.done @!p0 $0x0  }
0xe0: {  	[sflag:s0] =	ssyncadd.s32 @!p0 s1  }
0xe1: {  	[bflag:$0x3] =	sbarrier.arrive $0xFFFF  }
0xe2: {  	_ =	shalt  }

// kernel: kernel.6.cloned.1.call-start
scs
__scs_entry_jumppad:
0x0: {  	(pc) =	sbr.rel $0x88, $3  }
0x1: {  	(tag) =	ssettag $0x0;
	lr =	simm.s32 $0x1  }
0x2: {  	[smem:$0x3F95] =	sst lr;
	_ =	strace $0xD0000000  }
0x3: {  	_ = 	snop  }
0x4: {  	_ = 	snop  }
0x5: {  	_ = 	snop  }
0x6: {  	_ = 	snop  }
0x7: {  	_ = 	snop  }
__scs_overlays_trampoline_lowered:
0x8: {  	[smem:$0x3FA4] =	sst s0  }
0x9: {  	[smem:$0x3FA5] =	sst s1  }
0xa: {  	[smem:$0x3FA6] =	sst s2  }
0xb: {  	[smem:$0x3FA7] =	sst s3  }
0xc: {  	[smem:$0x3FA8] =	sst s4  }
0xd: {  	[smem:$0x3FA9] =	sst s5  }
0xe: {  	[smem:$0x3FAA] =	sst s6  }
0xf: {  	[smem:$0x3FAB] =	sst s7  }
0x10: {  	[smem:$0x3FAC] =	sst s8  }
0x11: {  	[smem:$0x3FAD] =	sst s9;
	s0 =	simm.s32 @!p0 $0x0  }
0x12: {  	s1 =	sld [smem:$0x3F93];
	s0 =	simm.s32 @p0 $0x1  }
0x13: {  	[smem:$0x3FAE] =	sst s0;
	s0 =	simm.s32 @!p1 $0x0  }
0x14: {  	s2 =	sld [smem:$0x3F92];
	s0 =	simm.s32 @p1 $0x1  }
0x15: {  	[smem:$0x3FAF] =	sst s0;
	s0 =	simm.s32 @!p2 $0x0  }
0x16: {  	s3 =	sld [smem:$0x3FDB];
	s0 =	simm.s32 @p2 $0x1  }
0x17: {  	s4 =	simm.s32 $0x1BF5;
	[smem:$0x3FB1] =	sst s0  }
0x18: {  	s0 =	sld [smem:$0x3F94];
	_ =	swait.ge [sflag:s4], $0x0  }
0x19: {  	s7 =	sld [smem:$0x3F95]  }
0x1a: {  	s8 =	sadd.s32 $0xFFFFE003, lr  }
0x1b: {  	s9 =	sadd.s32 $0xFFFFFEF7, lr;
	s5 =	simm.s32 $0xFFFFFFFF;
	p2 =	slt.u32 s8, $0xFFFFF086  }
0x1c: {  	p1 =	slt.u32 s9, $0xF7A;
	s5 =	simm.s32 @!p2 $0x0  }
0x1d: {  	s5 =	simm.s32 @p1 $0x1;
	p0 =	seq.s32 s7, s2  }
0x1e: {  	s7 =	smul.u32 @!p0 $0xF7A, s2;
	p2 =	seq.s32 @!p0 s5, $0x0  }
0x1f: {  	s9 =	smul.u32 $0xF7A, s1;
	s8 =	simm.s32 @!p0 $0x1BF5;
	p2 =	por !p2, p0  }
0x20: {  	[sflag:s8] =	ssyncset.s32 @!p0 $0xFFFFF086;
	s6 =	sadd.s32 @!p0 s3, s7;
	s7 =	simm.s32 @!p0 $0x108  }
0x21: {  	s3 =	sadd.s32 s3, s9;
	s6 =	sadd.s32 @!p0 $0x88, s6;
	s7 =	simm.s32 @p2 $0x1082  }
0x22: {  	[simem:s7], [sflag:s8] =	dma.local @!p0 [hbm:s6], $0xF7A  }
0x23: {  	s9 =	sor.u32 $0xD0000000, s2;
	s6 =	simm.s32 $0x108;
	_ =	swait.ge @!p0 [sflag:s8], $0x0  }
0x24: {  	s3 =	sadd.s32 $0x88, s3;
	s6 =	simm.s32 @!p1 $0x1082;
	[sflag:s4] =	ssyncset.s32 $0xFFFFF086  }
0x25: {  	[simem:s6], [sflag:s4] =	dma.local [hbm:s3], $0xF7A  }
0x26: {  	[smem:$0x3F95] =	sst s1;
	(tag) =	ssettag s2;
	_ =	strace s9  }
0x27: {  	s1 =	sld [smem:$0x3FA5]  }
0x28: {  	s2 =	sld [smem:$0x3FA6]  }
0x29: {  	s4 =	sld [smem:$0x3FA8]  }
0x2a: {  	p0 =	seq.s32 s5, $0x0;
	s5 =	sld [smem:$0x3FA9]  }
0x2b: {  	s6 =	sld [smem:$0x3FAA]  }
0x2c: {  	s7 =	sld [smem:$0x3FAB]  }
0x2d: {  	s3 =	simm.s32 $0x108;
	s8 =	sld [smem:$0x3FAC]  }
0x2e: {  	s3 =	simm.s32 @!p0 $0x1082;
	s9 =	sld [smem:$0x3FAD]  }
0x2f: {  	lr =	sadd.s32 s0, s3;
	s0 =	sld [smem:$0x3FA4]  }
0x30: {  	s3 =	sld [smem:$0x3FA7]  }
0x31: {  	[smem:$0x3FB0] =	sst s10  }
0x32: {  	s10 =	sld [smem:$0x3FAE];
	_ =	sdelay $0x3  }
0x33: {  	p0 =	seq.s32 s10, $0x1;
	s10 =	sld [smem:$0x3FB0];
	_ =	sdelay $0x3  }
0x34: {  	[smem:$0x3FB0] =	sst s10  }
0x35: {  	s10 =	sld [smem:$0x3FAF];
	_ =	sdelay $0x3  }
0x36: {  	p1 =	seq.s32 s10, $0x1;
	s10 =	sld [smem:$0x3FB0];
	_ =	sdelay $0x3  }
0x37: {  	[smem:$0x3FB0] =	sst s10  }
0x38: {  	s10 =	sld [smem:$0x3FB1]  }
0x39: {  	_ = 	snop;
	(pc) =	sbr.ind lr, $3  }
0x3a: {  	_ = 	snop  }
0x3b: {  	_ = 	snop  }
0x3c: {  	p2 =	seq.s32 s10, $0x1;
	s10 =	sld [smem:$0x3FB0]  }
0x3d: {  	_ =	shalt  }
0x3e: {  	_ =	shalt  }
0x3f: {  	_ =	shalt  }
0x40: {  	_ =	shalt  }
0x41: {  	_ =	shalt  }
0x42: {  	_ =	shalt  }
0x43: {  	_ =	shalt  }
0x44: {  	_ =	shalt  }
0x45: {  	_ =	shalt  }
0x46: {  	_ =	shalt  }
0x47: {  	_ =	shalt  }
0x48: {  	_ =	shalt  }
0x49: {  	_ =	shalt  }
0x4a: {  	_ =	shalt  }
0x4b: {  	_ =	shalt  }
0x4c: {  	_ =	shalt  }
0x4d: {  	_ =	shalt  }
0x4e: {  	_ =	shalt  }
0x4f: {  	_ =	shalt  }
0x50: {  	_ =	shalt  }
0x51: {  	_ =	shalt  }
0x52: {  	_ =	shalt  }
0x53: {  	_ =	shalt  }
0x54: {  	_ =	shalt  }
0x55: {  	_ =	shalt  }
0x56: {  	_ =	shalt  }
0x57: {  	_ =	shalt  }
0x58: {  	_ =	shalt  }
0x59: {  	_ =	shalt  }
0x5a: {  	_ =	shalt  }
0x5b: {  	_ =	shalt  }
0x5c: {  	_ =	shalt  }
0x5d: {  	_ =	shalt  }
0x5e: {  	_ =	shalt  }
0x5f: {  	_ =	shalt  }
0x60: {  	_ =	shalt  }
0x61: {  	_ =	shalt  }
0x62: {  	_ =	shalt  }
0x63: {  	_ =	shalt  }
0x64: {  	_ =	shalt  }
0x65: {  	_ =	shalt  }
0x66: {  	_ =	shalt  }
0x67: {  	_ =	shalt  }
0x68: {  	_ =	shalt  }
0x69: {  	_ =	shalt  }
0x6a: {  	_ =	shalt  }
0x6b: {  	_ =	shalt  }
0x6c: {  	_ =	shalt  }
0x6d: {  	_ =	shalt  }
0x6e: {  	_ =	shalt  }
0x6f: {  	_ =	shalt  }
0x70: {  	_ =	shalt  }
0x71: {  	_ =	shalt  }
0x72: {  	_ =	shalt  }
0x73: {  	_ =	shalt  }
0x74: {  	_ =	shalt  }
0x75: {  	_ =	shalt  }
0x76: {  	_ =	shalt  }
0x77: {  	_ =	shalt  }
0x78: {  	_ =	shalt  }
0x79: {  	_ =	shalt  }
0x7a: {  	_ =	shalt  }
0x7b: {  	_ =	shalt  }
0x7c: {  	_ =	shalt  }
0x7d: {  	_ =	shalt  }
0x7e: {  	_ =	shalt  }
0x7f: {  	_ =	shalt  }
0x80: {  	_ =	shalt  }
0x81: {  	_ =	shalt  }
0x82: {  	_ =	shalt  }
0x83: {  	_ =	shalt  }
0x84: {  	_ =	shalt  }
0x85: {  	_ =	shalt  }
0x86: {  	_ =	shalt  }
0x87: {  	_ =	shalt  }
.Lfunc_end0:
.L_simem_size_0:
called_computation_lowered:
.L_overlay_start_0:
0x88: {  	s2 =	sld [smem:$0x3FD9]  }
0x89: {  	s3 =	sld [smem:$0x3FFE];
	_ =	sdelay $0x1  }
0x8a: {  	s1 =	srdreg.scid  }
0x8b: {  	s0 =	sand.u32 $0x1, s1  }
0x8c: {  	s17 =	sshll.u32 s0, $0xA;
	s2 =	sadd.s32 s3, s2  }
0x8d: {  	s2 =	sadd.s32 s2, s17  }
0x8e: {  	[smem:$0x3FBC] =	sst s2  }
0x8f: {  	_ = 	snop  }
0x90: {  	s18 =	sld [smem:$0x3FC9];
	(tm) =	ssettm $0x1  }
0x91: {  	s19 =	sld [smem:$0x3FFB];
	_ =	sdelay $0x3  }
0x92: {  	_ =	strace s19  }
0x93: {  	s2 =	sld [smem:$0x3FFC];
	_ =	sdelay $0x3  }
0x94: {  	_ =	strace s2  }
0x95: {  	s2 =	sld [smem:$0x3FFD];
	_ =	sdelay $0x3  }
0x96: {  	_ =	strace s2  }
0x97: {  	_ =	strace $0x8FFFFFFF  }
0x98: {  	s20 =	sld [smem:$0x3FDB];
	_ =	sdelay $0x1  }
0x99: {  	s4 =	simm.s32 $_scs_section_size  }
0x9a: {  	s5 =	simm.s32 $_size__tile_overlayer_lowered;
	s6 =	simm.s32 $_tile_overlayer_lowered  }
0x9b: {  	s7 =	simm.s32 $0x1BFF;
	s21 =	sshll.u32 s6, $0x1;
	s4 =	sadd.s32 s4, s20  }
0x9c: {  	s22 =	simm.s32 $0x0;
	s5 =	sshll.u32 s5, $0x1;
	s6 =	sadd.s32 s21, s4  }
0x9d: {  	[timem:s22], [sflag:s7] =	dma.local [hbm:s6], s5  }
0x9e: {  	_ =	swait.ge [sflag:s7], s5  }
0x9f: {  	s5 =	ssub.s32 $0x0, s5;
	[sflag:s7] =	ssyncset.done $0x0  }
0xa0: {  	[sflag:s7] =	ssyncadd.s32 s5;
	_ =	sdelay $0x1  }
0xa1: {  	s23 =	simm.s32 $0x1B8B  }
0xa2: {  	_ =	swait.ge [sflag:s23], $0x1  }
0xa3: {  	[sflag:s23] =	ssyncset.done $0x0  }
0xa4: {  	[sflag:s23] =	ssyncadd.s32 $0xFFFFFFFF  }
0xa5: {  	s5 =	sld [smem:$0x0]  }
0xa6: {  	s6 =	sand.u32 $0xFFFFFFFE, s1  }
0xa7: {  	p0 =	sne.s32 s1, s6  }
0xa8: {  	s6 =	sshll.u32 @p0 s6, $0xE  }
0xa9: {  	s6 =	sadd.s32 @p0 $0x11B8D, s6;
	s7 =	sshll.u32 @p0 s5, $0x11  }
0xaa: {  	s6 =	sor.u32 @p0 s7, s6  }
0xab: {  	[sflag:s6] =	ssyncadd.remote.s32 @p0 $0x1;
	_ =	sdelay $0x1  }
0xac: {  	s6 =	simm.s32 @p0 $0x1B8D  }
0xad: {  	_ =	swait.eq @p0 [sflag:s6], $0x1  }
0xae: {  	[sflag:s6] =	ssyncadd.s32 @p0 $0xFFFFFFFF  }
0xaf: {  	s7 =	sshll.u32 @!p0 s1, $0xE  }
0xb0: {  	s7 =	sor.u32 @!p0 $0x4000, s7;
	s6 =	simm.s32 @!p0 $0x1B8D  }
0xb1: {  	s5 =	sshll.u32 @!p0 s5, $0x11;
	s7 =	sadd.s32 @!p0 $0x11B8D, s7;
	_ =	swait.eq @!p0 [sflag:s6], $0x1  }
0xb2: {  	s5 =	sor.u32 @!p0 s5, s7;
	[sflag:s6] =	ssyncadd.s32 @!p0 $0xFFFFFFFF  }
0xb3: {  	s25 =	simm.s32 $0x1B8E;
	s24 =	sld [smem:$0x3FFE];
	[sflag:s5] =	ssyncadd.remote.s32 @!p0 $0x1  }
0xb4: {  	s26 =	simm.s32 $execute0_lowered;
	[smem:$0x3FD2] =	sst s25  }
0xb5: {  	s6 =	sshll.u32 s26, $0x1;
	_ =	strace $0x80000049;
	[dreg:$0x1] =	wrdreg $0xFFFFFFFF  }
0xb6: {  	s28 =	simm.s32 $_size_execute0_lowered;
	s4 =	sadd.s32 s4, s6;
	[dreg:$0x0] =	wrdreg $0x0  }
0xb7: {  	s6 =	sshll.u32 s28, $0x1;
	[dreg:$0x2] =	wrdreg s4  }
0xb8: {  	[dreg:$0x3] =	wrdreg s6  }
0xb9: {  	[dreg:$0x4] =	wrdreg $0xC0  }
0xba: {  	_ =	task [dreg:s22], $0x5FFFF  }
0xbb: {  	[dreg:$0x1] =	wrdreg $0xFFFFFFFF  }
0xbc: {  	[dreg:$0x0] =	wrdreg $0x60  }
0xbd: {  	[dreg:$0x2] =	wrdreg s18  }
0xbe: {  	[dreg:$0x3] =	wrdreg s24  }
0xbf: {  	[dreg:$0x4] =	wrdreg $0x9  }
0xc0: {  	_ =	task.clear_ibuf [dreg:s22], $0x5FFFF;
	_ =	strace $0x90000049  }
0xc1: {  	s29 =	simm.s32 $0x9;
	_ =	strace $0x8000004B  }
0xc2: {  	_ =	swait.ge [sflag:s29], $0x1  }
0xc3: {  	[sflag:s29] =	ssyncadd.s32 $0xFFFFFFFF  }
0xc4: {  	_ =	strace $0x9000004B  }
0xc5: {  	_ =	sfence  }
0xc6: {  	s30 =	sld [smem:$0x0];
	_ =	sdelay $0x2  }
0xc7: {  	s31 =	sshll.u32 s1, $0xD;
	s1 =	sshrl.u32 s1, $0x2  }
0xc8: {  	s4 =	sand.u32 $0x4000, s31;
	s1 =	sadd.s32 s1, s30  }
0xc9: {  	s0 =	sor.u32 s4, s0;
	s1 =	sshll.u32 s1, $0x11  }
0xca: {  	s0 =	sor.u32 s1, s0  }
0xcb: {  	s0 =	sadd.s32 $0x8F2B, s0  }
0xcc: {  	[sflag:s0] =	ssyncadd.remote.s32 $0x1  }
0xcd: {  	_ =	sfence.sel $0xFFFF  }
0xce: {  	[dreg:$0x0] =	wrdreg $0xFFFFFFFF;
	(pc) =	sbr.abs _section_cstart, $3  }
0xcf: {  	[dreg:$0x1] =	wrdreg $0xFFFFFFFF  }
0xd0: {  	_ =	task.clear_ibuf [dreg:s22], $0x2FFFF;
	_ =	strace $0x9FFFFFFF  }
0xd1: {  	(tm) =	ssettm $0x7FFFFFFF  }
tec
execute0_lowered:
.L_overlay_start_1:
0x0: {  	(tag) =	ssettag $0x1  }
0x1: {  	s4 =	rddreg [dreg:$0x0]  }
0x2: {  	s5 =	rddreg [dreg:$0x1];
	s2 =	simm.s32 $0x0;
	s3 =	srdreg.scid  }
0x3: {  	s1 =	stileid.u32;
	s10 =	simm.s32 $0x0;
	s6 =	sand.u32 $0x1, s3  }
0x4: {  	[smem:$0x7FF] =	sst s2;
	s7 =	sshll.u32 s1, $0x8;
	s8 =	sshll.u32 s6, $0x7  }
0x5: {  	s3 =	sadd.s32 $0x19A200, s5;
	s6 =	ssub.s32 $0x2, s6;
	s7 =	sor.u32 s8, s7  }
0x6: {  	_ =	strace $0x8000004A;
	s9 =	sshrl.u32 s6, $0x1;
	s8 =	sshll.u32 s7, $0x4  }
0x7: {  	s7 =	sshrl.u32 s7, $0x3;
	s6 =	ssub.s32 s6, s9;
	s9 =	simm.s32 $0x80  }
0x8: {  	s5 =	sadd.s32 s8, s5;
	s4 =	sadd.s32 s4, s7;
	s6 =	smax.u32 s6, $0x1  }
0x9: {  	s7 =	simm.s32 $0x2;
	s8 =	simm.s32 $0x1;
	s5 =	sadd.s32 $0x320C00, s5  }
.LBB2_1:
0xa: {  	[tilespmem:s2], [sflag:$0x2] =	stream.linear.gather [hbm4b:s4+s2], $0x80, $0x38;
	[tilespmem:$0x4080] =	vst v63  }
0xb: {  	_ =	swait.ge [sflag:s7], $0x80  }
0xc: {  	[sflag:s7] =	ssyncset.done $0x0  }
0xd: {  	[sflag:s7] =	ssyncadd.s32 $0xFFFFFF80  }
0xe: {  	v0 =	vld [tilespmem:s2+$0x0];
	_ =	sdelay $0x4  }
0xf: {  	v0 =	vshll.u32 v0, $0x4  }
0x10: {  	(v2sf) =	vpush v0, $0x0  }
0x11: {  	(v2sf) =	vpush v0, $0x1  }
0x12: {  	(v2sf) =	vpush v0, $0x2;
	_ =	sdelay $0x1  }
0x13: {  	(v2sf) =	vpush v0, $0x3;
	_ =	sdelay $0x1  }
0x14: {  	(v2sf) =	vpush v0, $0x4;
	_ =	sdelay $0x1  }
0x15: {  	(v2sf) =	vpush v0, $0x5;
	_ =	sdelay $0x1  }
0x16: {  	(v2sf) =	vpush v0, $0x6  }
0x17: {  	s13 =	simm.s32 $0x100;
	s14 =	simm.s32 $0x200  }
0x18: {  	s15 =	simm.s32 $0x280;
	s16 =	simm.s32 $0x80;
	s17 =	simm.s32 $0x180;
	(v2sf) =	vpush v0, $0x7  }
0x19: {  	s18 =	simm.s32 $0x300;
	s12 =	simm.s32 $0x680;
	s11 =	simm.s32 $0x700  }
0x1a: {  	s19 =	simm.s32 $0x380;
	s20 =	simm.s32 $0x580;
	s21 =	simm.s32 $0x600;
	(v2sf) =	vpush v0, $0x8  }
0x1b: {  	s22 =	simm.s32 $0x480;
	s23 =	simm.s32 $0x500;
	s24 =	spop (v2sf)  }
0x1c: {  	s25 =	simm.s32 $0x400;
	(v2sf) =	vpush v0, $0x9;
	s24 =	sand.u32 $0x1FFFFFF0, s24;
	s26 =	spop (v2sf)  }
0x1d: {  	s24 =	sadd.s32 s3, s24;
	s26 =	sand.u32 $0x1FFFFFF0, s26;
	s28 =	spop (v2sf)  }
0x1e: {  	(v2sf) =	vpush v0, $0xA;
	[tilespmem:s16], [sflag:$0x1] =	stream.linear.gather [hbm4b:s24+s2], $0x80, $0x38;
	[tilespmem:$0x4080] =	vst v63  }
0x1f: {  	s26 =	sadd.s32 s3, s26;
	s28 =	sand.u32 $0x1FFFFFF0, s28;
	s29 =	spop (v2sf)  }
0x20: {  	(v2sf) =	vpush v0, $0xB;
	[tilespmem:s13], [sflag:$0x1] =	stream.linear.gather [hbm4b:s26+s2], $0x80, $0x38;
	[tilespmem:$0x4080] =	vst v63  }
0x21: {  	s30 =	sadd.s32 s3, s28;
	s31 =	sand.u32 $0x1FFFFFF0, s29;
	s0 =	spop (v2sf)  }
0x22: {  	(v2sf) =	vpush v0, $0xC;
	[tilespmem:s17], [sflag:$0x1] =	stream.linear.gather [hbm4b:s30+s2], $0x80, $0x38;
	[tilespmem:$0x4080] =	vst v63  }
0x23: {  	s16 =	sadd.s32 s3, s31;
	s24 =	spop (v2sf);
	s17 =	sand.u32 $0x1FFFFFF0, s0  }
0x24: {  	(v2sf) =	vpush v0, $0xD;
	[tilespmem:s14], [sflag:$0x1] =	stream.linear.gather [hbm4b:s16+s2], $0x80, $0x38;
	[tilespmem:$0x4080] =	vst v63  }
0x25: {  	s28 =	sand.u32 $0x1FFFFFF0, s24;
	s29 =	spop (v2sf);
	s26 =	sadd.s32 s3, s17  }
0x26: {  	(v2sf) =	vpush v0, $0xE;
	[tilespmem:s15], [sflag:$0x1] =	stream.linear.gather [hbm4b:s26+s2], $0x80, $0x38;
	[tilespmem:$0x4080] =	vst v63  }
0x27: {  	s30 =	sadd.s32 s3, s28;
	s31 =	sand.u32 $0x1FFFFFF0, s29;
	s0 =	spop (v2sf)  }
0x28: {  	(v2sf) =	vpush v0, $0xF;
	[tilespmem:s18], [sflag:$0x1] =	stream.linear.gather [hbm4b:s30+s2], $0x80, $0x38;
	[tilespmem:$0x4080] =	vst v63  }
0x29: {  	s17 =	spop (v2sf);
	s14 =	sadd.s32 s3, s31;
	s16 =	sand.u32 $0x1FFFFFF0, s0  }
0x2a: {  	[tilespmem:s19], [sflag:$0x1] =	stream.linear.gather [hbm4b:s14+s2], $0x80, $0x38;
	[tilespmem:$0x4080] =	vst v63  }
0x2b: {  	s18 =	sadd.s32 s3, s16;
	s19 =	sand.u32 $0x1FFFFFF0, s17;
	s24 =	spop (v2sf)  }
0x2c: {  	[tilespmem:s25], [sflag:$0x1] =	stream.linear.gather [hbm4b:s18+s2], $0x80, $0x38;
	[tilespmem:$0x4080] =	vst v63  }
0x2d: {  	s26 =	sadd.s32 s3, s19;
	s28 =	sand.u32 $0x1FFFFFF0, s24;
	s29 =	spop (v2sf)  }
0x2e: {  	[tilespmem:s22], [sflag:$0x1] =	stream.linear.gather [hbm4b:s26+s2], $0x80, $0x38;
	[tilespmem:$0x4080] =	vst v63  }
0x2f: {  	s30 =	sadd.s32 s3, s28;
	s31 =	sand.u32 $0x1FFFFFF0, s29;
	s0 =	spop (v2sf)  }
0x30: {  	[tilespmem:s23], [sflag:$0x1] =	stream.linear.gather [hbm4b:s30+s2], $0x80, $0x38;
	[tilespmem:$0x4080] =	vst v63  }
0x31: {  	s14 =	sadd.s32 s3, s31;
	s15 =	sand.u32 $0x1FFFFFF0, s0;
	s16 =	spop (v2sf)  }
0x32: {  	[tilespmem:s20], [sflag:$0x1] =	stream.linear.gather [hbm4b:s14+s2], $0x80, $0x38;
	[tilespmem:$0x4080] =	vst v63  }
0x33: {  	s17 =	sadd.s32 s3, s15;
	s18 =	sand.u32 $0x1FFFFFF0, s16;
	s19 =	spop (v2sf)  }
0x34: {  	[tilespmem:s21], [sflag:$0x1] =	stream.linear.gather [hbm4b:s17+s2], $0x80, $0x38;
	[tilespmem:$0x4080] =	vst v63  }
0x35: {  	s22 =	spop (v2sf);
	s20 =	sadd.s32 s3, s18;
	s21 =	sand.u32 $0x1FFFFFF0, s19  }
0x36: {  	[tilespmem:s12], [sflag:$0x1] =	stream.linear.gather [hbm4b:s20+s2], $0x80, $0x38;
	[tilespmem:$0x4080] =	vst v63  }
0x37: {  	s24 =	sand.u32 $0x1FFFFFF0, s22;
	s25 =	spop (v2sf);
	s23 =	sadd.s32 s3, s21  }
0x38: {  	[tilespmem:s11], [sflag:$0x1] =	stream.linear.gather [hbm4b:s23+s2], $0x80, $0x38;
	[tilespmem:$0x4080] =	vst v63  }
0x39: {  	s26 =	simm.s32 $0x780;
	s28 =	sadd.s32 s3, s24;
	s29 =	sand.u32 $0x1FFFFFF0, s25  }
0x3a: {  	[tilespmem:s26], [sflag:$0x1] =	stream.linear.gather [hbm4b:s28+s2], $0x80, $0x38;
	[tilespmem:$0x4080] =	vst v63  }
0x3b: {  	s30 =	simm.s32 $0x800;
	s31 =	sadd.s32 s3, s29  }
0x3c: {  	[tilespmem:s30], [sflag:$0x1] =	stream.linear.gather [hbm4b:s31+s2], $0x80, $0x38;
	[tilespmem:$0x4080] =	vst v63  }
0x3d: {  	_ =	swait.ge [sflag:s8], $0x80  }
0x3e: {  	[sflag:s8] =	ssyncset.done $0x0  }
0x3f: {  	[sflag:s8] =	ssyncadd.s32 $0xFFFFFF80  }
0x40: {  	_ =	swait.ge [sflag:s8], $0x80  }
0x41: {  	[sflag:s8] =	ssyncset.done $0x0  }
0x42: {  	[sflag:s8] =	ssyncadd.s32 $0xFFFFFF80  }
0x43: {  	_ =	swait.ge [sflag:s8], $0x80  }
0x44: {  	[sflag:s8] =	ssyncset.done $0x0  }
0x45: {  	[sflag:s8] =	ssyncadd.s32 $0xFFFFFF80  }
0x46: {  	_ =	swait.ge [sflag:s8], $0x80  }
0x47: {  	[sflag:s8] =	ssyncset.done $0x0  }
0x48: {  	[sflag:s8] =	ssyncadd.s32 $0xFFFFFF80  }
0x49: {  	_ =	swait.ge [sflag:s8], $0x80  }
0x4a: {  	[sflag:s8] =	ssyncset.done $0x0  }
0x4b: {  	[sflag:s8] =	ssyncadd.s32 $0xFFFFFF80  }
0x4c: {  	_ =	swait.ge [sflag:s8], $0x80  }
0x4d: {  	[sflag:s8] =	ssyncset.done $0x0  }
0x4e: {  	[sflag:s8] =	ssyncadd.s32 $0xFFFFFF80  }
0x4f: {  	_ =	swait.ge [sflag:s8], $0x80  }
0x50: {  	[sflag:s8] =	ssyncset.done $0x0  }
0x51: {  	[sflag:s8] =	ssyncadd.s32 $0xFFFFFF80  }
0x52: {  	_ =	swait.ge [sflag:s8], $0x80  }
0x53: {  	[sflag:s8] =	ssyncset.done $0x0  }
0x54: {  	[sflag:s8] =	ssyncadd.s32 $0xFFFFFF80  }
0x55: {  	_ =	swait.ge [sflag:s8], $0x80  }
0x56: {  	[sflag:s8] =	ssyncset.done $0x0  }
0x57: {  	[sflag:s8] =	ssyncadd.s32 $0xFFFFFF80  }
0x58: {  	_ =	swait.ge [sflag:s8], $0x80  }
0x59: {  	[sflag:s8] =	ssyncset.done $0x0  }
0x5a: {  	[sflag:s8] =	ssyncadd.s32 $0xFFFFFF80  }
0x5b: {  	_ =	swait.ge [sflag:s8], $0x80  }
0x5c: {  	[sflag:s8] =	ssyncset.done $0x0  }
0x5d: {  	[sflag:s8] =	ssyncadd.s32 $0xFFFFFF80  }
0x5e: {  	_ =	swait.ge [sflag:s8], $0x80  }
0x5f: {  	[sflag:s8] =	ssyncset.done $0x0  }
0x60: {  	[sflag:s8] =	ssyncadd.s32 $0xFFFFFF80  }
0x61: {  	_ =	swait.ge [sflag:s8], $0x80  }
0x62: {  	[sflag:s8] =	ssyncset.done $0x0  }
0x63: {  	[sflag:s8] =	ssyncadd.s32 $0xFFFFFF80  }
0x64: {  	s12 =	simm.s32 $0x0;
	s11 =	simm.s32 $0x2000;
	_ =	swait.ge [sflag:s8], $0x80  }
.LBB2_2:
0x65: {  	p0 =	sne.s32 s11, $0xE000;
	[sflag:s8] =	ssyncset.done $0x0;
	s12 =	sadd.s32 $0x10, s12  }
0x66: {  	s13 =	smov.u32 s11;
	s11 =	sadd.s32 $0x2000, s11;
	[sflag:s8] =	ssyncadd.s32 $0xFFFFFF80  }
0x67: {  	_ =	swait.ge [sflag:s8], $0x80  }
0x68: {  	[sflag:s8] =	ssyncset.done $0x0  }
0x69: {  	[sflag:s8] =	ssyncadd.s32 $0xFFFFFF80  }
0x6a: {  	_ =	swait.ge [sflag:s8], $0x80  }
0x6b: {  	[sflag:s8] =	ssyncset.done $0x0  }
0x6c: {  	[sflag:s8] =	ssyncadd.s32 $0xFFFFFF80  }
0x6d: {  	v0 =	vld [tilespmem:s12+$0x0];
	_ =	sdelay $0x4  }
0x6e: {  	v0 =	vshll.u32 v0, $0x4  }
0x6f: {  	(v2sf) =	vpush v0, $0x0  }
0x70: {  	(v2sf) =	vpush v0, $0x1  }
0x71: {  	(v2sf) =	vpush v0, $0x2;
	_ =	sdelay $0x1  }
0x72: {  	(v2sf) =	vpush v0, $0x3;
	_ =	sdelay $0x1  }
0x73: {  	(v2sf) =	vpush v0, $0x4;
	_ =	sdelay $0x1  }
0x74: {  	(v2sf) =	vpush v0, $0x5  }
0x75: {  	s13 =	sshra.s32 s13, $0x2  }
0x76: {  	s21 =	sadd.s32 $0x100, s13;
	s22 =	sadd.s32 $0x200, s13;
	s23 =	sadd.s32 $0x280, s13;
	(v2sf) =	vpush v0, $0x6  }
0x77: {  	s24 =	sadd.s32 $0x80, s13;
	s25 =	sadd.s32 $0x180, s13  }
0x78: {  	s26 =	sadd.s32 $0x300, s13;
	(v2sf) =	vpush v0, $0x7  }
0x79: {  	s16 =	sadd.s32 $0x680, s13;
	s15 =	sadd.s32 $0x700, s13;
	s14 =	sadd.s32 $0x800, s13  }
0x7a: {  	s28 =	sadd.s32 $0x380, s13;
	s18 =	sadd.s32 $0x580, s13;
	s17 =	sadd.s32 $0x600, s13;
	(v2sf) =	vpush v0, $0x8  }
0x7b: {  	s20 =	sadd.s32 $0x480, s13;
	s19 =	sadd.s32 $0x500, s13;
	s29 =	spop (v2sf)  }
0x7c: {  	s30 =	sadd.s32 $0x400, s13;
	s29 =	sand.u32 $0x1FFFFFF0, s29;
	s31 =	spop (v2sf);
	(v2sf) =	vpush v0, $0x9  }
0x7d: {  	s29 =	sadd.s32 s3, s29;
	s31 =	sand.u32 $0x1FFFFFF0, s31;
	s0 =	spop (v2sf)  }
0x7e: {  	[tilespmem:s24], [sflag:$0x1] =	stream.linear.gather [hbm4b:s29+s2], $0x80, $0x38;
	(v2sf) =	vpush v0, $0xA;
	[tilespmem:$0x4080] =	vst v63  }
0x7f: {  	s24 =	sadd.s32 s3, s31;
	s0 =	sand.u32 $0x1FFFFFF0, s0;
	s29 =	spop (v2sf)  }
0x80: {  	[tilespmem:s21], [sflag:$0x1] =	stream.linear.gather [hbm4b:s24+s2], $0x80, $0x38;
	(v2sf) =	vpush v0, $0xB;
	[tilespmem:$0x4080] =	vst v63  }
0x81: {  	s0 =	sadd.s32 s3, s0;
	s21 =	sand.u32 $0x1FFFFFF0, s29;
	s24 =	spop (v2sf)  }
0x82: {  	[tilespmem:s25], [sflag:$0x1] =	stream.linear.gather [hbm4b:s0+s2], $0x80, $0x38;
	(v2sf) =	vpush v0, $0xC;
	[tilespmem:$0x4080] =	vst v63  }
0x83: {  	s0 =	sadd.s32 s3, s21;
	s21 =	sand.u32 $0x1FFFFFF0, s24;
	s24 =	spop (v2sf)  }
0x84: {  	[tilespmem:s22], [sflag:$0x1] =	stream.linear.gather [hbm4b:s0+s2], $0x80, $0x38;
	(v2sf) =	vpush v0, $0xD;
	[tilespmem:$0x4080] =	vst v63  }
0x85: {  	s0 =	sadd.s32 s3, s21;
	s21 =	sand.u32 $0x1FFFFFF0, s24;
	s22 =	spop (v2sf)  }
0x86: {  	[tilespmem:s23], [sflag:$0x1] =	stream.linear.gather [hbm4b:s0+s2], $0x80, $0x38;
	(v2sf) =	vpush v0, $0xE;
	[tilespmem:$0x4080] =	vst v63  }
0x87: {  	s0 =	sadd.s32 s3, s21;
	s21 =	sand.u32 $0x1FFFFFF0, s22;
	s22 =	spop (v2sf)  }
0x88: {  	[tilespmem:s26], [sflag:$0x1] =	stream.linear.gather [hbm4b:s0+s2], $0x80, $0x38;
	(v2sf) =	vpush v0, $0xF;
	[tilespmem:$0x4080] =	vst v63  }
0x89: {  	s0 =	sadd.s32 s3, s21;
	s21 =	sand.u32 $0x1FFFFFF0, s22;
	s22 =	spop (v2sf)  }
0x8a: {  	[tilespmem:s28], [sflag:$0x1] =	stream.linear.gather [hbm4b:s0+s2], $0x80, $0x38;
	[tilespmem:$0x4080] =	vst v63  }
0x8b: {  	s0 =	sadd.s32 s3, s21;
	s21 =	sand.u32 $0x1FFFFFF0, s22;
	s22 =	spop (v2sf)  }
0x8c: {  	[tilespmem:s30], [sflag:$0x1] =	stream.linear.gather [hbm4b:s0+s2], $0x80, $0x38;
	[tilespmem:$0x4080] =	vst v63  }
0x8d: {  	s0 =	sadd.s32 s3, s21;
	s21 =	sand.u32 $0x1FFFFFF0, s22;
	s22 =	spop (v2sf)  }
0x8e: {  	[tilespmem:s20], [sflag:$0x1] =	stream.linear.gather [hbm4b:s0+s2], $0x80, $0x38;
	[tilespmem:$0x4080] =	vst v63  }
0x8f: {  	s0 =	sadd.s32 s3, s21;
	s20 =	sand.u32 $0x1FFFFFF0, s22;
	s21 =	spop (v2sf)  }
0x90: {  	[tilespmem:s19], [sflag:$0x1] =	stream.linear.gather [hbm4b:s0+s2], $0x80, $0x38;
	[tilespmem:$0x4080] =	vst v63  }
0x91: {  	s0 =	sadd.s32 s3, s20;
	s19 =	sand.u32 $0x1FFFFFF0, s21;
	s20 =	spop (v2sf)  }
0x92: {  	[tilespmem:s18], [sflag:$0x1] =	stream.linear.gather [hbm4b:s0+s2], $0x80, $0x38;
	[tilespmem:$0x4080] =	vst v63  }
0x93: {  	s0 =	sadd.s32 s3, s19;
	s18 =	sand.u32 $0x1FFFFFF0, s20;
	s19 =	spop (v2sf)  }
0x94: {  	[tilespmem:s17], [sflag:$0x1] =	stream.linear.gather [hbm4b:s0+s2], $0x80, $0x38;
	[tilespmem:$0x4080] =	vst v63  }
0x95: {  	s0 =	sadd.s32 s3, s18;
	s17 =	sand.u32 $0x1FFFFFF0, s19;
	s18 =	spop (v2sf)  }
0x96: {  	[tilespmem:s16], [sflag:$0x1] =	stream.linear.gather [hbm4b:s0+s2], $0x80, $0x38;
	[tilespmem:$0x4080] =	vst v63  }
0x97: {  	s0 =	sadd.s32 s3, s17;
	s16 =	sand.u32 $0x1FFFFFF0, s18;
	s17 =	spop (v2sf)  }
0x98: {  	[tilespmem:s15], [sflag:$0x1] =	stream.linear.gather [hbm4b:s0+s2], $0x80, $0x38;
	[tilespmem:$0x4080] =	vst v63  }
0x99: {  	s0 =	sadd.s32 $0x780, s13;
	s13 =	sadd.s32 s3, s16;
	s15 =	sand.u32 $0x1FFFFFF0, s17  }
0x9a: {  	[tilespmem:s0], [sflag:$0x1] =	stream.linear.gather [hbm4b:s13+s2], $0x80, $0x38;
	[tilespmem:$0x4080] =	vst v63  }
0x9b: {  	s0 =	sadd.s32 s3, s15  }
0x9c: {  	[tilespmem:s14], [sflag:$0x1] =	stream.linear.gather [hbm4b:s0+s2], $0x80, $0x38;
	[tilespmem:$0x4080] =	vst v63  }
0x9d: {  	_ =	swait.ge [sflag:s8], $0x80  }
0x9e: {  	[sflag:s8] =	ssyncset.done $0x0  }
0x9f: {  	[sflag:s8] =	ssyncadd.s32 $0xFFFFFF80  }
0xa0: {  	_ =	swait.ge [sflag:s8], $0x80  }
0xa1: {  	[sflag:s8] =	ssyncset.done $0x0  }
0xa2: {  	[sflag:s8] =	ssyncadd.s32 $0xFFFFFF80  }
0xa3: {  	_ =	swait.ge [sflag:s8], $0x80  }
0xa4: {  	[sflag:s8] =	ssyncset.done $0x0  }
0xa5: {  	[sflag:s8] =	ssyncadd.s32 $0xFFFFFF80  }
0xa6: {  	_ =	swait.ge [sflag:s8], $0x80  }
0xa7: {  	[sflag:s8] =	ssyncset.done $0x0  }
0xa8: {  	[sflag:s8] =	ssyncadd.s32 $0xFFFFFF80  }
0xa9: {  	_ =	swait.ge [sflag:s8], $0x80  }
0xaa: {  	[sflag:s8] =	ssyncset.done $0x0  }
0xab: {  	[sflag:s8] =	ssyncadd.s32 $0xFFFFFF80  }
0xac: {  	_ =	swait.ge [sflag:s8], $0x80  }
0xad: {  	[sflag:s8] =	ssyncset.done $0x0  }
0xae: {  	[sflag:s8] =	ssyncadd.s32 $0xFFFFFF80  }
0xaf: {  	_ =	swait.ge [sflag:s8], $0x80  }
0xb0: {  	[sflag:s8] =	ssyncset.done $0x0  }
0xb1: {  	[sflag:s8] =	ssyncadd.s32 $0xFFFFFF80  }
0xb2: {  	_ =	swait.ge [sflag:s8], $0x80  }
0xb3: {  	[sflag:s8] =	ssyncset.done $0x0  }
0xb4: {  	[sflag:s8] =	ssyncadd.s32 $0xFFFFFF80  }
0xb5: {  	_ =	swait.ge [sflag:s8], $0x80  }
0xb6: {  	[sflag:s8] =	ssyncset.done $0x0  }
0xb7: {  	[sflag:s8] =	ssyncadd.s32 $0xFFFFFF80  }
0xb8: {  	_ =	swait.ge [sflag:s8], $0x80  }
0xb9: {  	[sflag:s8] =	ssyncset.done $0x0  }
0xba: {  	[sflag:s8] =	ssyncadd.s32 $0xFFFFFF80  }
0xbb: {  	_ =	swait.ge [sflag:s8], $0x80  }
0xbc: {  	[sflag:s8] =	ssyncset.done $0x0  }
0xbd: {  	[sflag:s8] =	ssyncadd.s32 $0xFFFFFF80  }
0xbe: {  	_ =	swait.ge [sflag:s8], $0x80  }
0xbf: {  	[sflag:s8] =	ssyncset.done $0x0  }
.Ltmp0:
0xc0: {  	[sflag:s8] =	ssyncadd.s32 $0xFFFFFF80;
	(pc) =	sbr.rel @p0 .LBB2_2-.Ltmp0, $4  }
0xc1: {  	_ =	swait.ge [sflag:s8], $0x80  }
0xc2: {  	[sflag:s8] =	ssyncset.done $0x0  }
0xc3: {  	[sflag:s8] =	ssyncadd.s32 $0xFFFFFF80  }
0xc4: {  	_ =	swait.ge [sflag:s8], $0x80  }
0xc5: {  	[sflag:s8] =	ssyncset.done $0x0  }
0xc6: {  	[sflag:s8] =	ssyncadd.s32 $0xFFFFFF80  }
0xc7: {  	_ =	swait.ge [sflag:s8], $0x80  }
0xc8: {  	[sflag:s8] =	ssyncset.done $0x0  }
0xc9: {  	[sflag:s8] =	ssyncadd.s32 $0xFFFFFF80  }
0xca: {  	s10 =	sadd.s32 $0x1, s10;
	_ =	swait.ge [sflag:s8], $0x80  }
0xcb: {  	p0 =	sne.s32 s10, s6;
	[sflag:s8] =	ssyncset.done $0x0  }
.Ltmp1:
0xcc: {  	[sflag:s8] =	ssyncadd.s32 $0xFFFFFF80;
	(pc) =	sbr.rel @p0 .LBB2_1-.Ltmp1, $4  }
0xcd: {  	[hbm4b:s5+s2] =	stream.linear.scatter [tilespmem:s9], [sflag:$0x2], $0x4000, $0x38;
	[tilespmem:$0x4080] =	vst v63  }
0xce: {  	_ =	swait.ge [sflag:s7], $0x4000  }
0xcf: {  	[sflag:s7] =	ssyncset.done $0x0  }
0xd0: {  	[sflag:s7] =	ssyncadd.s32 $0xFFFFC000  }
0xd1: {  	_ =	sfence.sel $0x180000  }
0xd2: {  	[bflag:$0x0] =	sbarrier.arrive $0xFFFF  }
0xd3: {  	_ =	strace $0x9000004A  }
0xd4: {  	[bflag:$0x2] =	sbarrier.arrive $0xFFFF  }
0xd5: {  	p0 =	sne.s32 s1, $0x0;
	s0 =	rddreg [dreg:$0x2]  }
0xd6: {  	s0 =	sadd.s32 @!p0 $0x100000, s0  }
0xd7: {  	[sflag:s0] =	ssyncadd.tile.s32 @!p0 $0x1;
	_ =	shalt  }
.Lfunc_end2:
_tile_overlayer_lowered:
.L_overlay_start_2:
0xd8: {  	(tag) =	ssettag $0x2  }
0xd9: {  	s0 =	rddreg [dreg:$0x0];
	s2 =	stileid.u32  }
0xda: {  	s1 =	rddreg [dreg:$0x1];
	p0 =	sne.s32 s2, $0x0  }
0xdb: {  	s3 =	rddreg [dreg:$0x2];
	[bflag:$0x3] =	sbarrier.arrive $0xFFFF;
	s2 =	simm.s32 @!p0 $0x1C02  }
0xdc: {  	[timem:s3], [sflag:s2] =	dma.local @!p0 [hbm:s0], s1  }
0xdd: {  	s0 =	simm.s32 @!p0 $0x2  }
0xde: {  	_ =	swait.ge @!p0 [sflag:s0], s1  }
0xdf: {  	s1 =	ssub.s32 @!p0 $0x0, s1;
	[sflag:s0] =	ssyncset.done @!p0 $0x0  }
0xe0: {  	[sflag:s0] =	ssyncadd.s32 @!p0 s1  }
0xe1: {  	[bflag:$0x3] =	sbarrier.arrive $0xFFFF  }
0xe2: {  	_ =	shalt  }

// kernel: kernel.9.cloned.1.call-start
scs
__scs_entry_jumppad:
0x0: {  	(pc) =	sbr.rel $0x88, $3  }
0x1: {  	(tag) =	ssettag $0x0;
	lr =	simm.s32 $0x1  }
0x2: {  	[smem:$0x3F95] =	sst lr;
	_ =	strace $0xD0000000  }
0x3: {  	_ = 	snop  }
0x4: {  	_ = 	snop  }
0x5: {  	_ = 	snop  }
0x6: {  	_ = 	snop  }
0x7: {  	_ = 	snop  }
__scs_overlays_trampoline_lowered:
0x8: {  	[smem:$0x3FA4] =	sst s0  }
0x9: {  	[smem:$0x3FA5] =	sst s1  }
0xa: {  	[smem:$0x3FA6] =	sst s2  }
0xb: {  	[smem:$0x3FA7] =	sst s3  }
0xc: {  	[smem:$0x3FA8] =	sst s4  }
0xd: {  	[smem:$0x3FA9] =	sst s5  }
0xe: {  	[smem:$0x3FAA] =	sst s6  }
0xf: {  	[smem:$0x3FAB] =	sst s7  }
0x10: {  	[smem:$0x3FAC] =	sst s8  }
0x11: {  	[smem:$0x3FAD] =	sst s9;
	s0 =	simm.s32 @!p0 $0x0  }
0x12: {  	s1 =	sld [smem:$0x3F93];
	s0 =	simm.s32 @p0 $0x1  }
0x13: {  	[smem:$0x3FAE] =	sst s0;
	s0 =	simm.s32 @!p1 $0x0  }
0x14: {  	s2 =	sld [smem:$0x3F92];
	s0 =	simm.s32 @p1 $0x1  }
0x15: {  	[smem:$0x3FAF] =	sst s0;
	s0 =	simm.s32 @!p2 $0x0  }
0x16: {  	s3 =	sld [smem:$0x3FDB];
	s0 =	simm.s32 @p2 $0x1  }
0x17: {  	s4 =	simm.s32 $0x1BF5;
	[smem:$0x3FB1] =	sst s0  }
0x18: {  	s0 =	sld [smem:$0x3F94];
	_ =	swait.ge [sflag:s4], $0x0  }
0x19: {  	s7 =	sld [smem:$0x3F95]  }
0x1a: {  	s8 =	sadd.s32 $0xFFFFE003, lr  }
0x1b: {  	s9 =	sadd.s32 $0xFFFFFEF7, lr;
	s5 =	simm.s32 $0xFFFFFFFF;
	p2 =	slt.u32 s8, $0xFFFFF086  }
0x1c: {  	p1 =	slt.u32 s9, $0xF7A;
	s5 =	simm.s32 @!p2 $0x0  }
0x1d: {  	s5 =	simm.s32 @p1 $0x1;
	p0 =	seq.s32 s7, s2  }
0x1e: {  	s7 =	smul.u32 @!p0 $0xF7A, s2;
	p2 =	seq.s32 @!p0 s5, $0x0  }
0x1f: {  	s9 =	smul.u32 $0xF7A, s1;
	s8 =	simm.s32 @!p0 $0x1BF5;
	p2 =	por !p2, p0  }
0x20: {  	[sflag:s8] =	ssyncset.s32 @!p0 $0xFFFFF086;
	s6 =	sadd.s32 @!p0 s3, s7;
	s7 =	simm.s32 @!p0 $0x108  }
0x21: {  	s3 =	sadd.s32 s3, s9;
	s6 =	sadd.s32 @!p0 $0x88, s6;
	s7 =	simm.s32 @p2 $0x1082  }
0x22: {  	[simem:s7], [sflag:s8] =	dma.local @!p0 [hbm:s6], $0xF7A  }
0x23: {  	s9 =	sor.u32 $0xD0000000, s2;
	s6 =	simm.s32 $0x108;
	_ =	swait.ge @!p0 [sflag:s8], $0x0  }
0x24: {  	s3 =	sadd.s32 $0x88, s3;
	s6 =	simm.s32 @!p1 $0x1082;
	[sflag:s4] =	ssyncset.s32 $0xFFFFF086  }
0x25: {  	[simem:s6], [sflag:s4] =	dma.local [hbm:s3], $0xF7A  }
0x26: {  	[smem:$0x3F95] =	sst s1;
	(tag) =	ssettag s2;
	_ =	strace s9  }
0x27: {  	s1 =	sld [smem:$0x3FA5]  }
0x28: {  	s2 =	sld [smem:$0x3FA6]  }
0x29: {  	s4 =	sld [smem:$0x3FA8]  }
0x2a: {  	p0 =	seq.s32 s5, $0x0;
	s5 =	sld [smem:$0x3FA9]  }
0x2b: {  	s6 =	sld [smem:$0x3FAA]  }
0x2c: {  	s7 =	sld [smem:$0x3FAB]  }
0x2d: {  	s3 =	simm.s32 $0x108;
	s8 =	sld [smem:$0x3FAC]  }
0x2e: {  	s3 =	simm.s32 @!p0 $0x1082;
	s9 =	sld [smem:$0x3FAD]  }
0x2f: {  	lr =	sadd.s32 s0, s3;
	s0 =	sld [smem:$0x3FA4]  }
0x30: {  	s3 =	sld [smem:$0x3FA7]  }
0x31: {  	[smem:$0x3FB0] =	sst s10  }
0x32: {  	s10 =	sld [smem:$0x3FAE];
	_ =	sdelay $0x3  }
0x33: {  	p0 =	seq.s32 s10, $0x1;
	s10 =	sld [smem:$0x3FB0];
	_ =	sdelay $0x3  }
0x34: {  	[smem:$0x3FB0] =	sst s10  }
0x35: {  	s10 =	sld [smem:$0x3FAF];
	_ =	sdelay $0x3  }
0x36: {  	p1 =	seq.s32 s10, $0x1;
	s10 =	sld [smem:$0x3FB0];
	_ =	sdelay $0x3  }
0x37: {  	[smem:$0x3FB0] =	sst s10  }
0x38: {  	s10 =	sld [smem:$0x3FB1]  }
0x39: {  	_ = 	snop;
	(pc) =	sbr.ind lr, $3  }
0x3a: {  	_ = 	snop  }
0x3b: {  	_ = 	snop  }
0x3c: {  	p2 =	seq.s32 s10, $0x1;
	s10 =	sld [smem:$0x3FB0]  }
0x3d: {  	_ =	shalt  }
0x3e: {  	_ =	shalt  }
0x3f: {  	_ =	shalt  }
0x40: {  	_ =	shalt  }
0x41: {  	_ =	shalt  }
0x42: {  	_ =	shalt  }
0x43: {  	_ =	shalt  }
0x44: {  	_ =	shalt  }
0x45: {  	_ =	shalt  }
0x46: {  	_ =	shalt  }
0x47: {  	_ =	shalt  }
0x48: {  	_ =	shalt  }
0x49: {  	_ =	shalt  }
0x4a: {  	_ =	shalt  }
0x4b: {  	_ =	shalt  }
0x4c: {  	_ =	shalt  }
0x4d: {  	_ =	shalt  }
0x4e: {  	_ =	shalt  }
0x4f: {  	_ =	shalt  }
0x50: {  	_ =	shalt  }
0x51: {  	_ =	shalt  }
0x52: {  	_ =	shalt  }
0x53: {  	_ =	shalt  }
0x54: {  	_ =	shalt  }
0x55: {  	_ =	shalt  }
0x56: {  	_ =	shalt  }
0x57: {  	_ =	shalt  }
0x58: {  	_ =	shalt  }
0x59: {  	_ =	shalt  }
0x5a: {  	_ =	shalt  }
0x5b: {  	_ =	shalt  }
0x5c: {  	_ =	shalt  }
0x5d: {  	_ =	shalt  }
0x5e: {  	_ =	shalt  }
0x5f: {  	_ =	shalt  }
0x60: {  	_ =	shalt  }
0x61: {  	_ =	shalt  }
0x62: {  	_ =	shalt  }
0x63: {  	_ =	shalt  }
0x64: {  	_ =	shalt  }
0x65: {  	_ =	shalt  }
0x66: {  	_ =	shalt  }
0x67: {  	_ =	shalt  }
0x68: {  	_ =	shalt  }
0x69: {  	_ =	shalt  }
0x6a: {  	_ =	shalt  }
0x6b: {  	_ =	shalt  }
0x6c: {  	_ =	shalt  }
0x6d: {  	_ =	shalt  }
0x6e: {  	_ =	shalt  }
0x6f: {  	_ =	shalt  }
0x70: {  	_ =	shalt  }
0x71: {  	_ =	shalt  }
0x72: {  	_ =	shalt  }
0x73: {  	_ =	shalt  }
0x74: {  	_ =	shalt  }
0x75: {  	_ =	shalt  }
0x76: {  	_ =	shalt  }
0x77: {  	_ =	shalt  }
0x78: {  	_ =	shalt  }
0x79: {  	_ =	shalt  }
0x7a: {  	_ =	shalt  }
0x7b: {  	_ =	shalt  }
0x7c: {  	_ =	shalt  }
0x7d: {  	_ =	shalt  }
0x7e: {  	_ =	shalt  }
0x7f: {  	_ =	shalt  }
0x80: {  	_ =	shalt  }
0x81: {  	_ =	shalt  }
0x82: {  	_ =	shalt  }
0x83: {  	_ =	shalt  }
0x84: {  	_ =	shalt  }
0x85: {  	_ =	shalt  }
0x86: {  	_ =	shalt  }
0x87: {  	_ =	shalt  }
.Lfunc_end0:
.L_simem_size_0:
called_computation.1_lowered:
.L_overlay_start_0:
0x88: {  	s2 =	sld [smem:$0x3FD9]  }
0x89: {  	s3 =	sld [smem:$0x3FFE];
	_ =	sdelay $0x1  }
0x8a: {  	s1 =	srdreg.scid  }
0x8b: {  	s0 =	sand.u32 $0x1, s1  }
0x8c: {  	s17 =	sshll.u32 s0, $0xA;
	s2 =	sadd.s32 s3, s2  }
0x8d: {  	s2 =	sadd.s32 s2, s17  }
0x8e: {  	[smem:$0x3FBC] =	sst s2  }
0x8f: {  	_ = 	snop  }
0x90: {  	s18 =	sld [smem:$0x3FC8];
	(tm) =	ssettm $0x1  }
0x91: {  	s19 =	sld [smem:$0x3FFB];
	_ =	sdelay $0x3  }
0x92: {  	_ =	strace s19  }
0x93: {  	s2 =	sld [smem:$0x3FFC];
	_ =	sdelay $0x3  }
0x94: {  	_ =	strace s2  }
0x95: {  	s2 =	sld [smem:$0x3FFD];
	_ =	sdelay $0x3  }
0x96: {  	_ =	strace s2  }
0x97: {  	_ =	strace $0x8FFFFFFF  }
0x98: {  	s20 =	sld [smem:$0x3FDB];
	_ =	sdelay $0x1  }
0x99: {  	s4 =	simm.s32 $_scs_section_size  }
0x9a: {  	s5 =	simm.s32 $_size__tile_overlayer_lowered;
	s6 =	simm.s32 $_tile_overlayer_lowered  }
0x9b: {  	s7 =	simm.s32 $0x1BFF;
	s21 =	sshll.u32 s6, $0x1;
	s4 =	sadd.s32 s4, s20  }
0x9c: {  	s22 =	simm.s32 $0x0;
	s5 =	sshll.u32 s5, $0x1;
	s6 =	sadd.s32 s21, s4  }
0x9d: {  	[timem:s22], [sflag:s7] =	dma.local [hbm:s6], s5  }
0x9e: {  	_ =	swait.ge [sflag:s7], s5  }
0x9f: {  	s5 =	ssub.s32 $0x0, s5;
	[sflag:s7] =	ssyncset.done $0x0  }
0xa0: {  	[sflag:s7] =	ssyncadd.s32 s5;
	_ =	sdelay $0x1  }
0xa1: {  	s23 =	simm.s32 $0x1B8B  }
0xa2: {  	_ =	swait.ge [sflag:s23], $0x1  }
0xa3: {  	[sflag:s23] =	ssyncset.done $0x0  }
0xa4: {  	[sflag:s23] =	ssyncadd.s32 $0xFFFFFFFF  }
0xa5: {  	s5 =	sld [smem:$0x0]  }
0xa6: {  	s6 =	sand.u32 $0xFFFFFFFE, s1  }
0xa7: {  	p0 =	sne.s32 s1, s6  }
0xa8: {  	s6 =	sshll.u32 @p0 s6, $0xE  }
0xa9: {  	s6 =	sadd.s32 @p0 $0x11B8D, s6;
	s7 =	sshll.u32 @p0 s5, $0x11  }
0xaa: {  	s6 =	sor.u32 @p0 s7, s6  }
0xab: {  	[sflag:s6] =	ssyncadd.remote.s32 @p0 $0x1;
	_ =	sdelay $0x1  }
0xac: {  	s6 =	simm.s32 @p0 $0x1B8D  }
0xad: {  	_ =	swait.eq @p0 [sflag:s6], $0x1  }
0xae: {  	[sflag:s6] =	ssyncadd.s32 @p0 $0xFFFFFFFF  }
0xaf: {  	s7 =	sshll.u32 @!p0 s1, $0xE  }
0xb0: {  	s7 =	sor.u32 @!p0 $0x4000, s7;
	s6 =	simm.s32 @!p0 $0x1B8D  }
0xb1: {  	s5 =	sshll.u32 @!p0 s5, $0x11;
	s7 =	sadd.s32 @!p0 $0x11B8D, s7;
	_ =	swait.eq @!p0 [sflag:s6], $0x1  }
0xb2: {  	s5 =	sor.u32 @!p0 s5, s7;
	[sflag:s6] =	ssyncadd.s32 @!p0 $0xFFFFFFFF  }
0xb3: {  	s25 =	simm.s32 $0x1B8E;
	s24 =	sld [smem:$0x3FFE];
	[sflag:s5] =	ssyncadd.remote.s32 @!p0 $0x1  }
0xb4: {  	s26 =	simm.s32 $execute0_lowered;
	[smem:$0x3FD2] =	sst s25  }
0xb5: {  	s6 =	sshll.u32 s26, $0x1;
	_ =	strace $0x8000004C;
	[dreg:$0x1] =	wrdreg $0xFFFFFFFF  }
0xb6: {  	s28 =	simm.s32 $_size_execute0_lowered;
	s4 =	sadd.s32 s4, s6;
	[dreg:$0x0] =	wrdreg $0x0  }
0xb7: {  	s6 =	sshll.u32 s28, $0x1;
	[dreg:$0x2] =	wrdreg s4  }
0xb8: {  	[dreg:$0x3] =	wrdreg s6  }
0xb9: {  	[dreg:$0x4] =	wrdreg $0xC0  }
0xba: {  	_ =	task [dreg:s22], $0x5FFFF  }
0xbb: {  	[dreg:$0x1] =	wrdreg $0xFFFFFFFF  }
0xbc: {  	[dreg:$0x0] =	wrdreg $0x60  }
0xbd: {  	[dreg:$0x2] =	wrdreg s18  }
0xbe: {  	[dreg:$0x3] =	wrdreg s24  }
0xbf: {  	[dreg:$0x4] =	wrdreg $0xA  }
0xc0: {  	_ =	task.clear_ibuf [dreg:s22], $0x5FFFF;
	_ =	strace $0x9000004C  }
0xc1: {  	s29 =	simm.s32 $0xA;
	_ =	strace $0x8000004E  }
0xc2: {  	_ =	swait.ge [sflag:s29], $0x1  }
0xc3: {  	[sflag:s29] =	ssyncadd.s32 $0xFFFFFFFF  }
0xc4: {  	_ =	strace $0x9000004E  }
0xc5: {  	_ =	sfence  }
0xc6: {  	s30 =	sld [smem:$0x0];
	_ =	sdelay $0x2  }
0xc7: {  	s31 =	sshll.u32 s1, $0xD;
	s1 =	sshrl.u32 s1, $0x2  }
0xc8: {  	s4 =	sand.u32 $0x4000, s31;
	s1 =	sadd.s32 s1, s30  }
0xc9: {  	s0 =	sor.u32 s4, s0;
	s1 =	sshll.u32 s1, $0x11  }
0xca: {  	s0 =	sor.u32 s1, s0  }
0xcb: {  	s0 =	sadd.s32 $0x8F2B, s0  }
0xcc: {  	[sflag:s0] =	ssyncadd.remote.s32 $0x1  }
0xcd: {  	_ =	sfence.sel $0xFFFF  }
0xce: {  	[dreg:$0x0] =	wrdreg $0xFFFFFFFF;
	(pc) =	sbr.abs _section_cstart, $3  }
0xcf: {  	[dreg:$0x1] =	wrdreg $0xFFFFFFFF  }
0xd0: {  	_ =	task.clear_ibuf [dreg:s22], $0x2FFFF;
	_ =	strace $0x9FFFFFFF  }
0xd1: {  	(tm) =	ssettm $0x7FFFFFFF  }
tec
execute0_lowered:
.L_overlay_start_1:
0x0: {  	(tag) =	ssettag $0x1  }
0x1: {  	s4 =	rddreg [dreg:$0x0]  }
0x2: {  	s5 =	rddreg [dreg:$0x1];
	s2 =	simm.s32 $0x0;
	s3 =	srdreg.scid  }
0x3: {  	s1 =	stileid.u32;
	s10 =	simm.s32 $0x0;
	s6 =	sand.u32 $0x1, s3  }
0x4: {  	[smem:$0x7FF] =	sst s2;
	s7 =	sshll.u32 s1, $0x8;
	s8 =	sshll.u32 s6, $0x7  }
0x5: {  	s3 =	sadd.s32 $0x330C00, s5;
	s6 =	ssub.s32 $0x2, s6;
	s7 =	sor.u32 s8, s7  }
0x6: {  	_ =	strace $0x8000004D;
	s9 =	sshrl.u32 s6, $0x1;
	s8 =	sshll.u32 s7, $0x4  }
0x7: {  	s7 =	sshrl.u32 s7, $0x3;
	s6 =	ssub.s32 s6, s9;
	s9 =	simm.s32 $0x80  }
0x8: {  	s5 =	sadd.s32 s8, s5;
	s4 =	sadd.s32 s4, s7;
	s6 =	smax.u32 s6, $0x1  }
0x9: {  	s7 =	simm.s32 $0x2;
	s8 =	simm.s32 $0x1;
	s5 =	sadd.s32 $0x4B7600, s5  }
.LBB2_1:
0xa: {  	[tilespmem:s2], [sflag:$0x2] =	stream.linear.gather [hbm4b:s4+s2], $0x80, $0x38;
	[tilespmem:$0x4080] =	vst v63  }
0xb: {  	_ =	swait.ge [sflag:s7], $0x80  }
0xc: {  	[sflag:s7] =	ssyncset.done $0x0  }
0xd: {  	[sflag:s7] =	ssyncadd.s32 $0xFFFFFF80  }
0xe: {  	v0 =	vld [tilespmem:s2+$0x0];
	_ =	sdelay $0x4  }
0xf: {  	v0 =	vshll.u32 v0, $0x4  }
0x10: {  	(v2sf) =	vpush v0, $0x0  }
0x11: {  	(v2sf) =	vpush v0, $0x1  }
0x12: {  	(v2sf) =	vpush v0, $0x2;
	_ =	sdelay $0x1  }
0x13: {  	(v2sf) =	vpush v0, $0x3;
	_ =	sdelay $0x1  }
0x14: {  	(v2sf) =	vpush v0, $0x4;
	_ =	sdelay $0x1  }
0x15: {  	(v2sf) =	vpush v0, $0x5;
	_ =	sdelay $0x1  }
0x16: {  	(v2sf) =	vpush v0, $0x6  }
0x17: {  	s13 =	simm.s32 $0x100;
	s14 =	simm.s32 $0x200  }
0x18: {  	s15 =	simm.s32 $0x280;
	s16 =	simm.s32 $0x80;
	s17 =	simm.s32 $0x180;
	(v2sf) =	vpush v0, $0x7  }
0x19: {  	s18 =	simm.s32 $0x300;
	s12 =	simm.s32 $0x680;
	s11 =	simm.s32 $0x700  }
0x1a: {  	s19 =	simm.s32 $0x380;
	s20 =	simm.s32 $0x580;
	s21 =	simm.s32 $0x600;
	(v2sf) =	vpush v0, $0x8  }
0x1b: {  	s22 =	simm.s32 $0x480;
	s23 =	simm.s32 $0x500;
	s24 =	spop (v2sf)  }
0x1c: {  	s25 =	simm.s32 $0x400;
	(v2sf) =	vpush v0, $0x9;
	s24 =	sand.u32 $0x1FFFFFF0, s24;
	s26 =	spop (v2sf)  }
0x1d: {  	s24 =	sadd.s32 s3, s24;
	s26 =	sand.u32 $0x1FFFFFF0, s26;
	s28 =	spop (v2sf)  }
0x1e: {  	(v2sf) =	vpush v0, $0xA;
	[tilespmem:s16], [sflag:$0x1] =	stream.linear.gather [hbm4b:s24+s2], $0x80, $0x38;
	[tilespmem:$0x4080] =	vst v63  }
0x1f: {  	s26 =	sadd.s32 s3, s26;
	s28 =	sand.u32 $0x1FFFFFF0, s28;
	s29 =	spop (v2sf)  }
0x20: {  	(v2sf) =	vpush v0, $0xB;
	[tilespmem:s13], [sflag:$0x1] =	stream.linear.gather [hbm4b:s26+s2], $0x80, $0x38;
	[tilespmem:$0x4080] =	vst v63  }
0x21: {  	s30 =	sadd.s32 s3, s28;
	s31 =	sand.u32 $0x1FFFFFF0, s29;
	s0 =	spop (v2sf)  }
0x22: {  	(v2sf) =	vpush v0, $0xC;
	[tilespmem:s17], [sflag:$0x1] =	stream.linear.gather [hbm4b:s30+s2], $0x80, $0x38;
	[tilespmem:$0x4080] =	vst v63  }
0x23: {  	s16 =	sadd.s32 s3, s31;
	s24 =	spop (v2sf);
	s17 =	sand.u32 $0x1FFFFFF0, s0  }
0x24: {  	(v2sf) =	vpush v0, $0xD;
	[tilespmem:s14], [sflag:$0x1] =	stream.linear.gather [hbm4b:s16+s2], $0x80, $0x38;
	[tilespmem:$0x4080] =	vst v63  }
0x25: {  	s28 =	sand.u32 $0x1FFFFFF0, s24;
	s29 =	spop (v2sf);
	s26 =	sadd.s32 s3, s17  }
0x26: {  	(v2sf) =	vpush v0, $0xE;
	[tilespmem:s15], [sflag:$0x1] =	stream.linear.gather [hbm4b:s26+s2], $0x80, $0x38;
	[tilespmem:$0x4080] =	vst v63  }
0x27: {  	s30 =	sadd.s32 s3, s28;
	s31 =	sand.u32 $0x1FFFFFF0, s29;
	s0 =	spop (v2sf)  }
0x28: {  	(v2sf) =	vpush v0, $0xF;
	[tilespmem:s18], [sflag:$0x1] =	stream.linear.gather [hbm4b:s30+s2], $0x80, $0x38;
	[tilespmem:$0x4080] =	vst v63  }
0x29: {  	s17 =	spop (v2sf);
	s14 =	sadd.s32 s3, s31;
	s16 =	sand.u32 $0x1FFFFFF0, s0  }
0x2a: {  	[tilespmem:s19], [sflag:$0x1] =	stream.linear.gather [hbm4b:s14+s2], $0x80, $0x38;
	[tilespmem:$0x4080] =	vst v63  }
0x2b: {  	s18 =	sadd.s32 s3, s16;
	s19 =	sand.u32 $0x1FFFFFF0, s17;
	s24 =	spop (v2sf)  }
0x2c: {  	[tilespmem:s25], [sflag:$0x1] =	stream.linear.gather [hbm4b:s18+s2], $0x80, $0x38;
	[tilespmem:$0x4080] =	vst v63  }
0x2d: {  	s26 =	sadd.s32 s3, s19;
	s28 =	sand.u32 $0x1FFFFFF0, s24;
	s29 =	spop (v2sf)  }
0x2e: {  	[tilespmem:s22], [sflag:$0x1] =	stream.linear.gather [hbm4b:s26+s2], $0x80, $0x38;
	[tilespmem:$0x4080] =	vst v63  }
0x2f: {  	s30 =	sadd.s32 s3, s28;
	s31 =	sand.u32 $0x1FFFFFF0, s29;
	s0 =	spop (v2sf)  }
0x30: {  	[tilespmem:s23], [sflag:$0x1] =	stream.linear.gather [hbm4b:s30+s2], $0x80, $0x38;
	[tilespmem:$0x4080] =	vst v63  }
0x31: {  	s14 =	sadd.s32 s3, s31;
	s15 =	sand.u32 $0x1FFFFFF0, s0;
	s16 =	spop (v2sf)  }
0x32: {  	[tilespmem:s20], [sflag:$0x1] =	stream.linear.gather [hbm4b:s14+s2], $0x80, $0x38;
	[tilespmem:$0x4080] =	vst v63  }
0x33: {  	s17 =	sadd.s32 s3, s15;
	s18 =	sand.u32 $0x1FFFFFF0, s16;
	s19 =	spop (v2sf)  }
0x34: {  	[tilespmem:s21], [sflag:$0x1] =	stream.linear.gather [hbm4b:s17+s2], $0x80, $0x38;
	[tilespmem:$0x4080] =	vst v63  }
0x35: {  	s22 =	spop (v2sf);
	s20 =	sadd.s32 s3, s18;
	s21 =	sand.u32 $0x1FFFFFF0, s19  }
0x36: {  	[tilespmem:s12], [sflag:$0x1] =	stream.linear.gather [hbm4b:s20+s2], $0x80, $0x38;
	[tilespmem:$0x4080] =	vst v63  }
0x37: {  	s24 =	sand.u32 $0x1FFFFFF0, s22;
	s25 =	spop (v2sf);
	s23 =	sadd.s32 s3, s21  }
0x38: {  	[tilespmem:s11], [sflag:$0x1] =	stream.linear.gather [hbm4b:s23+s2], $0x80, $0x38;
	[tilespmem:$0x4080] =	vst v63  }
0x39: {  	s26 =	simm.s32 $0x780;
	s28 =	sadd.s32 s3, s24;
	s29 =	sand.u32 $0x1FFFFFF0, s25  }
0x3a: {  	[tilespmem:s26], [sflag:$0x1] =	stream.linear.gather [hbm4b:s28+s2], $0x80, $0x38;
	[tilespmem:$0x4080] =	vst v63  }
0x3b: {  	s30 =	simm.s32 $0x800;
	s31 =	sadd.s32 s3, s29  }
0x3c: {  	[tilespmem:s30], [sflag:$0x1] =	stream.linear.gather [hbm4b:s31+s2], $0x80, $0x38;
	[tilespmem:$0x4080] =	vst v63  }
0x3d: {  	_ =	swait.ge [sflag:s8], $0x80  }
0x3e: {  	[sflag:s8] =	ssyncset.done $0x0  }
0x3f: {  	[sflag:s8] =	ssyncadd.s32 $0xFFFFFF80  }
0x40: {  	_ =	swait.ge [sflag:s8], $0x80  }
0x41: {  	[sflag:s8] =	ssyncset.done $0x0  }
0x42: {  	[sflag:s8] =	ssyncadd.s32 $0xFFFFFF80  }
0x43: {  	_ =	swait.ge [sflag:s8], $0x80  }
0x44: {  	[sflag:s8] =	ssyncset.done $0x0  }
0x45: {  	[sflag:s8] =	ssyncadd.s32 $0xFFFFFF80  }
0x46: {  	_ =	swait.ge [sflag:s8], $0x80  }
0x47: {  	[sflag:s8] =	ssyncset.done $0x0  }
0x48: {  	[sflag:s8] =	ssyncadd.s32 $0xFFFFFF80  }
0x49: {  	_ =	swait.ge [sflag:s8], $0x80  }
0x4a: {  	[sflag:s8] =	ssyncset.done $0x0  }
0x4b: {  	[sflag:s8] =	ssyncadd.s32 $0xFFFFFF80  }
0x4c: {  	_ =	swait.ge [sflag:s8], $0x80  }
0x4d: {  	[sflag:s8] =	ssyncset.done $0x0  }
0x4e: {  	[sflag:s8] =	ssyncadd.s32 $0xFFFFFF80  }
0x4f: {  	_ =	swait.ge [sflag:s8], $0x80  }
0x50: {  	[sflag:s8] =	ssyncset.done $0x0  }
0x51: {  	[sflag:s8] =	ssyncadd.s32 $0xFFFFFF80  }
0x52: {  	_ =	swait.ge [sflag:s8], $0x80  }
0x53: {  	[sflag:s8] =	ssyncset.done $0x0  }
0x54: {  	[sflag:s8] =	ssyncadd.s32 $0xFFFFFF80  }
0x55: {  	_ =	swait.ge [sflag:s8], $0x80  }
0x56: {  	[sflag:s8] =	ssyncset.done $0x0  }
0x57: {  	[sflag:s8] =	ssyncadd.s32 $0xFFFFFF80  }
0x58: {  	_ =	swait.ge [sflag:s8], $0x80  }
0x59: {  	[sflag:s8] =	ssyncset.done $0x0  }
0x5a: {  	[sflag:s8] =	ssyncadd.s32 $0xFFFFFF80  }
0x5b: {  	_ =	swait.ge [sflag:s8], $0x80  }
0x5c: {  	[sflag:s8] =	ssyncset.done $0x0  }
0x5d: {  	[sflag:s8] =	ssyncadd.s32 $0xFFFFFF80  }
0x5e: {  	_ =	swait.ge [sflag:s8], $0x80  }
0x5f: {  	[sflag:s8] =	ssyncset.done $0x0  }
0x60: {  	[sflag:s8] =	ssyncadd.s32 $0xFFFFFF80  }
0x61: {  	_ =	swait.ge [sflag:s8], $0x80  }
0x62: {  	[sflag:s8] =	ssyncset.done $0x0  }
0x63: {  	[sflag:s8] =	ssyncadd.s32 $0xFFFFFF80  }
0x64: {  	s12 =	simm.s32 $0x0;
	s11 =	simm.s32 $0x2000;
	_ =	swait.ge [sflag:s8], $0x80  }
.LBB2_2:
0x65: {  	p0 =	sne.s32 s11, $0xE000;
	[sflag:s8] =	ssyncset.done $0x0;
	s12 =	sadd.s32 $0x10, s12  }
0x66: {  	s13 =	smov.u32 s11;
	s11 =	sadd.s32 $0x2000, s11;
	[sflag:s8] =	ssyncadd.s32 $0xFFFFFF80  }
0x67: {  	_ =	swait.ge [sflag:s8], $0x80  }
0x68: {  	[sflag:s8] =	ssyncset.done $0x0  }
0x69: {  	[sflag:s8] =	ssyncadd.s32 $0xFFFFFF80  }
0x6a: {  	_ =	swait.ge [sflag:s8], $0x80  }
0x6b: {  	[sflag:s8] =	ssyncset.done $0x0  }
0x6c: {  	[sflag:s8] =	ssyncadd.s32 $0xFFFFFF80  }
0x6d: {  	v0 =	vld [tilespmem:s12+$0x0];
	_ =	sdelay $0x4  }
0x6e: {  	v0 =	vshll.u32 v0, $0x4  }
0x6f: {  	(v2sf) =	vpush v0, $0x0  }
0x70: {  	(v2sf) =	vpush v0, $0x1  }
0x71: {  	(v2sf) =	vpush v0, $0x2;
	_ =	sdelay $0x1  }
0x72: {  	(v2sf) =	vpush v0, $0x3;
	_ =	sdelay $0x1  }
0x73: {  	(v2sf) =	vpush v0, $0x4;
	_ =	sdelay $0x1  }
0x74: {  	(v2sf) =	vpush v0, $0x5  }
0x75: {  	s13 =	sshra.s32 s13, $0x2  }
0x76: {  	s21 =	sadd.s32 $0x100, s13;
	s22 =	sadd.s32 $0x200, s13;
	s23 =	sadd.s32 $0x280, s13;
	(v2sf) =	vpush v0, $0x6  }
0x77: {  	s24 =	sadd.s32 $0x80, s13;
	s25 =	sadd.s32 $0x180, s13  }
0x78: {  	s26 =	sadd.s32 $0x300, s13;
	(v2sf) =	vpush v0, $0x7  }
0x79: {  	s16 =	sadd.s32 $0x680, s13;
	s15 =	sadd.s32 $0x700, s13;
	s14 =	sadd.s32 $0x800, s13  }
0x7a: {  	s28 =	sadd.s32 $0x380, s13;
	s18 =	sadd.s32 $0x580, s13;
	s17 =	sadd.s32 $0x600, s13;
	(v2sf) =	vpush v0, $0x8  }
0x7b: {  	s20 =	sadd.s32 $0x480, s13;
	s19 =	sadd.s32 $0x500, s13;
	s29 =	spop (v2sf)  }
0x7c: {  	s30 =	sadd.s32 $0x400, s13;
	s29 =	sand.u32 $0x1FFFFFF0, s29;
	s31 =	spop (v2sf);
	(v2sf) =	vpush v0, $0x9  }
0x7d: {  	s29 =	sadd.s32 s3, s29;
	s31 =	sand.u32 $0x1FFFFFF0, s31;
	s0 =	spop (v2sf)  }
0x7e: {  	[tilespmem:s24], [sflag:$0x1] =	stream.linear.gather [hbm4b:s29+s2], $0x80, $0x38;
	(v2sf) =	vpush v0, $0xA;
	[tilespmem:$0x4080] =	vst v63  }
0x7f: {  	s24 =	sadd.s32 s3, s31;
	s0 =	sand.u32 $0x1FFFFFF0, s0;
	s29 =	spop (v2sf)  }
0x80: {  	[tilespmem:s21], [sflag:$0x1] =	stream.linear.gather [hbm4b:s24+s2], $0x80, $0x38;
	(v2sf) =	vpush v0, $0xB;
	[tilespmem:$0x4080] =	vst v63  }
0x81: {  	s0 =	sadd.s32 s3, s0;
	s21 =	sand.u32 $0x1FFFFFF0, s29;
	s24 =	spop (v2sf)  }
0x82: {  	[tilespmem:s25], [sflag:$0x1] =	stream.linear.gather [hbm4b:s0+s2], $0x80, $0x38;
	(v2sf) =	vpush v0, $0xC;
	[tilespmem:$0x4080] =	vst v63  }
0x83: {  	s0 =	sadd.s32 s3, s21;
	s21 =	sand.u32 $0x1FFFFFF0, s24;
	s24 =	spop (v2sf)  }
0x84: {  	[tilespmem:s22], [sflag:$0x1] =	stream.linear.gather [hbm4b:s0+s2], $0x80, $0x38;
	(v2sf) =	vpush v0, $0xD;
	[tilespmem:$0x4080] =	vst v63  }
0x85: {  	s0 =	sadd.s32 s3, s21;
	s21 =	sand.u32 $0x1FFFFFF0, s24;
	s22 =	spop (v2sf)  }
0x86: {  	[tilespmem:s23], [sflag:$0x1] =	stream.linear.gather [hbm4b:s0+s2], $0x80, $0x38;
	(v2sf) =	vpush v0, $0xE;
	[tilespmem:$0x4080] =	vst v63  }
0x87: {  	s0 =	sadd.s32 s3, s21;
	s21 =	sand.u32 $0x1FFFFFF0, s22;
	s22 =	spop (v2sf)  }
0x88: {  	[tilespmem:s26], [sflag:$0x1] =	stream.linear.gather [hbm4b:s0+s2], $0x80, $0x38;
	(v2sf) =	vpush v0, $0xF;
	[tilespmem:$0x4080] =	vst v63  }
0x89: {  	s0 =	sadd.s32 s3, s21;
	s21 =	sand.u32 $0x1FFFFFF0, s22;
	s22 =	spop (v2sf)  }
0x8a: {  	[tilespmem:s28], [sflag:$0x1] =	stream.linear.gather [hbm4b:s0+s2], $0x80, $0x38;
	[tilespmem:$0x4080] =	vst v63  }
0x8b: {  	s0 =	sadd.s32 s3, s21;
	s21 =	sand.u32 $0x1FFFFFF0, s22;
	s22 =	spop (v2sf)  }
0x8c: {  	[tilespmem:s30], [sflag:$0x1] =	stream.linear.gather [hbm4b:s0+s2], $0x80, $0x38;
	[tilespmem:$0x4080] =	vst v63  }
0x8d: {  	s0 =	sadd.s32 s3, s21;
	s21 =	sand.u32 $0x1FFFFFF0, s22;
	s22 =	spop (v2sf)  }
0x8e: {  	[tilespmem:s20], [sflag:$0x1] =	stream.linear.gather [hbm4b:s0+s2], $0x80, $0x38;
	[tilespmem:$0x4080] =	vst v63  }
0x8f: {  	s0 =	sadd.s32 s3, s21;
	s20 =	sand.u32 $0x1FFFFFF0, s22;
	s21 =	spop (v2sf)  }
0x90: {  	[tilespmem:s19], [sflag:$0x1] =	stream.linear.gather [hbm4b:s0+s2], $0x80, $0x38;
	[tilespmem:$0x4080] =	vst v63  }
0x91: {  	s0 =	sadd.s32 s3, s20;
	s19 =	sand.u32 $0x1FFFFFF0, s21;
	s20 =	spop (v2sf)  }
0x92: {  	[tilespmem:s18], [sflag:$0x1] =	stream.linear.gather [hbm4b:s0+s2], $0x80, $0x38;
	[tilespmem:$0x4080] =	vst v63  }
0x93: {  	s0 =	sadd.s32 s3, s19;
	s18 =	sand.u32 $0x1FFFFFF0, s20;
	s19 =	spop (v2sf)  }
0x94: {  	[tilespmem:s17], [sflag:$0x1] =	stream.linear.gather [hbm4b:s0+s2], $0x80, $0x38;
	[tilespmem:$0x4080] =	vst v63  }
0x95: {  	s0 =	sadd.s32 s3, s18;
	s17 =	sand.u32 $0x1FFFFFF0, s19;
	s18 =	spop (v2sf)  }
0x96: {  	[tilespmem:s16], [sflag:$0x1] =	stream.linear.gather [hbm4b:s0+s2], $0x80, $0x38;
	[tilespmem:$0x4080] =	vst v63  }
0x97: {  	s0 =	sadd.s32 s3, s17;
	s16 =	sand.u32 $0x1FFFFFF0, s18;
	s17 =	spop (v2sf)  }
0x98: {  	[tilespmem:s15], [sflag:$0x1] =	stream.linear.gather [hbm4b:s0+s2], $0x80, $0x38;
	[tilespmem:$0x4080] =	vst v63  }
0x99: {  	s0 =	sadd.s32 $0x780, s13;
	s13 =	sadd.s32 s3, s16;
	s15 =	sand.u32 $0x1FFFFFF0, s17  }
0x9a: {  	[tilespmem:s0], [sflag:$0x1] =	stream.linear.gather [hbm4b:s13+s2], $0x80, $0x38;
	[tilespmem:$0x4080] =	vst v63  }
0x9b: {  	s0 =	sadd.s32 s3, s15  }
0x9c: {  	[tilespmem:s14], [sflag:$0x1] =	stream.linear.gather [hbm4b:s0+s2], $0x80, $0x38;
	[tilespmem:$0x4080] =	vst v63  }
0x9d: {  	_ =	swait.ge [sflag:s8], $0x80  }
0x9e: {  	[sflag:s8] =	ssyncset.done $0x0  }
0x9f: {  	[sflag:s8] =	ssyncadd.s32 $0xFFFFFF80  }
0xa0: {  	_ =	swait.ge [sflag:s8], $0x80  }
0xa1: {  	[sflag:s8] =	ssyncset.done $0x0  }
0xa2: {  	[sflag:s8] =	ssyncadd.s32 $0xFFFFFF80  }
0xa3: {  	_ =	swait.ge [sflag:s8], $0x80  }
0xa4: {  	[sflag:s8] =	ssyncset.done $0x0  }
0xa5: {  	[sflag:s8] =	ssyncadd.s32 $0xFFFFFF80  }
0xa6: {  	_ =	swait.ge [sflag:s8], $0x80  }
0xa7: {  	[sflag:s8] =	ssyncset.done $0x0  }
0xa8: {  	[sflag:s8] =	ssyncadd.s32 $0xFFFFFF80  }
0xa9: {  	_ =	swait.ge [sflag:s8], $0x80  }
0xaa: {  	[sflag:s8] =	ssyncset.done $0x0  }
0xab: {  	[sflag:s8] =	ssyncadd.s32 $0xFFFFFF80  }
0xac: {  	_ =	swait.ge [sflag:s8], $0x80  }
0xad: {  	[sflag:s8] =	ssyncset.done $0x0  }
0xae: {  	[sflag:s8] =	ssyncadd.s32 $0xFFFFFF80  }
0xaf: {  	_ =	swait.ge [sflag:s8], $0x80  }
0xb0: {  	[sflag:s8] =	ssyncset.done $0x0  }
0xb1: {  	[sflag:s8] =	ssyncadd.s32 $0xFFFFFF80  }
0xb2: {  	_ =	swait.ge [sflag:s8], $0x80  }
0xb3: {  	[sflag:s8] =	ssyncset.done $0x0  }
0xb4: {  	[sflag:s8] =	ssyncadd.s32 $0xFFFFFF80  }
0xb5: {  	_ =	swait.ge [sflag:s8], $0x80  }
0xb6: {  	[sflag:s8] =	ssyncset.done $0x0  }
0xb7: {  	[sflag:s8] =	ssyncadd.s32 $0xFFFFFF80  }
0xb8: {  	_ =	swait.ge [sflag:s8], $0x80  }
0xb9: {  	[sflag:s8] =	ssyncset.done $0x0  }
0xba: {  	[sflag:s8] =	ssyncadd.s32 $0xFFFFFF80  }
0xbb: {  	_ =	swait.ge [sflag:s8], $0x80  }
0xbc: {  	[sflag:s8] =	ssyncset.done $0x0  }
0xbd: {  	[sflag:s8] =	ssyncadd.s32 $0xFFFFFF80  }
0xbe: {  	_ =	swait.ge [sflag:s8], $0x80  }
0xbf: {  	[sflag:s8] =	ssyncset.done $0x0  }
.Ltmp0:
0xc0: {  	[sflag:s8] =	ssyncadd.s32 $0xFFFFFF80;
	(pc) =	sbr.rel @p0 .LBB2_2-.Ltmp0, $4  }
0xc1: {  	_ =	swait.ge [sflag:s8], $0x80  }
0xc2: {  	[sflag:s8] =	ssyncset.done $0x0  }
0xc3: {  	[sflag:s8] =	ssyncadd.s32 $0xFFFFFF80  }
0xc4: {  	_ =	swait.ge [sflag:s8], $0x80  }
0xc5: {  	[sflag:s8] =	ssyncset.done $0x0  }
0xc6: {  	[sflag:s8] =	ssyncadd.s32 $0xFFFFFF80  }
0xc7: {  	_ =	swait.ge [sflag:s8], $0x80  }
0xc8: {  	[sflag:s8] =	ssyncset.done $0x0  }
0xc9: {  	[sflag:s8] =	ssyncadd.s32 $0xFFFFFF80  }
0xca: {  	s10 =	sadd.s32 $0x1, s10;
	_ =	swait.ge [sflag:s8], $0x80  }
0xcb: {  	p0 =	sne.s32 s10, s6;
	[sflag:s8] =	ssyncset.done $0x0  }
.Ltmp1:
0xcc: {  	[sflag:s8] =	ssyncadd.s32 $0xFFFFFF80;
	(pc) =	sbr.rel @p0 .LBB2_1-.Ltmp1, $4  }
0xcd: {  	[hbm4b:s5+s2] =	stream.linear.scatter [tilespmem:s9], [sflag:$0x2], $0x4000, $0x38;
	[tilespmem:$0x4080] =	vst v63  }
0xce: {  	_ =	swait.ge [sflag:s7], $0x4000  }
0xcf: {  	[sflag:s7] =	ssyncset.done $0x0  }
0xd0: {  	[sflag:s7] =	ssyncadd.s32 $0xFFFFC000  }
0xd1: {  	_ =	sfence.sel $0x180000  }
0xd2: {  	[bflag:$0x0] =	sbarrier.arrive $0xFFFF  }
0xd3: {  	_ =	strace $0x9000004D  }
0xd4: {  	[bflag:$0x2] =	sbarrier.arrive $0xFFFF  }
0xd5: {  	p0 =	sne.s32 s1, $0x0;
	s0 =	rddreg [dreg:$0x2]  }
0xd6: {  	s0 =	sadd.s32 @!p0 $0x100000, s0  }
0xd7: {  	[sflag:s0] =	ssyncadd.tile.s32 @!p0 $0x1;
	_ =	shalt  }
.Lfunc_end2:
_tile_overlayer_lowered:
.L_overlay_start_2:
0xd8: {  	(tag) =	ssettag $0x2  }
0xd9: {  	s0 =	rddreg [dreg:$0x0];
	s2 =	stileid.u32  }
0xda: {  	s1 =	rddreg [dreg:$0x1];
	p0 =	sne.s32 s2, $0x0  }
0xdb: {  	s3 =	rddreg [dreg:$0x2];
	[bflag:$0x3] =	sbarrier.arrive $0xFFFF;
	s2 =	simm.s32 @!p0 $0x1C02  }
0xdc: {  	[timem:s3], [sflag:s2] =	dma.local @!p0 [hbm:s0], s1  }
0xdd: {  	s0 =	simm.s32 @!p0 $0x2  }
0xde: {  	_ =	swait.ge @!p0 [sflag:s0], s1  }
0xdf: {  	s1 =	ssub.s32 @!p0 $0x0, s1;
	[sflag:s0] =	ssyncset.done @!p0 $0x0  }
0xe0: {  	[sflag:s0] =	ssyncadd.s32 @!p0 s1  }
0xe1: {  	[bflag:$0x3] =	sbarrier.arrive $0xFFFF  }
0xe2: {  	_ =	shalt  }

</sc_bundles>
